<compile_context>
chip_gen: v7x
topology: tpu7x:2x2x1
jax: 0.10.2.dev20260603
libtpu: 0.0.44.dev20260713+nightly
codegen_flags: <defaults>
</compile_context>

<pallas_src>
import functools

import jax
import jax.numpy as jnp
from jax import lax
from jax.experimental import pallas as pl
from jax.experimental.pallas import tpu as pltpu
from jax.experimental.pallas import tpu_sc as plsc

TM = 256
TN_A = 1408
TN_B = 1024
NW = 32
SC_LANES = 16



def _ffn_a_body(xs_ref, wg_ref, wu_ref, out_ref, *, stacked):
    xb = xs_ref[...].astype(jnp.bfloat16)
    wg = (wg_ref[0] if stacked else wg_ref[...]).astype(jnp.bfloat16)
    wu = (wu_ref[0] if stacked else wu_ref[...]).astype(jnp.bfloat16)
    g = jnp.dot(xb, wg, preferred_element_type=jnp.float32)
    u = jnp.dot(xb, wu, preferred_element_type=jnp.float32)
    out_ref[...] = (g * jax.nn.sigmoid(g) * u).astype(jnp.bfloat16)


def _gemm_a_body(te_ref, xs_ref, wg_ref, wu_ref, out_ref):
    _ffn_a_body(xs_ref, wg_ref, wu_ref, out_ref, stacked=True)


def _shared_a_body(xs_ref, wg_ref, wu_ref, out_ref):
    _ffn_a_body(xs_ref, wg_ref, wu_ref, out_ref, stacked=False)


def _gemm_b_body(te_ref, act_ref, wd_ref, ws_ref, out_ref):
    wd = wd_ref[0].astype(jnp.bfloat16)
    y = jnp.dot(act_ref[...], wd, preferred_element_type=jnp.float32)
    out_ref[...] = y * ws_ref[...]


def _shared_b_body(act_ref, wd_ref, out_ref):
    wd = wd_ref[...].astype(jnp.bfloat16)
    out_ref[...] = jnp.dot(act_ref[...], wd, preferred_element_type=jnp.float32)


def _shared_ffn(x, wg, wu, wd):
    n, h = x.shape
    i_dim = wg.shape[1]
    act = pl.pallas_call(
        _shared_a_body,
        grid=(i_dim // TN_A, n // TM),
        in_specs=[
            pl.BlockSpec((TM, h), lambda j, m: (m, 0)),
            pl.BlockSpec((h, TN_A), lambda j, m: (0, j)),
            pl.BlockSpec((h, TN_A), lambda j, m: (0, j)),
        ],
        out_specs=pl.BlockSpec((TM, TN_A), lambda j, m: (m, j)),
        out_shape=jax.ShapeDtypeStruct((n, i_dim), jnp.bfloat16),
    )(x, wg, wu)
    return pl.pallas_call(
        _shared_b_body,
        grid=(h // TN_B, n // TM),
        in_specs=[
            pl.BlockSpec((TM, i_dim), lambda j, m: (m, 0)),
            pl.BlockSpec((i_dim, TN_B), lambda j, m: (0, j)),
        ],
        out_specs=pl.BlockSpec((TM, TN_B), lambda j, m: (m, j)),
        out_shape=jax.ShapeDtypeStruct((n, h), jnp.float32),
    )(act, wd)


def _routed_ffn(xs, wg, wu, wd, w_slot, tile_expert):
    s_rt, h = xs.shape
    i_dim = wg.shape[2]
    mt = s_rt // TM

    act = pl.pallas_call(
        _gemm_a_body,
        grid_spec=pltpu.PrefetchScalarGridSpec(
            num_scalar_prefetch=1,
            grid=(i_dim // TN_A, mt),
            in_specs=[
                pl.BlockSpec((TM, h), lambda n, m, te: (m, 0)),
                pl.BlockSpec((1, h, TN_A), lambda n, m, te: (te[m], 0, n)),
                pl.BlockSpec((1, h, TN_A), lambda n, m, te: (te[m], 0, n)),
            ],
            out_specs=pl.BlockSpec((TM, TN_A), lambda n, m, te: (m, n)),
        ),
        out_shape=jax.ShapeDtypeStruct((s_rt, i_dim), jnp.bfloat16),
    )(tile_expert, xs, wg, wu)

    return pl.pallas_call(
        _gemm_b_body,
        grid_spec=pltpu.PrefetchScalarGridSpec(
            num_scalar_prefetch=1,
            grid=(h // TN_B, mt),
            in_specs=[
                pl.BlockSpec((TM, i_dim), lambda n, m, te: (m, 0)),
                pl.BlockSpec((1, i_dim, TN_B), lambda n, m, te: (te[m], 0, n)),
                pl.BlockSpec((TM, 1), lambda n, m, te: (m, 0)),
            ],
            out_specs=pl.BlockSpec((TM, TN_B), lambda n, m, te: (m, n)),
        ),
        out_shape=jax.ShapeDtypeStruct((s_rt, h), jnp.float32),
    )(tile_expert, act, wd, w_slot)



def _sc_gather(x, row_id, s_rt):
    n, h = x.shape
    bpw = s_rt // NW
    chunk = 24
    nch = bpw // chunk
    depth = 2
    mesh = plsc.VectorSubcoreMesh(core_axis_name="c", subcore_axis_name="s")

    @functools.partial(
        pl.kernel, mesh=mesh,
        out_type=jax.ShapeDtypeStruct((s_rt, h), jnp.float32),
        scratch_types=(
            [pltpu.VMEM((bpw,), jnp.int32)]
            + [pltpu.VMEM((chunk, h), jnp.float32)] * depth
            + [pltpu.SemaphoreType.DMA] * (2 * depth)
        ),
    )
    def k(x_hbm, idx_hbm, out_hbm, idx_v, *bufs):
        rows = bufs[:depth]
        gsem = bufs[depth:2 * depth]
        wsem = bufs[2 * depth:]
        wid = lax.axis_index("s") * 2 + lax.axis_index("c")
        base = wid * bpw
        pltpu.sync_copy(idx_hbm.at[pl.ds(base, bpw)], idx_v)
        gh = [None] * nch
        wh = [None] * nch

        def start_gather(c):
            gh[c] = pltpu.async_copy(
                x_hbm.at[idx_v.at[pl.ds(c * chunk, chunk)]],
                rows[c % depth], gsem[c % depth])

        for s in range(min(depth - 1, nch)):
            start_gather(s)
        for c in range(nch):
            s = c + depth - 1
            if s < nch:
                if s - depth >= 0:
                    wh[s - depth].wait()
                start_gather(s)
            gh[c].wait()
            wh[c] = pltpu.async_copy(
                rows[c % depth], out_hbm.at[pl.ds(base + c * chunk, chunk)],
                wsem[c % depth])
        for c in range(max(0, nch - depth), nch):
            wh[c].wait()

    return k(x, row_id)


def _sc_combine(ys_s, ys_rt, pos2):
    n, h = ys_s.shape
    tpw = n // NW
    chunk = 16
    nch = tpw // chunk
    mesh = plsc.VectorSubcoreMesh(core_axis_name="c", subcore_axis_name="s")

    @functools.partial(
        pl.kernel, mesh=mesh,
        out_type=jax.ShapeDtypeStruct((n, h), jnp.float32),
        scratch_types=[
            pltpu.VMEM((2 * tpw,), jnp.int32),
            pltpu.VMEM((2 * chunk, h), jnp.float32),
            pltpu.VMEM((2 * chunk, h), jnp.float32),
            pltpu.VMEM((chunk, h), jnp.float32),
            pltpu.VMEM((chunk, h), jnp.float32),
            pltpu.SemaphoreType.DMA,
            pltpu.SemaphoreType.DMA,
            pltpu.SemaphoreType.DMA,
            pltpu.SemaphoreType.DMA,
            pltpu.SemaphoreType.DMA,
            pltpu.SemaphoreType.DMA,
        ],
    )
    def k(yss_hbm, ysr_hbm, p2_hbm, out_hbm, idx_v, rows0, rows1, out0, out1,
          gr0, gr1, ln0, ln1, wb0, wb1):
        wid = lax.axis_index("s") * 2 + lax.axis_index("c")
        tbase = wid * tpw
        pltpu.sync_copy(p2_hbm.at[pl.ds(2 * tbase, 2 * tpw)], idx_v)
        rows = (rows0, rows1)
        outs = (out0, out1)
        grs = (gr0, gr1)
        lns = (ln0, ln1)
        wbs = (wb0, wb1)
        gh = [None] * nch
        lh = [None] * nch
        wh = [None] * nch

        def start(c):
            gh[c] = pltpu.async_copy(
                ysr_hbm.at[idx_v.at[pl.ds(c * 2 * chunk, 2 * chunk)]],
                rows[c % 2], grs[c % 2])
            lh[c] = pltpu.async_copy(
                yss_hbm.at[pl.ds(tbase + c * chunk, chunk)],
                outs[c % 2], lns[c % 2])

        start(0)
        for c in range(nch):
            if c + 1 < nch:
                if c >= 1:
                    wh[c - 1].wait()
                start(c + 1)
            gh[c].wait()
            lh[c].wait()
            rows_v = rows[c % 2]
            out_v = outs[c % 2]

            def tok(j, carry2):
                def vec(v, carry3):
                    sl = pl.ds(v * SC_LANES, SC_LANES)
                    out_v[j, sl] = (out_v[j, sl] + rows_v[2 * j, sl]
                                    + rows_v[2 * j + 1, sl])
                    return carry3
                return lax.fori_loop(0, h // SC_LANES, vec, carry2)

            lax.fori_loop(0, chunk, tok, 0)
            wh[c] = pltpu.async_copy(
                out_v, out_hbm.at[pl.ds(tbase + c * chunk, chunk)],
                wbs[c % 2])
        wh[nch - 2].wait()
        wh[nch - 1].wait()

    return k(ys_s, ys_rt, pos2)



def kernel(x, Wg_s, Wu_s, Wd_s, Wg, Wu, Wd, Wr, rbias):
    n, h = x.shape
    e_routed = Wg.shape[0]
    top_k = 2

    logits = x @ Wr + rbias
    eids = jnp.arange(e_routed, dtype=jnp.int32)
    s0 = jnp.max(logits, axis=1)
    i0 = jnp.argmax(logits, axis=1).astype(jnp.int32)
    l2 = jnp.where(eids[None, :] == i0[:, None], -jnp.inf, logits)
    s1 = jnp.max(l2, axis=1)
    i1 = jnp.argmax(l2, axis=1).astype(jnp.int32)
    w0 = jax.nn.sigmoid(s0 - s1)
    w1 = 1.0 - w0

    mask = (i0[:, None] == eids[None, :]) | (i1[:, None] == eids[None, :])
    mi = mask.astype(jnp.int32)
    ranks = jnp.cumsum(mi, axis=0) - mi
    counts = ranks[-1] + mi[-1]
    cnt_pad = ((counts + TM - 1) // TM) * TM
    starts = jnp.concatenate(
        [jnp.zeros((1,), jnp.int32), jnp.cumsum(cnt_pad)[:-1].astype(jnp.int32)])
    s_rt = n * top_k + e_routed * TM
    mt = s_rt // TM

    pos = starts[None, :] + ranks
    pos0 = jnp.sum(jnp.where(eids[None, :] == i0[:, None], pos, 0), axis=1)
    pos1 = jnp.sum(jnp.where(eids[None, :] == i1[:, None], pos, 0), axis=1)
    pos2 = jnp.stack([pos0, pos1], axis=1).reshape(-1).astype(jnp.int32)
    tok2 = jnp.repeat(jnp.arange(n, dtype=jnp.int32), top_k)
    w2 = jnp.stack([w0, w1], axis=1).reshape(-1)
    row_id = jnp.zeros((s_rt,), jnp.int32).at[pos2].set(tok2)
    w_slot = jnp.zeros((s_rt,), x.dtype).at[pos2].set(w2)[:, None]

    ends = (starts + cnt_pad).astype(jnp.int32)
    tile_off = jnp.arange(mt, dtype=jnp.int32) * TM
    tile_expert = jnp.minimum(
        jnp.sum((tile_off[:, None] >= ends[None, :]).astype(jnp.int32), axis=1),
        e_routed - 1).astype(jnp.int32)

    xs = _sc_gather(x, row_id, s_rt)
    ys_s = _shared_ffn(x, Wg_s, Wu_s, Wd_s)
    ys_rt = _routed_ffn(xs, Wg, Wu, Wd, w_slot, tile_expert)

    return _sc_combine(ys_s, ys_rt, pos2)

# --- scband reference (transcript-rebuilt; emitter-appended) ---
"""Pipeline reference for scband-llama-mlp-13469017441058 (READ-ONLY COPY).

The authoritative reference and input builder live on the scoring server;
editing this copy changes nothing except your own understanding.
"""

import jax, jax.numpy as jnp
import numpy as np

N = 4096          # tokens (batch 2 * seq 2048)
H = 1024          # hidden_size
I = 2816          # intermediate_size
E_ROUTED = 7      # num_experts - num_shared_experts
TOP_K = 2


def setup_inputs(seed: int = 0) -> dict:
    key = jax.random.key(seed)
    ks = jax.random.split(key, 10)
    s = 0.02
    x = jax.random.normal(ks[0], (N, H), dtype=jnp.float32)
    # shared expert (1)
    Wg_s = jax.random.normal(ks[1], (H, I), dtype=jnp.float32) * s
    Wu_s = jax.random.normal(ks[2], (H, I), dtype=jnp.float32) * s
    Wd_s = jax.random.normal(ks[3], (I, H), dtype=jnp.float32) * s
    # routed experts (stacked)
    Wg = jax.random.normal(ks[4], (E_ROUTED, H, I), dtype=jnp.float32) * s
    Wu = jax.random.normal(ks[5], (E_ROUTED, H, I), dtype=jnp.float32) * s
    Wd = jax.random.normal(ks[6], (E_ROUTED, I, H), dtype=jnp.float32) * s
    # router
    Wr = jax.random.normal(ks[7], (H, E_ROUTED), dtype=jnp.float32) * s
    rbias = jnp.zeros((E_ROUTED,), dtype=jnp.float32)
    return {"x": x, "Wg_s": Wg_s, "Wu_s": Wu_s, "Wd_s": Wd_s,
            "Wg": Wg, "Wu": Wu, "Wd": Wd, "Wr": Wr, "rbias": rbias}


def _silu(z):
    return z * jax.nn.sigmoid(z)


def reference(x, Wg_s, Wu_s, Wd_s, Wg, Wu, Wd, Wr, rbias):
    # shared expert output (num_shared_experts == 1, so no averaging)
    shared = (_silu(x @ Wg_s) * (x @ Wu_s)) @ Wd_s
    # routing
    logits = x @ Wr + rbias
    probs = jax.nn.softmax(logits, axis=-1)
    scores, indices = jax.lax.top_k(probs, TOP_K)            # [N, k]
    scores = scores / jnp.sum(scores, axis=-1, keepdims=True)
    # per-expert combine weight: sum of normalized scores over top-k slots routed to expert e
    onehot = jax.nn.one_hot(indices, E_ROUTED, dtype=x.dtype)  # [N, k, E]
    w = jnp.einsum('nk,nke->ne', scores, onehot)               # [N, E]
    # routed expert outputs (dense over experts; math identical to masked dispatch)
    g = jnp.einsum('nh,ehi->nei', x, Wg)
    u = jnp.einsum('nh,ehi->nei', x, Wu)
    eo = jnp.einsum('nei,eih->neh', _silu(g) * u, Wd)          # [N, E, H]
    combined = jnp.einsum('ne,neh->nh', w, eo)
    return shared + combined


if False:  # reference __main__ guard neutralized (emitter)
    out = reference(**setup_inputs())
    print(out.shape, out.dtype)

if __name__ == "__main__":
    import jax
    _d = setup_inputs()
    print(jax.jit(kernel)(*tuple(_d.values())))

</pallas_src>

<mosaic_0001>
#map = affine_map<(d0, d1) -> (0, 0)>
#map1 = affine_map<(d0, d1) -> (0)>
module attributes {stable_mosaic.version = 14 : i64} {
  func.func @k(%arg0: i32, %arg1: i32, %arg2: memref<4096x1024xf32, #tpu.memory_space<hbm>>, %arg3: memref<9984x1024xf32, #tpu.memory_space<hbm>>, %arg4: memref<8192xi32, #tpu.memory_space<hbm>>, %arg5: memref<4096x1024xf32, #tpu.memory_space<hbm>>, %arg6: memref<256xi32, #tpu.memory_space<vmem>>, %arg7: memref<32x1024xf32, #tpu.memory_space<vmem>>, %arg8: memref<32x1024xf32, #tpu.memory_space<vmem>>, %arg9: memref<16x1024xf32, #tpu.memory_space<vmem>>, %arg10: memref<16x1024xf32, #tpu.memory_space<vmem>>, %arg11: memref<!tpu.dma_semaphore, #tpu.memory_space<semaphore_mem>>, %arg12: memref<!tpu.dma_semaphore, #tpu.memory_space<semaphore_mem>>, %arg13: memref<!tpu.dma_semaphore, #tpu.memory_space<semaphore_mem>>, %arg14: memref<!tpu.dma_semaphore, #tpu.memory_space<semaphore_mem>>, %arg15: memref<!tpu.dma_semaphore, #tpu.memory_space<semaphore_mem>>, %arg16: memref<!tpu.dma_semaphore, #tpu.memory_space<semaphore_mem>>) attributes {dimension_semantics = [#tpu.dimension_semantics<core_parallel>, #tpu.dimension_semantics<subcore_parallel>], iteration_bounds = array<i64: 2, 16>, scalar_prefetch = 0 : i64, scratch_operands = 11 : i64, tpu.core_type = #tpu.core_type<sc_vector_subcore>, window_params = [{transform_indices = #map}, {transform_indices = #map}, {transform_indices = #map1}, {transform_indices = #map}]} {
    %mul3A = arith.constant 2 : i32
    %mul3A_0 = arith.muli %arg1, %mul3A : i32
    %add3A = arith.addi %mul3A_0, %arg0 : i32
    %mul3A_1 = arith.constant 128 : i32
    %mul3A_2 = arith.muli %add3A, %mul3A_1 : i32
    %mul3A_3 = arith.constant 2 : i32
    %mul3A_4 = arith.muli %mul3A_3, %mul3A_2 : i32
    "tpu.region"() ({
      %run_scoped3A = tpu.sem_alloc : memref<!tpu.dma_semaphore, #tpu.memory_space<semaphore_mem>>
      %dma_start3A_290 = tpu.memref_slice %arg4[%mul3A_4] : memref<8192xi32, #tpu.memory_space<hbm>> -> memref<256xi32, #tpu.memory_space<hbm>>
      %dma_start3A_291 = tpu.memref_slice %arg4[%mul3A_4] : memref<8192xi32, #tpu.memory_space<hbm>> -> memref<256xi32, #tpu.memory_space<hbm>>
      tpu.enqueue_dma source(%dma_start3A_291 : memref<256xi32, #tpu.memory_space<hbm>>) target(%arg6 : memref<256xi32, #tpu.memory_space<vmem>>) target_semaphore(%run_scoped3A : memref<!tpu.dma_semaphore, #tpu.memory_space<semaphore_mem>>)
      %dma_wait3A_292 = tpu.memref_slice %arg4[%mul3A_4] : memref<8192xi32, #tpu.memory_space<hbm>> -> memref<256xi32, #tpu.memory_space<hbm>>
      %dma_wait3A_293 = tpu.memref_slice %arg4[%mul3A_4] : memref<8192xi32, #tpu.memory_space<hbm>> -> memref<256xi32, #tpu.memory_space<hbm>>
      tpu.wait_dma2 semaphore(%run_scoped3A : memref<!tpu.dma_semaphore, #tpu.memory_space<semaphore_mem>>) src(%dma_wait3A_293 : memref<256xi32, #tpu.memory_space<hbm>>) dst(%arg6 : memref<256xi32, #tpu.memory_space<vmem>>)
      tpu.yield
    }) : () -> ()
    %dma_start3A = arith.constant 0 : i32
    %dma_start3A_5 = tpu.memref_slice %arg6[%dma_start3A] : memref<256xi32, #tpu.memory_space<vmem>> -> memref<32xi32, #tpu.memory_space<vmem>>
    %dma_start3A_6 = arith.constant 0 : i32
    %dma_start3A_7 = arith.constant 0 : i32
    %dma_start3A_8 = tpu.memref_slice %arg3[%dma_start3A_6, %dma_start3A_7] : memref<9984x1024xf32, #tpu.memory_space<hbm>> -> memref<9984x1024xf32, #tpu.memory_space<hbm>>
    tpu.enqueue_indirect_dma source(%dma_start3A_8 : memref<9984x1024xf32, #tpu.memory_space<hbm>>) target(%arg7 : memref<32x1024xf32, #tpu.memory_space<vmem>>) offsets(%dma_start3A_5 : memref<32xi32, #tpu.memory_space<vmem>>) semaphore(%arg11 : memref<!tpu.dma_semaphore, #tpu.memory_space<semaphore_mem>>)
    %add3A_9 = arith.constant 0 : i32
    %add3A_10 = arith.addi %mul3A_2, %add3A_9 : i32
    %dma_start3A_11 = arith.constant 0 : i32
    %dma_start3A_12 = tpu.memref_slice %arg2[%add3A_10, %dma_start3A_11] : memref<4096x1024xf32, #tpu.memory_space<hbm>> -> memref<16x1024xf32, #tpu.memory_space<hbm>>
    %dma_start3A_13 = arith.constant 0 : i32
    %dma_start3A_14 = tpu.memref_slice %arg2[%add3A_10, %dma_start3A_13] : memref<4096x1024xf32, #tpu.memory_space<hbm>> -> memref<16x1024xf32, #tpu.memory_space<hbm>>
    tpu.enqueue_dma source(%dma_start3A_14 : memref<16x1024xf32, #tpu.memory_space<hbm>>) target(%arg9 : memref<16x1024xf32, #tpu.memory_space<vmem>>) target_semaphore(%arg13 : memref<!tpu.dma_semaphore, #tpu.memory_space<semaphore_mem>>)
    %dma_start3A_15 = arith.constant 32 : i32
    %dma_start3A_16 = tpu.memref_slice %arg6[%dma_start3A_15] : memref<256xi32, #tpu.memory_space<vmem>> -> memref<32xi32, #tpu.memory_space<vmem>>
    %dma_start3A_17 = arith.constant 0 : i32
    %dma_start3A_18 = arith.constant 0 : i32
    %dma_start3A_19 = tpu.memref_slice %arg3[%dma_start3A_17, %dma_start3A_18] : memref<9984x1024xf32, #tpu.memory_space<hbm>> -> memref<9984x1024xf32, #tpu.memory_space<hbm>>
    tpu.enqueue_indirect_dma source(%dma_start3A_19 : memref<9984x1024xf32, #tpu.memory_space<hbm>>) target(%arg8 : memref<32x1024xf32, #tpu.memory_space<vmem>>) offsets(%dma_start3A_16 : memref<32xi32, #tpu.memory_space<vmem>>) semaphore(%arg12 : memref<!tpu.dma_semaphore, #tpu.memory_space<semaphore_mem>>)
    %add3A_20 = arith.constant 16 : i32
    %add3A_21 = arith.addi %mul3A_2, %add3A_20 : i32
    %dma_start3A_22 = arith.constant 0 : i32
    %dma_start3A_23 = tpu.memref_slice %arg2[%add3A_21, %dma_start3A_22] : memref<4096x1024xf32, #tpu.memory_space<hbm>> -> memref<16x1024xf32, #tpu.memory_space<hbm>>
    %dma_start3A_24 = arith.constant 0 : i32
    %dma_start3A_25 = tpu.memref_slice %arg2[%add3A_21, %dma_start3A_24] : memref<4096x1024xf32, #tpu.memory_space<hbm>> -> memref<16x1024xf32, #tpu.memory_space<hbm>>
    tpu.enqueue_dma source(%dma_start3A_25 : memref<16x1024xf32, #tpu.memory_space<hbm>>) target(%arg10 : memref<16x1024xf32, #tpu.memory_space<vmem>>) target_semaphore(%arg14 : memref<!tpu.dma_semaphore, #tpu.memory_space<semaphore_mem>>)
    %dma_wait3A = arith.constant 0 : i32
    %dma_wait3A_26 = tpu.memref_slice %arg6[%dma_wait3A] : memref<256xi32, #tpu.memory_space<vmem>> -> memref<32xi32, #tpu.memory_space<vmem>>
    %dma_wait3A_27 = arith.constant 0 : i32
    %dma_wait3A_28 = arith.constant 0 : i32
    %dma_wait3A_29 = tpu.memref_slice %arg3[%dma_wait3A_27, %dma_wait3A_28] : memref<9984x1024xf32, #tpu.memory_space<hbm>> -> memref<9984x1024xf32, #tpu.memory_space<hbm>>
    tpu.wait_indirect_dma semaphore(%arg11 : memref<!tpu.dma_semaphore, #tpu.memory_space<semaphore_mem>>) src(%dma_wait3A_29 : memref<9984x1024xf32, #tpu.memory_space<hbm>>) dst(%arg7 : memref<32x1024xf32, #tpu.memory_space<vmem>>)
    %dma_wait3A_30 = arith.constant 0 : i32
    %dma_wait3A_31 = tpu.memref_slice %arg2[%add3A_10, %dma_wait3A_30] : memref<4096x1024xf32, #tpu.memory_space<hbm>> -> memref<16x1024xf32, #tpu.memory_space<hbm>>
    %dma_wait3A_32 = arith.constant 0 : i32
    %dma_wait3A_33 = tpu.memref_slice %arg2[%add3A_10, %dma_wait3A_32] : memref<4096x1024xf32, #tpu.memory_space<hbm>> -> memref<16x1024xf32, #tpu.memory_space<hbm>>
    tpu.wait_dma2 semaphore(%arg13 : memref<!tpu.dma_semaphore, #tpu.memory_space<semaphore_mem>>) src(%dma_wait3A_33 : memref<16x1024xf32, #tpu.memory_space<hbm>>) dst(%arg9 : memref<16x1024xf32, #tpu.memory_space<vmem>>)
    %scan3A = arith.constant 0 : i32
    %scan3A_34 = arith.constant 0 : i32
    %scan3A_35 = arith.constant 16 : i32
    %scan3A_36 = arith.addi %scan3A_34, %scan3A_35 : i32
    %scan3A_37 = arith.constant 1 : i32
    scf.for %scan3A_290 = %scan3A_34 to %scan3A_36 step %scan3A_37  : i32 {
      %scan3A_291 = arith.constant 0 : i32
      %scan3A_292 = arith.constant 64 : i32
      %scan3A_293 = arith.addi %scan3A_291, %scan3A_292 : i32
      %scan3A_294 = arith.constant 1 : i32
      scf.for %scan3A_296 = %scan3A_291 to %scan3A_293 step %scan3A_294  : i32 {
        %mul3A_297 = arith.constant 16 : i32
        %mul3A_298 = arith.muli %scan3A_296, %mul3A_297 : i32
        %get3A = arith.index_cast %scan3A_290 : i32 to index
        %get3A_299 = arith.index_cast %mul3A_298 : i32 to index
        %get3A_300 = tpu.vector_load %arg9[%get3A, %get3A_299] {strides = array<i32>} : memref<16x1024xf32, #tpu.memory_space<vmem>>, vector<1x16xf32>,
        %get3A_301 = vector.shape_cast %get3A_300 : vector<1x16xf32> to vector<16xf32>
        %mul3A_302 = arith.constant 2 : i32
        %mul3A_303 = arith.muli %mul3A_302, %scan3A_290 : i32
        %get3A_304 = arith.index_cast %mul3A_303 : i32 to index
        %get3A_305 = arith.index_cast %mul3A_298 : i32 to index
        %get3A_306 = tpu.vector_load %arg7[%get3A_304, %get3A_305] {strides = array<i32>} : memref<32x1024xf32, #tpu.memory_space<vmem>>, vector<1x16xf32>,
        %get3A_307 = vector.shape_cast %get3A_306 : vector<1x16xf32> to vector<16xf32>
        %add3A_308 = arith.addf %get3A_301, %get3A_307 : vector<16xf32>
        %mul3A_309 = arith.constant 2 : i32
        %mul3A_310 = arith.muli %mul3A_309, %scan3A_290 : i32
        %add3A_311 = arith.constant 1 : i32
        %add3A_312 = arith.addi %mul3A_310, %add3A_311 : i32
        %get3A_313 = arith.index_cast %add3A_312 : i32 to index
        %get3A_314 = arith.index_cast %mul3A_298 : i32 to index
        %get3A_315 = tpu.vector_load %arg7[%get3A_313, %get3A_314] {strides = array<i32>} : memref<32x1024xf32, #tpu.memory_space<vmem>>, vector<1x16xf32>,
        %get3A_316 = vector.shape_cast %get3A_315 : vector<1x16xf32> to vector<16xf32>
        %add3A_317 = arith.addf %add3A_308, %get3A_316 : vector<16xf32>
        %swap3A = arith.index_cast %scan3A_290 : i32 to index
        %swap3A_318 = arith.index_cast %mul3A_298 : i32 to index
        %swap3A_319 = tpu.vector_load %arg9[%swap3A, %swap3A_318] {strides = array<i32>} : memref<16x1024xf32, #tpu.memory_space<vmem>>, vector<1x16xf32>,
        %swap3A_320 = vector.shape_cast %swap3A_319 : vector<1x16xf32> to vector<16xf32>
        %swap3A_321 = vector.shape_cast %add3A_317 : vector<16xf32> to vector<1x16xf32>
        tpu.vector_store %arg9[%swap3A, %swap3A_318], %swap3A_321 {strides = array<i32>} : memref<16x1024xf32, #tpu.memory_space<vmem>>, vector<1x16xf32>,
      }
      %scan3A_295 = arith.constant 64 : i32
    }
    %scan3A_38 = arith.constant 16 : i32
    %add3A_39 = arith.constant 0 : i32
    %add3A_40 = arith.addi %mul3A_2, %add3A_39 : i32
    %dma_start3A_41 = arith.constant 0 : i32
    %dma_start3A_42 = tpu.memref_slice %arg5[%add3A_40, %dma_start3A_41] : memref<4096x1024xf32, #tpu.memory_space<hbm>> -> memref<16x1024xf32, #tpu.memory_space<hbm>>
    %dma_start3A_43 = arith.constant 0 : i32
    %dma_start3A_44 = tpu.memref_slice %arg5[%add3A_40, %dma_start3A_43] : memref<4096x1024xf32, #tpu.memory_space<hbm>> -> memref<16x1024xf32, #tpu.memory_space<hbm>>
    tpu.enqueue_dma source(%arg9 : memref<16x1024xf32, #tpu.memory_space<vmem>>) target(%dma_start3A_44 : memref<16x1024xf32, #tpu.memory_space<hbm>>) target_semaphore(%arg15 : memref<!tpu.dma_semaphore, #tpu.memory_space<semaphore_mem>>)
    %dma_wait3A_45 = arith.constant 0 : i32
    %dma_wait3A_46 = tpu.memref_slice %arg5[%add3A_40, %dma_wait3A_45] : memref<4096x1024xf32, #tpu.memory_space<hbm>> -> memref<16x1024xf32, #tpu.memory_space<hbm>>
    %dma_wait3A_47 = arith.constant 0 : i32
    %dma_wait3A_48 = tpu.memref_slice %arg5[%add3A_40, %dma_wait3A_47] : memref<4096x1024xf32, #tpu.memory_space<hbm>> -> memref<16x1024xf32, #tpu.memory_space<hbm>>
    tpu.wait_dma2 semaphore(%arg15 : memref<!tpu.dma_semaphore, #tpu.memory_space<semaphore_mem>>) src(%arg9 : memref<16x1024xf32, #tpu.memory_space<vmem>>) dst(%dma_wait3A_48 : memref<16x1024xf32, #tpu.memory_space<hbm>>)
    %dma_start3A_49 = arith.constant 64 : i32
    %dma_start3A_50 = tpu.memref_slice %arg6[%dma_start3A_49] : memref<256xi32, #tpu.memory_space<vmem>> -> memref<32xi32, #tpu.memory_space<vmem>>
    %dma_start3A_51 = arith.constant 0 : i32
    %dma_start3A_52 = arith.constant 0 : i32
    %dma_start3A_53 = tpu.memref_slice %arg3[%dma_start3A_51, %dma_start3A_52] : memref<9984x1024xf32, #tpu.memory_space<hbm>> -> memref<9984x1024xf32, #tpu.memory_space<hbm>>
    tpu.enqueue_indirect_dma source(%dma_start3A_53 : memref<9984x1024xf32, #tpu.memory_space<hbm>>) target(%arg7 : memref<32x1024xf32, #tpu.memory_space<vmem>>) offsets(%dma_start3A_50 : memref<32xi32, #tpu.memory_space<vmem>>) semaphore(%arg11 : memref<!tpu.dma_semaphore, #tpu.memory_space<semaphore_mem>>)
    %add3A_54 = arith.constant 32 : i32
    %add3A_55 = arith.addi %mul3A_2, %add3A_54 : i32
    %dma_start3A_56 = arith.constant 0 : i32
    %dma_start3A_57 = tpu.memref_slice %arg2[%add3A_55, %dma_start3A_56] : memref<4096x1024xf32, #tpu.memory_space<hbm>> -> memref<16x1024xf32, #tpu.memory_space<hbm>>
    %dma_start3A_58 = arith.constant 0 : i32
    %dma_start3A_59 = tpu.memref_slice %arg2[%add3A_55, %dma_start3A_58] : memref<4096x1024xf32, #tpu.memory_space<hbm>> -> memref<16x1024xf32, #tpu.memory_space<hbm>>
    tpu.enqueue_dma source(%dma_start3A_59 : memref<16x1024xf32, #tpu.memory_space<hbm>>) target(%arg9 : memref<16x1024xf32, #tpu.memory_space<vmem>>) target_semaphore(%arg13 : memref<!tpu.dma_semaphore, #tpu.memory_space<semaphore_mem>>)
    %dma_wait3A_60 = arith.constant 32 : i32
    %dma_wait3A_61 = tpu.memref_slice %arg6[%dma_wait3A_60] : memref<256xi32, #tpu.memory_space<vmem>> -> memref<32xi32, #tpu.memory_space<vmem>>
    %dma_wait3A_62 = arith.constant 0 : i32
    %dma_wait3A_63 = arith.constant 0 : i32
    %dma_wait3A_64 = tpu.memref_slice %arg3[%dma_wait3A_62, %dma_wait3A_63] : memref<9984x1024xf32, #tpu.memory_space<hbm>> -> memref<9984x1024xf32, #tpu.memory_space<hbm>>
    tpu.wait_indirect_dma semaphore(%arg12 : memref<!tpu.dma_semaphore, #tpu.memory_space<semaphore_mem>>) src(%dma_wait3A_64 : memref<9984x1024xf32, #tpu.memory_space<hbm>>) dst(%arg8 : memref<32x1024xf32, #tpu.memory_space<vmem>>)
    %dma_wait3A_65 = arith.constant 0 : i32
    %dma_wait3A_66 = tpu.memref_slice %arg2[%add3A_21, %dma_wait3A_65] : memref<4096x1024xf32, #tpu.memory_space<hbm>> -> memref<16x1024xf32, #tpu.memory_space<hbm>>
    %dma_wait3A_67 = arith.constant 0 : i32
    %dma_wait3A_68 = tpu.memref_slice %arg2[%add3A_21, %dma_wait3A_67] : memref<4096x1024xf32, #tpu.memory_space<hbm>> -> memref<16x1024xf32, #tpu.memory_space<hbm>>
    tpu.wait_dma2 semaphore(%arg14 : memref<!tpu.dma_semaphore, #tpu.memory_space<semaphore_mem>>) src(%dma_wait3A_68 : memref<16x1024xf32, #tpu.memory_space<hbm>>) dst(%arg10 : memref<16x1024xf32, #tpu.memory_space<vmem>>)
    %scan3A_69 = arith.constant 0 : i32
    %scan3A_70 = arith.constant 0 : i32
    %scan3A_71 = arith.constant 16 : i32
    %scan3A_72 = arith.addi %scan3A_70, %scan3A_71 : i32
    %scan3A_73 = arith.constant 1 : i32
    scf.for %scan3A_290 = %scan3A_70 to %scan3A_72 step %scan3A_73  : i32 {
      %scan3A_291 = arith.constant 0 : i32
      %scan3A_292 = arith.constant 64 : i32
      %scan3A_293 = arith.addi %scan3A_291, %scan3A_292 : i32
      %scan3A_294 = arith.constant 1 : i32
      scf.for %scan3A_296 = %scan3A_291 to %scan3A_293 step %scan3A_294  : i32 {
        %mul3A_297 = arith.constant 16 : i32
        %mul3A_298 = arith.muli %scan3A_296, %mul3A_297 : i32
        %get3A = arith.index_cast %scan3A_290 : i32 to index
        %get3A_299 = arith.index_cast %mul3A_298 : i32 to index
        %get3A_300 = tpu.vector_load %arg10[%get3A, %get3A_299] {strides = array<i32>} : memref<16x1024xf32, #tpu.memory_space<vmem>>, vector<1x16xf32>,
        %get3A_301 = vector.shape_cast %get3A_300 : vector<1x16xf32> to vector<16xf32>
        %mul3A_302 = arith.constant 2 : i32
        %mul3A_303 = arith.muli %mul3A_302, %scan3A_290 : i32
        %get3A_304 = arith.index_cast %mul3A_303 : i32 to index
        %get3A_305 = arith.index_cast %mul3A_298 : i32 to index
        %get3A_306 = tpu.vector_load %arg8[%get3A_304, %get3A_305] {strides = array<i32>} : memref<32x1024xf32, #tpu.memory_space<vmem>>, vector<1x16xf32>,
        %get3A_307 = vector.shape_cast %get3A_306 : vector<1x16xf32> to vector<16xf32>
        %add3A_308 = arith.addf %get3A_301, %get3A_307 : vector<16xf32>
        %mul3A_309 = arith.constant 2 : i32
        %mul3A_310 = arith.muli %mul3A_309, %scan3A_290 : i32
        %add3A_311 = arith.constant 1 : i32
        %add3A_312 = arith.addi %mul3A_310, %add3A_311 : i32
        %get3A_313 = arith.index_cast %add3A_312 : i32 to index
        %get3A_314 = arith.index_cast %mul3A_298 : i32 to index
        %get3A_315 = tpu.vector_load %arg8[%get3A_313, %get3A_314] {strides = array<i32>} : memref<32x1024xf32, #tpu.memory_space<vmem>>, vector<1x16xf32>,
        %get3A_316 = vector.shape_cast %get3A_315 : vector<1x16xf32> to vector<16xf32>
        %add3A_317 = arith.addf %add3A_308, %get3A_316 : vector<16xf32>
        %swap3A = arith.index_cast %scan3A_290 : i32 to index
        %swap3A_318 = arith.index_cast %mul3A_298 : i32 to index
        %swap3A_319 = tpu.vector_load %arg10[%swap3A, %swap3A_318] {strides = array<i32>} : memref<16x1024xf32, #tpu.memory_space<vmem>>, vector<1x16xf32>,
        %swap3A_320 = vector.shape_cast %swap3A_319 : vector<1x16xf32> to vector<16xf32>
        %swap3A_321 = vector.shape_cast %add3A_317 : vector<16xf32> to vector<1x16xf32>
        tpu.vector_store %arg10[%swap3A, %swap3A_318], %swap3A_321 {strides = array<i32>} : memref<16x1024xf32, #tpu.memory_space<vmem>>, vector<1x16xf32>,
      }
      %scan3A_295 = arith.constant 64 : i32
    }
    %scan3A_74 = arith.constant 16 : i32
    %add3A_75 = arith.constant 16 : i32
    %add3A_76 = arith.addi %mul3A_2, %add3A_75 : i32
    %dma_start3A_77 = arith.constant 0 : i32
    %dma_start3A_78 = tpu.memref_slice %arg5[%add3A_76, %dma_start3A_77] : memref<4096x1024xf32, #tpu.memory_space<hbm>> -> memref<16x1024xf32, #tpu.memory_space<hbm>>
    %dma_start3A_79 = arith.constant 0 : i32
    %dma_start3A_80 = tpu.memref_slice %arg5[%add3A_76, %dma_start3A_79] : memref<4096x1024xf32, #tpu.memory_space<hbm>> -> memref<16x1024xf32, #tpu.memory_space<hbm>>
    tpu.enqueue_dma source(%arg10 : memref<16x1024xf32, #tpu.memory_space<vmem>>) target(%dma_start3A_80 : memref<16x1024xf32, #tpu.memory_space<hbm>>) target_semaphore(%arg16 : memref<!tpu.dma_semaphore, #tpu.memory_space<semaphore_mem>>)
    %dma_wait3A_81 = arith.constant 0 : i32
    %dma_wait3A_82 = tpu.memref_slice %arg5[%add3A_76, %dma_wait3A_81] : memref<4096x1024xf32, #tpu.memory_space<hbm>> -> memref<16x1024xf32, #tpu.memory_space<hbm>>
    %dma_wait3A_83 = arith.constant 0 : i32
    %dma_wait3A_84 = tpu.memref_slice %arg5[%add3A_76, %dma_wait3A_83] : memref<4096x1024xf32, #tpu.memory_space<hbm>> -> memref<16x1024xf32, #tpu.memory_space<hbm>>
    tpu.wait_dma2 semaphore(%arg16 : memref<!tpu.dma_semaphore, #tpu.memory_space<semaphore_mem>>) src(%arg10 : memref<16x1024xf32, #tpu.memory_space<vmem>>) dst(%dma_wait3A_84 : memref<16x1024xf32, #tpu.memory_space<hbm>>)
    %dma_start3A_85 = arith.constant 96 : i32
    %dma_start3A_86 = tpu.memref_slice %arg6[%dma_start3A_85] : memref<256xi32, #tpu.memory_space<vmem>> -> memref<32xi32, #tpu.memory_space<vmem>>
    %dma_start3A_87 = arith.constant 0 : i32
    %dma_start3A_88 = arith.constant 0 : i32
    %dma_start3A_89 = tpu.memref_slice %arg3[%dma_start3A_87, %dma_start3A_88] : memref<9984x1024xf32, #tpu.memory_space<hbm>> -> memref<9984x1024xf32, #tpu.memory_space<hbm>>
    tpu.enqueue_indirect_dma source(%dma_start3A_89 : memref<9984x1024xf32, #tpu.memory_space<hbm>>) target(%arg8 : memref<32x1024xf32, #tpu.memory_space<vmem>>) offsets(%dma_start3A_86 : memref<32xi32, #tpu.memory_space<vmem>>) semaphore(%arg12 : memref<!tpu.dma_semaphore, #tpu.memory_space<semaphore_mem>>)
    %add3A_90 = arith.constant 48 : i32
    %add3A_91 = arith.addi %mul3A_2, %add3A_90 : i32
    %dma_start3A_92 = arith.constant 0 : i32
    %dma_start3A_93 = tpu.memref_slice %arg2[%add3A_91, %dma_start3A_92] : memref<4096x1024xf32, #tpu.memory_space<hbm>> -> memref<16x1024xf32, #tpu.memory_space<hbm>>
    %dma_start3A_94 = arith.constant 0 : i32
    %dma_start3A_95 = tpu.memref_slice %arg2[%add3A_91, %dma_start3A_94] : memref<4096x1024xf32, #tpu.memory_space<hbm>> -> memref<16x1024xf32, #tpu.memory_space<hbm>>
    tpu.enqueue_dma source(%dma_start3A_95 : memref<16x1024xf32, #tpu.memory_space<hbm>>) target(%arg10 : memref<16x1024xf32, #tpu.memory_space<vmem>>) target_semaphore(%arg14 : memref<!tpu.dma_semaphore, #tpu.memory_space<semaphore_mem>>)
    %dma_wait3A_96 = arith.constant 64 : i32
    %dma_wait3A_97 = tpu.memref_slice %arg6[%dma_wait3A_96] : memref<256xi32, #tpu.memory_space<vmem>> -> memref<32xi32, #tpu.memory_space<vmem>>
    %dma_wait3A_98 = arith.constant 0 : i32
    %dma_wait3A_99 = arith.constant 0 : i32
    %dma_wait3A_100 = tpu.memref_slice %arg3[%dma_wait3A_98, %dma_wait3A_99] : memref<9984x1024xf32, #tpu.memory_space<hbm>> -> memref<9984x1024xf32, #tpu.memory_space<hbm>>
    tpu.wait_indirect_dma semaphore(%arg11 : memref<!tpu.dma_semaphore, #tpu.memory_space<semaphore_mem>>) src(%dma_wait3A_100 : memref<9984x1024xf32, #tpu.memory_space<hbm>>) dst(%arg7 : memref<32x1024xf32, #tpu.memory_space<vmem>>)
    %dma_wait3A_101 = arith.constant 0 : i32
    %dma_wait3A_102 = tpu.memref_slice %arg2[%add3A_55, %dma_wait3A_101] : memref<4096x1024xf32, #tpu.memory_space<hbm>> -> memref<16x1024xf32, #tpu.memory_space<hbm>>
    %dma_wait3A_103 = arith.constant 0 : i32
    %dma_wait3A_104 = tpu.memref_slice %arg2[%add3A_55, %dma_wait3A_103] : memref<4096x1024xf32, #tpu.memory_space<hbm>> -> memref<16x1024xf32, #tpu.memory_space<hbm>>
    tpu.wait_dma2 semaphore(%arg13 : memref<!tpu.dma_semaphore, #tpu.memory_space<semaphore_mem>>) src(%dma_wait3A_104 : memref<16x1024xf32, #tpu.memory_space<hbm>>) dst(%arg9 : memref<16x1024xf32, #tpu.memory_space<vmem>>)
    %scan3A_105 = arith.constant 0 : i32
    %scan3A_106 = arith.constant 0 : i32
    %scan3A_107 = arith.constant 16 : i32
    %scan3A_108 = arith.addi %scan3A_106, %scan3A_107 : i32
    %scan3A_109 = arith.constant 1 : i32
    scf.for %scan3A_290 = %scan3A_106 to %scan3A_108 step %scan3A_109  : i32 {
      %scan3A_291 = arith.constant 0 : i32
      %scan3A_292 = arith.constant 64 : i32
      %scan3A_293 = arith.addi %scan3A_291, %scan3A_292 : i32
      %scan3A_294 = arith.constant 1 : i32
      scf.for %scan3A_296 = %scan3A_291 to %scan3A_293 step %scan3A_294  : i32 {
        %mul3A_297 = arith.constant 16 : i32
        %mul3A_298 = arith.muli %scan3A_296, %mul3A_297 : i32
        %get3A = arith.index_cast %scan3A_290 : i32 to index
        %get3A_299 = arith.index_cast %mul3A_298 : i32 to index
        %get3A_300 = tpu.vector_load %arg9[%get3A, %get3A_299] {strides = array<i32>} : memref<16x1024xf32, #tpu.memory_space<vmem>>, vector<1x16xf32>,
        %get3A_301 = vector.shape_cast %get3A_300 : vector<1x16xf32> to vector<16xf32>
        %mul3A_302 = arith.constant 2 : i32
        %mul3A_303 = arith.muli %mul3A_302, %scan3A_290 : i32
        %get3A_304 = arith.index_cast %mul3A_303 : i32 to index
        %get3A_305 = arith.index_cast %mul3A_298 : i32 to index
        %get3A_306 = tpu.vector_load %arg7[%get3A_304, %get3A_305] {strides = array<i32>} : memref<32x1024xf32, #tpu.memory_space<vmem>>, vector<1x16xf32>,
        %get3A_307 = vector.shape_cast %get3A_306 : vector<1x16xf32> to vector<16xf32>
        %add3A_308 = arith.addf %get3A_301, %get3A_307 : vector<16xf32>
        %mul3A_309 = arith.constant 2 : i32
        %mul3A_310 = arith.muli %mul3A_309, %scan3A_290 : i32
        %add3A_311 = arith.constant 1 : i32
        %add3A_312 = arith.addi %mul3A_310, %add3A_311 : i32
        %get3A_313 = arith.index_cast %add3A_312 : i32 to index
        %get3A_314 = arith.index_cast %mul3A_298 : i32 to index
        %get3A_315 = tpu.vector_load %arg7[%get3A_313, %get3A_314] {strides = array<i32>} : memref<32x1024xf32, #tpu.memory_space<vmem>>, vector<1x16xf32>,
        %get3A_316 = vector.shape_cast %get3A_315 : vector<1x16xf32> to vector<16xf32>
        %add3A_317 = arith.addf %add3A_308, %get3A_316 : vector<16xf32>
        %swap3A = arith.index_cast %scan3A_290 : i32 to index
        %swap3A_318 = arith.index_cast %mul3A_298 : i32 to index
        %swap3A_319 = tpu.vector_load %arg9[%swap3A, %swap3A_318] {strides = array<i32>} : memref<16x1024xf32, #tpu.memory_space<vmem>>, vector<1x16xf32>,
        %swap3A_320 = vector.shape_cast %swap3A_319 : vector<1x16xf32> to vector<16xf32>
        %swap3A_321 = vector.shape_cast %add3A_317 : vector<16xf32> to vector<1x16xf32>
        tpu.vector_store %arg9[%swap3A, %swap3A_318], %swap3A_321 {strides = array<i32>} : memref<16x1024xf32, #tpu.memory_space<vmem>>, vector<1x16xf32>,
      }
      %scan3A_295 = arith.constant 64 : i32
    }
    %scan3A_110 = arith.constant 16 : i32
    %add3A_111 = arith.constant 32 : i32
    %add3A_112 = arith.addi %mul3A_2, %add3A_111 : i32
    %dma_start3A_113 = arith.constant 0 : i32
    %dma_start3A_114 = tpu.memref_slice %arg5[%add3A_112, %dma_start3A_113] : memref<4096x1024xf32, #tpu.memory_space<hbm>> -> memref<16x1024xf32, #tpu.memory_space<hbm>>
    %dma_start3A_115 = arith.constant 0 : i32
    %dma_start3A_116 = tpu.memref_slice %arg5[%add3A_112, %dma_start3A_115] : memref<4096x1024xf32, #tpu.memory_space<hbm>> -> memref<16x1024xf32, #tpu.memory_space<hbm>>
    tpu.enqueue_dma source(%arg9 : memref<16x1024xf32, #tpu.memory_space<vmem>>) target(%dma_start3A_116 : memref<16x1024xf32, #tpu.memory_space<hbm>>) target_semaphore(%arg15 : memref<!tpu.dma_semaphore, #tpu.memory_space<semaphore_mem>>)
    %dma_wait3A_117 = arith.constant 0 : i32
    %dma_wait3A_118 = tpu.memref_slice %arg5[%add3A_112, %dma_wait3A_117] : memref<4096x1024xf32, #tpu.memory_space<hbm>> -> memref<16x1024xf32, #tpu.memory_space<hbm>>
    %dma_wait3A_119 = arith.constant 0 : i32
    %dma_wait3A_120 = tpu.memref_slice %arg5[%add3A_112, %dma_wait3A_119] : memref<4096x1024xf32, #tpu.memory_space<hbm>> -> memref<16x1024xf32, #tpu.memory_space<hbm>>
    tpu.wait_dma2 semaphore(%arg15 : memref<!tpu.dma_semaphore, #tpu.memory_space<semaphore_mem>>) src(%arg9 : memref<16x1024xf32, #tpu.memory_space<vmem>>) dst(%dma_wait3A_120 : memref<16x1024xf32, #tpu.memory_space<hbm>>)
    %dma_start3A_121 = arith.constant 128 : i32
    %dma_start3A_122 = tpu.memref_slice %arg6[%dma_start3A_121] : memref<256xi32, #tpu.memory_space<vmem>> -> memref<32xi32, #tpu.memory_space<vmem>>
    %dma_start3A_123 = arith.constant 0 : i32
    %dma_start3A_124 = arith.constant 0 : i32
    %dma_start3A_125 = tpu.memref_slice %arg3[%dma_start3A_123, %dma_start3A_124] : memref<9984x1024xf32, #tpu.memory_space<hbm>> -> memref<9984x1024xf32, #tpu.memory_space<hbm>>
    tpu.enqueue_indirect_dma source(%dma_start3A_125 : memref<9984x1024xf32, #tpu.memory_space<hbm>>) target(%arg7 : memref<32x1024xf32, #tpu.memory_space<vmem>>) offsets(%dma_start3A_122 : memref<32xi32, #tpu.memory_space<vmem>>) semaphore(%arg11 : memref<!tpu.dma_semaphore, #tpu.memory_space<semaphore_mem>>)
    %add3A_126 = arith.constant 64 : i32
    %add3A_127 = arith.addi %mul3A_2, %add3A_126 : i32
    %dma_start3A_128 = arith.constant 0 : i32
    %dma_start3A_129 = tpu.memref_slice %arg2[%add3A_127, %dma_start3A_128] : memref<4096x1024xf32, #tpu.memory_space<hbm>> -> memref<16x1024xf32, #tpu.memory_space<hbm>>
    %dma_start3A_130 = arith.constant 0 : i32
    %dma_start3A_131 = tpu.memref_slice %arg2[%add3A_127, %dma_start3A_130] : memref<4096x1024xf32, #tpu.memory_space<hbm>> -> memref<16x1024xf32, #tpu.memory_space<hbm>>
    tpu.enqueue_dma source(%dma_start3A_131 : memref<16x1024xf32, #tpu.memory_space<hbm>>) target(%arg9 : memref<16x1024xf32, #tpu.memory_space<vmem>>) target_semaphore(%arg13 : memref<!tpu.dma_semaphore, #tpu.memory_space<semaphore_mem>>)
    %dma_wait3A_132 = arith.constant 96 : i32
    %dma_wait3A_133 = tpu.memref_slice %arg6[%dma_wait3A_132] : memref<256xi32, #tpu.memory_space<vmem>> -> memref<32xi32, #tpu.memory_space<vmem>>
    %dma_wait3A_134 = arith.constant 0 : i32
    %dma_wait3A_135 = arith.constant 0 : i32
    %dma_wait3A_136 = tpu.memref_slice %arg3[%dma_wait3A_134, %dma_wait3A_135] : memref<9984x1024xf32, #tpu.memory_space<hbm>> -> memref<9984x1024xf32, #tpu.memory_space<hbm>>
    tpu.wait_indirect_dma semaphore(%arg12 : memref<!tpu.dma_semaphore, #tpu.memory_space<semaphore_mem>>) src(%dma_wait3A_136 : memref<9984x1024xf32, #tpu.memory_space<hbm>>) dst(%arg8 : memref<32x1024xf32, #tpu.memory_space<vmem>>)
    %dma_wait3A_137 = arith.constant 0 : i32
    %dma_wait3A_138 = tpu.memref_slice %arg2[%add3A_91, %dma_wait3A_137] : memref<4096x1024xf32, #tpu.memory_space<hbm>> -> memref<16x1024xf32, #tpu.memory_space<hbm>>
    %dma_wait3A_139 = arith.constant 0 : i32
    %dma_wait3A_140 = tpu.memref_slice %arg2[%add3A_91, %dma_wait3A_139] : memref<4096x1024xf32, #tpu.memory_space<hbm>> -> memref<16x1024xf32, #tpu.memory_space<hbm>>
    tpu.wait_dma2 semaphore(%arg14 : memref<!tpu.dma_semaphore, #tpu.memory_space<semaphore_mem>>) src(%dma_wait3A_140 : memref<16x1024xf32, #tpu.memory_space<hbm>>) dst(%arg10 : memref<16x1024xf32, #tpu.memory_space<vmem>>)
    %scan3A_141 = arith.constant 0 : i32
    %scan3A_142 = arith.constant 0 : i32
    %scan3A_143 = arith.constant 16 : i32
    %scan3A_144 = arith.addi %scan3A_142, %scan3A_143 : i32
    %scan3A_145 = arith.constant 1 : i32
    scf.for %scan3A_290 = %scan3A_142 to %scan3A_144 step %scan3A_145  : i32 {
      %scan3A_291 = arith.constant 0 : i32
      %scan3A_292 = arith.constant 64 : i32
      %scan3A_293 = arith.addi %scan3A_291, %scan3A_292 : i32
      %scan3A_294 = arith.constant 1 : i32
      scf.for %scan3A_296 = %scan3A_291 to %scan3A_293 step %scan3A_294  : i32 {
        %mul3A_297 = arith.constant 16 : i32
        %mul3A_298 = arith.muli %scan3A_296, %mul3A_297 : i32
        %get3A = arith.index_cast %scan3A_290 : i32 to index
        %get3A_299 = arith.index_cast %mul3A_298 : i32 to index
        %get3A_300 = tpu.vector_load %arg10[%get3A, %get3A_299] {strides = array<i32>} : memref<16x1024xf32, #tpu.memory_space<vmem>>, vector<1x16xf32>,
        %get3A_301 = vector.shape_cast %get3A_300 : vector<1x16xf32> to vector<16xf32>
        %mul3A_302 = arith.constant 2 : i32
        %mul3A_303 = arith.muli %mul3A_302, %scan3A_290 : i32
        %get3A_304 = arith.index_cast %mul3A_303 : i32 to index
        %get3A_305 = arith.index_cast %mul3A_298 : i32 to index
        %get3A_306 = tpu.vector_load %arg8[%get3A_304, %get3A_305] {strides = array<i32>} : memref<32x1024xf32, #tpu.memory_space<vmem>>, vector<1x16xf32>,
        %get3A_307 = vector.shape_cast %get3A_306 : vector<1x16xf32> to vector<16xf32>
        %add3A_308 = arith.addf %get3A_301, %get3A_307 : vector<16xf32>
        %mul3A_309 = arith.constant 2 : i32
        %mul3A_310 = arith.muli %mul3A_309, %scan3A_290 : i32
        %add3A_311 = arith.constant 1 : i32
        %add3A_312 = arith.addi %mul3A_310, %add3A_311 : i32
        %get3A_313 = arith.index_cast %add3A_312 : i32 to index
        %get3A_314 = arith.index_cast %mul3A_298 : i32 to index
        %get3A_315 = tpu.vector_load %arg8[%get3A_313, %get3A_314] {strides = array<i32>} : memref<32x1024xf32, #tpu.memory_space<vmem>>, vector<1x16xf32>,
        %get3A_316 = vector.shape_cast %get3A_315 : vector<1x16xf32> to vector<16xf32>
        %add3A_317 = arith.addf %add3A_308, %get3A_316 : vector<16xf32>
        %swap3A = arith.index_cast %scan3A_290 : i32 to index
        %swap3A_318 = arith.index_cast %mul3A_298 : i32 to index
        %swap3A_319 = tpu.vector_load %arg10[%swap3A, %swap3A_318] {strides = array<i32>} : memref<16x1024xf32, #tpu.memory_space<vmem>>, vector<1x16xf32>,
        %swap3A_320 = vector.shape_cast %swap3A_319 : vector<1x16xf32> to vector<16xf32>
        %swap3A_321 = vector.shape_cast %add3A_317 : vector<16xf32> to vector<1x16xf32>
        tpu.vector_store %arg10[%swap3A, %swap3A_318], %swap3A_321 {strides = array<i32>} : memref<16x1024xf32, #tpu.memory_space<vmem>>, vector<1x16xf32>,
      }
      %scan3A_295 = arith.constant 64 : i32
    }
    %scan3A_146 = arith.constant 16 : i32
    %add3A_147 = arith.constant 48 : i32
    %add3A_148 = arith.addi %mul3A_2, %add3A_147 : i32
    %dma_start3A_149 = arith.constant 0 : i32
    %dma_start3A_150 = tpu.memref_slice %arg5[%add3A_148, %dma_start3A_149] : memref<4096x1024xf32, #tpu.memory_space<hbm>> -> memref<16x1024xf32, #tpu.memory_space<hbm>>
    %dma_start3A_151 = arith.constant 0 : i32
    %dma_start3A_152 = tpu.memref_slice %arg5[%add3A_148, %dma_start3A_151] : memref<4096x1024xf32, #tpu.memory_space<hbm>> -> memref<16x1024xf32, #tpu.memory_space<hbm>>
    tpu.enqueue_dma source(%arg10 : memref<16x1024xf32, #tpu.memory_space<vmem>>) target(%dma_start3A_152 : memref<16x1024xf32, #tpu.memory_space<hbm>>) target_semaphore(%arg16 : memref<!tpu.dma_semaphore, #tpu.memory_space<semaphore_mem>>)
    %dma_wait3A_153 = arith.constant 0 : i32
    %dma_wait3A_154 = tpu.memref_slice %arg5[%add3A_148, %dma_wait3A_153] : memref<4096x1024xf32, #tpu.memory_space<hbm>> -> memref<16x1024xf32, #tpu.memory_space<hbm>>
    %dma_wait3A_155 = arith.constant 0 : i32
    %dma_wait3A_156 = tpu.memref_slice %arg5[%add3A_148, %dma_wait3A_155] : memref<4096x1024xf32, #tpu.memory_space<hbm>> -> memref<16x1024xf32, #tpu.memory_space<hbm>>
    tpu.wait_dma2 semaphore(%arg16 : memref<!tpu.dma_semaphore, #tpu.memory_space<semaphore_mem>>) src(%arg10 : memref<16x1024xf32, #tpu.memory_space<vmem>>) dst(%dma_wait3A_156 : memref<16x1024xf32, #tpu.memory_space<hbm>>)
    %dma_start3A_157 = arith.constant 160 : i32
    %dma_start3A_158 = tpu.memref_slice %arg6[%dma_start3A_157] : memref<256xi32, #tpu.memory_space<vmem>> -> memref<32xi32, #tpu.memory_space<vmem>>
    %dma_start3A_159 = arith.constant 0 : i32
    %dma_start3A_160 = arith.constant 0 : i32
    %dma_start3A_161 = tpu.memref_slice %arg3[%dma_start3A_159, %dma_start3A_160] : memref<9984x1024xf32, #tpu.memory_space<hbm>> -> memref<9984x1024xf32, #tpu.memory_space<hbm>>
    tpu.enqueue_indirect_dma source(%dma_start3A_161 : memref<9984x1024xf32, #tpu.memory_space<hbm>>) target(%arg8 : memref<32x1024xf32, #tpu.memory_space<vmem>>) offsets(%dma_start3A_158 : memref<32xi32, #tpu.memory_space<vmem>>) semaphore(%arg12 : memref<!tpu.dma_semaphore, #tpu.memory_space<semaphore_mem>>)
    %add3A_162 = arith.constant 80 : i32
    %add3A_163 = arith.addi %mul3A_2, %add3A_162 : i32
    %dma_start3A_164 = arith.constant 0 : i32
    %dma_start3A_165 = tpu.memref_slice %arg2[%add3A_163, %dma_start3A_164] : memref<4096x1024xf32, #tpu.memory_space<hbm>> -> memref<16x1024xf32, #tpu.memory_space<hbm>>
    %dma_start3A_166 = arith.constant 0 : i32
    %dma_start3A_167 = tpu.memref_slice %arg2[%add3A_163, %dma_start3A_166] : memref<4096x1024xf32, #tpu.memory_space<hbm>> -> memref<16x1024xf32, #tpu.memory_space<hbm>>
    tpu.enqueue_dma source(%dma_start3A_167 : memref<16x1024xf32, #tpu.memory_space<hbm>>) target(%arg10 : memref<16x1024xf32, #tpu.memory_space<vmem>>) target_semaphore(%arg14 : memref<!tpu.dma_semaphore, #tpu.memory_space<semaphore_mem>>)
    %dma_wait3A_168 = arith.constant 128 : i32
    %dma_wait3A_169 = tpu.memref_slice %arg6[%dma_wait3A_168] : memref<256xi32, #tpu.memory_space<vmem>> -> memref<32xi32, #tpu.memory_space<vmem>>
    %dma_wait3A_170 = arith.constant 0 : i32
    %dma_wait3A_171 = arith.constant 0 : i32
    %dma_wait3A_172 = tpu.memref_slice %arg3[%dma_wait3A_170, %dma_wait3A_171] : memref<9984x1024xf32, #tpu.memory_space<hbm>> -> memref<9984x1024xf32, #tpu.memory_space<hbm>>
    tpu.wait_indirect_dma semaphore(%arg11 : memref<!tpu.dma_semaphore, #tpu.memory_space<semaphore_mem>>) src(%dma_wait3A_172 : memref<9984x1024xf32, #tpu.memory_space<hbm>>) dst(%arg7 : memref<32x1024xf32, #tpu.memory_space<vmem>>)
    %dma_wait3A_173 = arith.constant 0 : i32
    %dma_wait3A_174 = tpu.memref_slice %arg2[%add3A_127, %dma_wait3A_173] : memref<4096x1024xf32, #tpu.memory_space<hbm>> -> memref<16x1024xf32, #tpu.memory_space<hbm>>
    %dma_wait3A_175 = arith.constant 0 : i32
    %dma_wait3A_176 = tpu.memref_slice %arg2[%add3A_127, %dma_wait3A_175] : memref<4096x1024xf32, #tpu.memory_space<hbm>> -> memref<16x1024xf32, #tpu.memory_space<hbm>>
    tpu.wait_dma2 semaphore(%arg13 : memref<!tpu.dma_semaphore, #tpu.memory_space<semaphore_mem>>) src(%dma_wait3A_176 : memref<16x1024xf32, #tpu.memory_space<hbm>>) dst(%arg9 : memref<16x1024xf32, #tpu.memory_space<vmem>>)
    %scan3A_177 = arith.constant 0 : i32
    %scan3A_178 = arith.constant 0 : i32
    %scan3A_179 = arith.constant 16 : i32
    %scan3A_180 = arith.addi %scan3A_178, %scan3A_179 : i32
    %scan3A_181 = arith.constant 1 : i32
    scf.for %scan3A_290 = %scan3A_178 to %scan3A_180 step %scan3A_181  : i32 {
      %scan3A_291 = arith.constant 0 : i32
      %scan3A_292 = arith.constant 64 : i32
      %scan3A_293 = arith.addi %scan3A_291, %scan3A_292 : i32
      %scan3A_294 = arith.constant 1 : i32
      scf.for %scan3A_296 = %scan3A_291 to %scan3A_293 step %scan3A_294  : i32 {
        %mul3A_297 = arith.constant 16 : i32
        %mul3A_298 = arith.muli %scan3A_296, %mul3A_297 : i32
        %get3A = arith.index_cast %scan3A_290 : i32 to index
        %get3A_299 = arith.index_cast %mul3A_298 : i32 to index
        %get3A_300 = tpu.vector_load %arg9[%get3A, %get3A_299] {strides = array<i32>} : memref<16x1024xf32, #tpu.memory_space<vmem>>, vector<1x16xf32>,
        %get3A_301 = vector.shape_cast %get3A_300 : vector<1x16xf32> to vector<16xf32>
        %mul3A_302 = arith.constant 2 : i32
        %mul3A_303 = arith.muli %mul3A_302, %scan3A_290 : i32
        %get3A_304 = arith.index_cast %mul3A_303 : i32 to index
        %get3A_305 = arith.index_cast %mul3A_298 : i32 to index
        %get3A_306 = tpu.vector_load %arg7[%get3A_304, %get3A_305] {strides = array<i32>} : memref<32x1024xf32, #tpu.memory_space<vmem>>, vector<1x16xf32>,
        %get3A_307 = vector.shape_cast %get3A_306 : vector<1x16xf32> to vector<16xf32>
        %add3A_308 = arith.addf %get3A_301, %get3A_307 : vector<16xf32>
        %mul3A_309 = arith.constant 2 : i32
        %mul3A_310 = arith.muli %mul3A_309, %scan3A_290 : i32
        %add3A_311 = arith.constant 1 : i32
        %add3A_312 = arith.addi %mul3A_310, %add3A_311 : i32
        %get3A_313 = arith.index_cast %add3A_312 : i32 to index
        %get3A_314 = arith.index_cast %mul3A_298 : i32 to index
        %get3A_315 = tpu.vector_load %arg7[%get3A_313, %get3A_314] {strides = array<i32>} : memref<32x1024xf32, #tpu.memory_space<vmem>>, vector<1x16xf32>,
        %get3A_316 = vector.shape_cast %get3A_315 : vector<1x16xf32> to vector<16xf32>
        %add3A_317 = arith.addf %add3A_308, %get3A_316 : vector<16xf32>
        %swap3A = arith.index_cast %scan3A_290 : i32 to index
        %swap3A_318 = arith.index_cast %mul3A_298 : i32 to index
        %swap3A_319 = tpu.vector_load %arg9[%swap3A, %swap3A_318] {strides = array<i32>} : memref<16x1024xf32, #tpu.memory_space<vmem>>, vector<1x16xf32>,
        %swap3A_320 = vector.shape_cast %swap3A_319 : vector<1x16xf32> to vector<16xf32>
        %swap3A_321 = vector.shape_cast %add3A_317 : vector<16xf32> to vector<1x16xf32>
        tpu.vector_store %arg9[%swap3A, %swap3A_318], %swap3A_321 {strides = array<i32>} : memref<16x1024xf32, #tpu.memory_space<vmem>>, vector<1x16xf32>,
      }
      %scan3A_295 = arith.constant 64 : i32
    }
    %scan3A_182 = arith.constant 16 : i32
    %add3A_183 = arith.constant 64 : i32
    %add3A_184 = arith.addi %mul3A_2, %add3A_183 : i32
    %dma_start3A_185 = arith.constant 0 : i32
    %dma_start3A_186 = tpu.memref_slice %arg5[%add3A_184, %dma_start3A_185] : memref<4096x1024xf32, #tpu.memory_space<hbm>> -> memref<16x1024xf32, #tpu.memory_space<hbm>>
    %dma_start3A_187 = arith.constant 0 : i32
    %dma_start3A_188 = tpu.memref_slice %arg5[%add3A_184, %dma_start3A_187] : memref<4096x1024xf32, #tpu.memory_space<hbm>> -> memref<16x1024xf32, #tpu.memory_space<hbm>>
    tpu.enqueue_dma source(%arg9 : memref<16x1024xf32, #tpu.memory_space<vmem>>) target(%dma_start3A_188 : memref<16x1024xf32, #tpu.memory_space<hbm>>) target_semaphore(%arg15 : memref<!tpu.dma_semaphore, #tpu.memory_space<semaphore_mem>>)
    %dma_wait3A_189 = arith.constant 0 : i32
    %dma_wait3A_190 = tpu.memref_slice %arg5[%add3A_184, %dma_wait3A_189] : memref<4096x1024xf32, #tpu.memory_space<hbm>> -> memref<16x1024xf32, #tpu.memory_space<hbm>>
    %dma_wait3A_191 = arith.constant 0 : i32
    %dma_wait3A_192 = tpu.memref_slice %arg5[%add3A_184, %dma_wait3A_191] : memref<4096x1024xf32, #tpu.memory_space<hbm>> -> memref<16x1024xf32, #tpu.memory_space<hbm>>
    tpu.wait_dma2 semaphore(%arg15 : memref<!tpu.dma_semaphore, #tpu.memory_space<semaphore_mem>>) src(%arg9 : memref<16x1024xf32, #tpu.memory_space<vmem>>) dst(%dma_wait3A_192 : memref<16x1024xf32, #tpu.memory_space<hbm>>)
    %dma_start3A_193 = arith.constant 192 : i32
    %dma_start3A_194 = tpu.memref_slice %arg6[%dma_start3A_193] : memref<256xi32, #tpu.memory_space<vmem>> -> memref<32xi32, #tpu.memory_space<vmem>>
    %dma_start3A_195 = arith.constant 0 : i32
    %dma_start3A_196 = arith.constant 0 : i32
    %dma_start3A_197 = tpu.memref_slice %arg3[%dma_start3A_195, %dma_start3A_196] : memref<9984x1024xf32, #tpu.memory_space<hbm>> -> memref<9984x1024xf32, #tpu.memory_space<hbm>>
    tpu.enqueue_indirect_dma source(%dma_start3A_197 : memref<9984x1024xf32, #tpu.memory_space<hbm>>) target(%arg7 : memref<32x1024xf32, #tpu.memory_space<vmem>>) offsets(%dma_start3A_194 : memref<32xi32, #tpu.memory_space<vmem>>) semaphore(%arg11 : memref<!tpu.dma_semaphore, #tpu.memory_space<semaphore_mem>>)
    %add3A_198 = arith.constant 96 : i32
    %add3A_199 = arith.addi %mul3A_2, %add3A_198 : i32
    %dma_start3A_200 = arith.constant 0 : i32
    %dma_start3A_201 = tpu.memref_slice %arg2[%add3A_199, %dma_start3A_200] : memref<4096x1024xf32, #tpu.memory_space<hbm>> -> memref<16x1024xf32, #tpu.memory_space<hbm>>
    %dma_start3A_202 = arith.constant 0 : i32
    %dma_start3A_203 = tpu.memref_slice %arg2[%add3A_199, %dma_start3A_202] : memref<4096x1024xf32, #tpu.memory_space<hbm>> -> memref<16x1024xf32, #tpu.memory_space<hbm>>
    tpu.enqueue_dma source(%dma_start3A_203 : memref<16x1024xf32, #tpu.memory_space<hbm>>) target(%arg9 : memref<16x1024xf32, #tpu.memory_space<vmem>>) target_semaphore(%arg13 : memref<!tpu.dma_semaphore, #tpu.memory_space<semaphore_mem>>)
    %dma_wait3A_204 = arith.constant 160 : i32
    %dma_wait3A_205 = tpu.memref_slice %arg6[%dma_wait3A_204] : memref<256xi32, #tpu.memory_space<vmem>> -> memref<32xi32, #tpu.memory_space<vmem>>
    %dma_wait3A_206 = arith.constant 0 : i32
    %dma_wait3A_207 = arith.constant 0 : i32
    %dma_wait3A_208 = tpu.memref_slice %arg3[%dma_wait3A_206, %dma_wait3A_207] : memref<9984x1024xf32, #tpu.memory_space<hbm>> -> memref<9984x1024xf32, #tpu.memory_space<hbm>>
    tpu.wait_indirect_dma semaphore(%arg12 : memref<!tpu.dma_semaphore, #tpu.memory_space<semaphore_mem>>) src(%dma_wait3A_208 : memref<9984x1024xf32, #tpu.memory_space<hbm>>) dst(%arg8 : memref<32x1024xf32, #tpu.memory_space<vmem>>)
    %dma_wait3A_209 = arith.constant 0 : i32
    %dma_wait3A_210 = tpu.memref_slice %arg2[%add3A_163, %dma_wait3A_209] : memref<4096x1024xf32, #tpu.memory_space<hbm>> -> memref<16x1024xf32, #tpu.memory_space<hbm>>
    %dma_wait3A_211 = arith.constant 0 : i32
    %dma_wait3A_212 = tpu.memref_slice %arg2[%add3A_163, %dma_wait3A_211] : memref<4096x1024xf32, #tpu.memory_space<hbm>> -> memref<16x1024xf32, #tpu.memory_space<hbm>>
    tpu.wait_dma2 semaphore(%arg14 : memref<!tpu.dma_semaphore, #tpu.memory_space<semaphore_mem>>) src(%dma_wait3A_212 : memref<16x1024xf32, #tpu.memory_space<hbm>>) dst(%arg10 : memref<16x1024xf32, #tpu.memory_space<vmem>>)
    %scan3A_213 = arith.constant 0 : i32
    %scan3A_214 = arith.constant 0 : i32
    %scan3A_215 = arith.constant 16 : i32
    %scan3A_216 = arith.addi %scan3A_214, %scan3A_215 : i32
    %scan3A_217 = arith.constant 1 : i32
    scf.for %scan3A_290 = %scan3A_214 to %scan3A_216 step %scan3A_217  : i32 {
      %scan3A_291 = arith.constant 0 : i32
      %scan3A_292 = arith.constant 64 : i32
      %scan3A_293 = arith.addi %scan3A_291, %scan3A_292 : i32
      %scan3A_294 = arith.constant 1 : i32
      scf.for %scan3A_296 = %scan3A_291 to %scan3A_293 step %scan3A_294  : i32 {
        %mul3A_297 = arith.constant 16 : i32
        %mul3A_298 = arith.muli %scan3A_296, %mul3A_297 : i32
        %get3A = arith.index_cast %scan3A_290 : i32 to index
        %get3A_299 = arith.index_cast %mul3A_298 : i32 to index
        %get3A_300 = tpu.vector_load %arg10[%get3A, %get3A_299] {strides = array<i32>} : memref<16x1024xf32, #tpu.memory_space<vmem>>, vector<1x16xf32>,
        %get3A_301 = vector.shape_cast %get3A_300 : vector<1x16xf32> to vector<16xf32>
        %mul3A_302 = arith.constant 2 : i32
        %mul3A_303 = arith.muli %mul3A_302, %scan3A_290 : i32
        %get3A_304 = arith.index_cast %mul3A_303 : i32 to index
        %get3A_305 = arith.index_cast %mul3A_298 : i32 to index
        %get3A_306 = tpu.vector_load %arg8[%get3A_304, %get3A_305] {strides = array<i32>} : memref<32x1024xf32, #tpu.memory_space<vmem>>, vector<1x16xf32>,
        %get3A_307 = vector.shape_cast %get3A_306 : vector<1x16xf32> to vector<16xf32>
        %add3A_308 = arith.addf %get3A_301, %get3A_307 : vector<16xf32>
        %mul3A_309 = arith.constant 2 : i32
        %mul3A_310 = arith.muli %mul3A_309, %scan3A_290 : i32
        %add3A_311 = arith.constant 1 : i32
        %add3A_312 = arith.addi %mul3A_310, %add3A_311 : i32
        %get3A_313 = arith.index_cast %add3A_312 : i32 to index
        %get3A_314 = arith.index_cast %mul3A_298 : i32 to index
        %get3A_315 = tpu.vector_load %arg8[%get3A_313, %get3A_314] {strides = array<i32>} : memref<32x1024xf32, #tpu.memory_space<vmem>>, vector<1x16xf32>,
        %get3A_316 = vector.shape_cast %get3A_315 : vector<1x16xf32> to vector<16xf32>
        %add3A_317 = arith.addf %add3A_308, %get3A_316 : vector<16xf32>
        %swap3A = arith.index_cast %scan3A_290 : i32 to index
        %swap3A_318 = arith.index_cast %mul3A_298 : i32 to index
        %swap3A_319 = tpu.vector_load %arg10[%swap3A, %swap3A_318] {strides = array<i32>} : memref<16x1024xf32, #tpu.memory_space<vmem>>, vector<1x16xf32>,
        %swap3A_320 = vector.shape_cast %swap3A_319 : vector<1x16xf32> to vector<16xf32>
        %swap3A_321 = vector.shape_cast %add3A_317 : vector<16xf32> to vector<1x16xf32>
        tpu.vector_store %arg10[%swap3A, %swap3A_318], %swap3A_321 {strides = array<i32>} : memref<16x1024xf32, #tpu.memory_space<vmem>>, vector<1x16xf32>,
      }
      %scan3A_295 = arith.constant 64 : i32
    }
    %scan3A_218 = arith.constant 16 : i32
    %add3A_219 = arith.constant 80 : i32
    %add3A_220 = arith.addi %mul3A_2, %add3A_219 : i32
    %dma_start3A_221 = arith.constant 0 : i32
    %dma_start3A_222 = tpu.memref_slice %arg5[%add3A_220, %dma_start3A_221] : memref<4096x1024xf32, #tpu.memory_space<hbm>> -> memref<16x1024xf32, #tpu.memory_space<hbm>>
    %dma_start3A_223 = arith.constant 0 : i32
    %dma_start3A_224 = tpu.memref_slice %arg5[%add3A_220, %dma_start3A_223] : memref<4096x1024xf32, #tpu.memory_space<hbm>> -> memref<16x1024xf32, #tpu.memory_space<hbm>>
    tpu.enqueue_dma source(%arg10 : memref<16x1024xf32, #tpu.memory_space<vmem>>) target(%dma_start3A_224 : memref<16x1024xf32, #tpu.memory_space<hbm>>) target_semaphore(%arg16 : memref<!tpu.dma_semaphore, #tpu.memory_space<semaphore_mem>>)
    %dma_wait3A_225 = arith.constant 0 : i32
    %dma_wait3A_226 = tpu.memref_slice %arg5[%add3A_220, %dma_wait3A_225] : memref<4096x1024xf32, #tpu.memory_space<hbm>> -> memref<16x1024xf32, #tpu.memory_space<hbm>>
    %dma_wait3A_227 = arith.constant 0 : i32
    %dma_wait3A_228 = tpu.memref_slice %arg5[%add3A_220, %dma_wait3A_227] : memref<4096x1024xf32, #tpu.memory_space<hbm>> -> memref<16x1024xf32, #tpu.memory_space<hbm>>
    tpu.wait_dma2 semaphore(%arg16 : memref<!tpu.dma_semaphore, #tpu.memory_space<semaphore_mem>>) src(%arg10 : memref<16x1024xf32, #tpu.memory_space<vmem>>) dst(%dma_wait3A_228 : memref<16x1024xf32, #tpu.memory_space<hbm>>)
    %dma_start3A_229 = arith.constant 224 : i32
    %dma_start3A_230 = tpu.memref_slice %arg6[%dma_start3A_229] : memref<256xi32, #tpu.memory_space<vmem>> -> memref<32xi32, #tpu.memory_space<vmem>>
    %dma_start3A_231 = arith.constant 0 : i32
    %dma_start3A_232 = arith.constant 0 : i32
    %dma_start3A_233 = tpu.memref_slice %arg3[%dma_start3A_231, %dma_start3A_232] : memref<9984x1024xf32, #tpu.memory_space<hbm>> -> memref<9984x1024xf32, #tpu.memory_space<hbm>>
    tpu.enqueue_indirect_dma source(%dma_start3A_233 : memref<9984x1024xf32, #tpu.memory_space<hbm>>) target(%arg8 : memref<32x1024xf32, #tpu.memory_space<vmem>>) offsets(%dma_start3A_230 : memref<32xi32, #tpu.memory_space<vmem>>) semaphore(%arg12 : memref<!tpu.dma_semaphore, #tpu.memory_space<semaphore_mem>>)
    %add3A_234 = arith.constant 112 : i32
    %add3A_235 = arith.addi %mul3A_2, %add3A_234 : i32
    %dma_start3A_236 = arith.constant 0 : i32
    %dma_start3A_237 = tpu.memref_slice %arg2[%add3A_235, %dma_start3A_236] : memref<4096x1024xf32, #tpu.memory_space<hbm>> -> memref<16x1024xf32, #tpu.memory_space<hbm>>
    %dma_start3A_238 = arith.constant 0 : i32
    %dma_start3A_239 = tpu.memref_slice %arg2[%add3A_235, %dma_start3A_238] : memref<4096x1024xf32, #tpu.memory_space<hbm>> -> memref<16x1024xf32, #tpu.memory_space<hbm>>
    tpu.enqueue_dma source(%dma_start3A_239 : memref<16x1024xf32, #tpu.memory_space<hbm>>) target(%arg10 : memref<16x1024xf32, #tpu.memory_space<vmem>>) target_semaphore(%arg14 : memref<!tpu.dma_semaphore, #tpu.memory_space<semaphore_mem>>)
    %dma_wait3A_240 = arith.constant 192 : i32
    %dma_wait3A_241 = tpu.memref_slice %arg6[%dma_wait3A_240] : memref<256xi32, #tpu.memory_space<vmem>> -> memref<32xi32, #tpu.memory_space<vmem>>
    %dma_wait3A_242 = arith.constant 0 : i32
    %dma_wait3A_243 = arith.constant 0 : i32
    %dma_wait3A_244 = tpu.memref_slice %arg3[%dma_wait3A_242, %dma_wait3A_243] : memref<9984x1024xf32, #tpu.memory_space<hbm>> -> memref<9984x1024xf32, #tpu.memory_space<hbm>>
    tpu.wait_indirect_dma semaphore(%arg11 : memref<!tpu.dma_semaphore, #tpu.memory_space<semaphore_mem>>) src(%dma_wait3A_244 : memref<9984x1024xf32, #tpu.memory_space<hbm>>) dst(%arg7 : memref<32x1024xf32, #tpu.memory_space<vmem>>)
    %dma_wait3A_245 = arith.constant 0 : i32
    %dma_wait3A_246 = tpu.memref_slice %arg2[%add3A_199, %dma_wait3A_245] : memref<4096x1024xf32, #tpu.memory_space<hbm>> -> memref<16x1024xf32, #tpu.memory_space<hbm>>
    %dma_wait3A_247 = arith.constant 0 : i32
    %dma_wait3A_248 = tpu.memref_slice %arg2[%add3A_199, %dma_wait3A_247] : memref<4096x1024xf32, #tpu.memory_space<hbm>> -> memref<16x1024xf32, #tpu.memory_space<hbm>>
    tpu.wait_dma2 semaphore(%arg13 : memref<!tpu.dma_semaphore, #tpu.memory_space<semaphore_mem>>) src(%dma_wait3A_248 : memref<16x1024xf32, #tpu.memory_space<hbm>>) dst(%arg9 : memref<16x1024xf32, #tpu.memory_space<vmem>>)
    %scan3A_249 = arith.constant 0 : i32
    %scan3A_250 = arith.constant 0 : i32
    %scan3A_251 = arith.constant 16 : i32
    %scan3A_252 = arith.addi %scan3A_250, %scan3A_251 : i32
    %scan3A_253 = arith.constant 1 : i32
    scf.for %scan3A_290 = %scan3A_250 to %scan3A_252 step %scan3A_253  : i32 {
      %scan3A_291 = arith.constant 0 : i32
      %scan3A_292 = arith.constant 64 : i32
      %scan3A_293 = arith.addi %scan3A_291, %scan3A_292 : i32
      %scan3A_294 = arith.constant 1 : i32
      scf.for %scan3A_296 = %scan3A_291 to %scan3A_293 step %scan3A_294  : i32 {
        %mul3A_297 = arith.constant 16 : i32
        %mul3A_298 = arith.muli %scan3A_296, %mul3A_297 : i32
        %get3A = arith.index_cast %scan3A_290 : i32 to index
        %get3A_299 = arith.index_cast %mul3A_298 : i32 to index
        %get3A_300 = tpu.vector_load %arg9[%get3A, %get3A_299] {strides = array<i32>} : memref<16x1024xf32, #tpu.memory_space<vmem>>, vector<1x16xf32>,
        %get3A_301 = vector.shape_cast %get3A_300 : vector<1x16xf32> to vector<16xf32>
        %mul3A_302 = arith.constant 2 : i32
        %mul3A_303 = arith.muli %mul3A_302, %scan3A_290 : i32
        %get3A_304 = arith.index_cast %mul3A_303 : i32 to index
        %get3A_305 = arith.index_cast %mul3A_298 : i32 to index
        %get3A_306 = tpu.vector_load %arg7[%get3A_304, %get3A_305] {strides = array<i32>} : memref<32x1024xf32, #tpu.memory_space<vmem>>, vector<1x16xf32>,
        %get3A_307 = vector.shape_cast %get3A_306 : vector<1x16xf32> to vector<16xf32>
        %add3A_308 = arith.addf %get3A_301, %get3A_307 : vector<16xf32>
        %mul3A_309 = arith.constant 2 : i32
        %mul3A_310 = arith.muli %mul3A_309, %scan3A_290 : i32
        %add3A_311 = arith.constant 1 : i32
        %add3A_312 = arith.addi %mul3A_310, %add3A_311 : i32
        %get3A_313 = arith.index_cast %add3A_312 : i32 to index
        %get3A_314 = arith.index_cast %mul3A_298 : i32 to index
        %get3A_315 = tpu.vector_load %arg7[%get3A_313, %get3A_314] {strides = array<i32>} : memref<32x1024xf32, #tpu.memory_space<vmem>>, vector<1x16xf32>,
        %get3A_316 = vector.shape_cast %get3A_315 : vector<1x16xf32> to vector<16xf32>
        %add3A_317 = arith.addf %add3A_308, %get3A_316 : vector<16xf32>
        %swap3A = arith.index_cast %scan3A_290 : i32 to index
        %swap3A_318 = arith.index_cast %mul3A_298 : i32 to index
        %swap3A_319 = tpu.vector_load %arg9[%swap3A, %swap3A_318] {strides = array<i32>} : memref<16x1024xf32, #tpu.memory_space<vmem>>, vector<1x16xf32>,
        %swap3A_320 = vector.shape_cast %swap3A_319 : vector<1x16xf32> to vector<16xf32>
        %swap3A_321 = vector.shape_cast %add3A_317 : vector<16xf32> to vector<1x16xf32>
        tpu.vector_store %arg9[%swap3A, %swap3A_318], %swap3A_321 {strides = array<i32>} : memref<16x1024xf32, #tpu.memory_space<vmem>>, vector<1x16xf32>,
      }
      %scan3A_295 = arith.constant 64 : i32
    }
    %scan3A_254 = arith.constant 16 : i32
    %add3A_255 = arith.constant 96 : i32
    %add3A_256 = arith.addi %mul3A_2, %add3A_255 : i32
    %dma_start3A_257 = arith.constant 0 : i32
    %dma_start3A_258 = tpu.memref_slice %arg5[%add3A_256, %dma_start3A_257] : memref<4096x1024xf32, #tpu.memory_space<hbm>> -> memref<16x1024xf32, #tpu.memory_space<hbm>>
    %dma_start3A_259 = arith.constant 0 : i32
    %dma_start3A_260 = tpu.memref_slice %arg5[%add3A_256, %dma_start3A_259] : memref<4096x1024xf32, #tpu.memory_space<hbm>> -> memref<16x1024xf32, #tpu.memory_space<hbm>>
    tpu.enqueue_dma source(%arg9 : memref<16x1024xf32, #tpu.memory_space<vmem>>) target(%dma_start3A_260 : memref<16x1024xf32, #tpu.memory_space<hbm>>) target_semaphore(%arg15 : memref<!tpu.dma_semaphore, #tpu.memory_space<semaphore_mem>>)
    %dma_wait3A_261 = arith.constant 224 : i32
    %dma_wait3A_262 = tpu.memref_slice %arg6[%dma_wait3A_261] : memref<256xi32, #tpu.memory_space<vmem>> -> memref<32xi32, #tpu.memory_space<vmem>>
    %dma_wait3A_263 = arith.constant 0 : i32
    %dma_wait3A_264 = arith.constant 0 : i32
    %dma_wait3A_265 = tpu.memref_slice %arg3[%dma_wait3A_263, %dma_wait3A_264] : memref<9984x1024xf32, #tpu.memory_space<hbm>> -> memref<9984x1024xf32, #tpu.memory_space<hbm>>
    tpu.wait_indirect_dma semaphore(%arg12 : memref<!tpu.dma_semaphore, #tpu.memory_space<semaphore_mem>>) src(%dma_wait3A_265 : memref<9984x1024xf32, #tpu.memory_space<hbm>>) dst(%arg8 : memref<32x1024xf32, #tpu.memory_space<vmem>>)
    %dma_wait3A_266 = arith.constant 0 : i32
    %dma_wait3A_267 = tpu.memref_slice %arg2[%add3A_235, %dma_wait3A_266] : memref<4096x1024xf32, #tpu.memory_space<hbm>> -> memref<16x1024xf32, #tpu.memory_space<hbm>>
    %dma_wait3A_268 = arith.constant 0 : i32
    %dma_wait3A_269 = tpu.memref_slice %arg2[%add3A_235, %dma_wait3A_268] : memref<4096x1024xf32, #tpu.memory_space<hbm>> -> memref<16x1024xf32, #tpu.memory_space<hbm>>
    tpu.wait_dma2 semaphore(%arg14 : memref<!tpu.dma_semaphore, #tpu.memory_space<semaphore_mem>>) src(%dma_wait3A_269 : memref<16x1024xf32, #tpu.memory_space<hbm>>) dst(%arg10 : memref<16x1024xf32, #tpu.memory_space<vmem>>)
    %scan3A_270 = arith.constant 0 : i32
    %scan3A_271 = arith.constant 0 : i32
    %scan3A_272 = arith.constant 16 : i32
    %scan3A_273 = arith.addi %scan3A_271, %scan3A_272 : i32
    %scan3A_274 = arith.constant 1 : i32
    scf.for %scan3A_290 = %scan3A_271 to %scan3A_273 step %scan3A_274  : i32 {
      %scan3A_291 = arith.constant 0 : i32
      %scan3A_292 = arith.constant 64 : i32
      %scan3A_293 = arith.addi %scan3A_291, %scan3A_292 : i32
      %scan3A_294 = arith.constant 1 : i32
      scf.for %scan3A_296 = %scan3A_291 to %scan3A_293 step %scan3A_294  : i32 {
        %mul3A_297 = arith.constant 16 : i32
        %mul3A_298 = arith.muli %scan3A_296, %mul3A_297 : i32
        %get3A = arith.index_cast %scan3A_290 : i32 to index
        %get3A_299 = arith.index_cast %mul3A_298 : i32 to index
        %get3A_300 = tpu.vector_load %arg10[%get3A, %get3A_299] {strides = array<i32>} : memref<16x1024xf32, #tpu.memory_space<vmem>>, vector<1x16xf32>,
        %get3A_301 = vector.shape_cast %get3A_300 : vector<1x16xf32> to vector<16xf32>
        %mul3A_302 = arith.constant 2 : i32
        %mul3A_303 = arith.muli %mul3A_302, %scan3A_290 : i32
        %get3A_304 = arith.index_cast %mul3A_303 : i32 to index
        %get3A_305 = arith.index_cast %mul3A_298 : i32 to index
        %get3A_306 = tpu.vector_load %arg8[%get3A_304, %get3A_305] {strides = array<i32>} : memref<32x1024xf32, #tpu.memory_space<vmem>>, vector<1x16xf32>,
        %get3A_307 = vector.shape_cast %get3A_306 : vector<1x16xf32> to vector<16xf32>
        %add3A_308 = arith.addf %get3A_301, %get3A_307 : vector<16xf32>
        %mul3A_309 = arith.constant 2 : i32
        %mul3A_310 = arith.muli %mul3A_309, %scan3A_290 : i32
        %add3A_311 = arith.constant 1 : i32
        %add3A_312 = arith.addi %mul3A_310, %add3A_311 : i32
        %get3A_313 = arith.index_cast %add3A_312 : i32 to index
        %get3A_314 = arith.index_cast %mul3A_298 : i32 to index
        %get3A_315 = tpu.vector_load %arg8[%get3A_313, %get3A_314] {strides = array<i32>} : memref<32x1024xf32, #tpu.memory_space<vmem>>, vector<1x16xf32>,
        %get3A_316 = vector.shape_cast %get3A_315 : vector<1x16xf32> to vector<16xf32>
        %add3A_317 = arith.addf %add3A_308, %get3A_316 : vector<16xf32>
        %swap3A = arith.index_cast %scan3A_290 : i32 to index
        %swap3A_318 = arith.index_cast %mul3A_298 : i32 to index
        %swap3A_319 = tpu.vector_load %arg10[%swap3A, %swap3A_318] {strides = array<i32>} : memref<16x1024xf32, #tpu.memory_space<vmem>>, vector<1x16xf32>,
        %swap3A_320 = vector.shape_cast %swap3A_319 : vector<1x16xf32> to vector<16xf32>
        %swap3A_321 = vector.shape_cast %add3A_317 : vector<16xf32> to vector<1x16xf32>
        tpu.vector_store %arg10[%swap3A, %swap3A_318], %swap3A_321 {strides = array<i32>} : memref<16x1024xf32, #tpu.memory_space<vmem>>, vector<1x16xf32>,
      }
      %scan3A_295 = arith.constant 64 : i32
    }
    %scan3A_275 = arith.constant 16 : i32
    %add3A_276 = arith.constant 112 : i32
    %add3A_277 = arith.addi %mul3A_2, %add3A_276 : i32
    %dma_start3A_278 = arith.constant 0 : i32
    %dma_start3A_279 = tpu.memref_slice %arg5[%add3A_277, %dma_start3A_278] : memref<4096x1024xf32, #tpu.memory_space<hbm>> -> memref<16x1024xf32, #tpu.memory_space<hbm>>
    %dma_start3A_280 = arith.constant 0 : i32
    %dma_start3A_281 = tpu.memref_slice %arg5[%add3A_277, %dma_start3A_280] : memref<4096x1024xf32, #tpu.memory_space<hbm>> -> memref<16x1024xf32, #tpu.memory_space<hbm>>
    tpu.enqueue_dma source(%arg10 : memref<16x1024xf32, #tpu.memory_space<vmem>>) target(%dma_start3A_281 : memref<16x1024xf32, #tpu.memory_space<hbm>>) target_semaphore(%arg16 : memref<!tpu.dma_semaphore, #tpu.memory_space<semaphore_mem>>)
    %dma_wait3A_282 = arith.constant 0 : i32
    %dma_wait3A_283 = tpu.memref_slice %arg5[%add3A_256, %dma_wait3A_282] : memref<4096x1024xf32, #tpu.memory_space<hbm>> -> memref<16x1024xf32, #tpu.memory_space<hbm>>
    %dma_wait3A_284 = arith.constant 0 : i32
    %dma_wait3A_285 = tpu.memref_slice %arg5[%add3A_256, %dma_wait3A_284] : memref<4096x1024xf32, #tpu.memory_space<hbm>> -> memref<16x1024xf32, #tpu.memory_space<hbm>>
    tpu.wait_dma2 semaphore(%arg15 : memref<!tpu.dma_semaphore, #tpu.memory_space<semaphore_mem>>) src(%arg9 : memref<16x1024xf32, #tpu.memory_space<vmem>>) dst(%dma_wait3A_285 : memref<16x1024xf32, #tpu.memory_space<hbm>>)
    %dma_wait3A_286 = arith.constant 0 : i32
    %dma_wait3A_287 = tpu.memref_slice %arg5[%add3A_277, %dma_wait3A_286] : memref<4096x1024xf32, #tpu.memory_space<hbm>> -> memref<16x1024xf32, #tpu.memory_space<hbm>>
    %dma_wait3A_288 = arith.constant 0 : i32
    %dma_wait3A_289 = tpu.memref_slice %arg5[%add3A_277, %dma_wait3A_288] : memref<4096x1024xf32, #tpu.memory_space<hbm>> -> memref<16x1024xf32, #tpu.memory_space<hbm>>
    tpu.wait_dma2 semaphore(%arg16 : memref<!tpu.dma_semaphore, #tpu.memory_space<semaphore_mem>>) src(%arg10 : memref<16x1024xf32, #tpu.memory_space<vmem>>) dst(%dma_wait3A_289 : memref<16x1024xf32, #tpu.memory_space<hbm>>)
    return
  }
}

#map = affine_map<(d0, d1) -> (0, 0)>
#map1 = affine_map<(d0, d1) -> (0)>
module attributes {stable_mosaic.version = 14 : i64} {
  func.func @k(%arg0: i32, %arg1: i32, %arg2: memref<4096x1024xf32, #tpu.memory_space<hbm>>, %arg3: memref<9984xi32, #tpu.memory_space<hbm>>, %arg4: memref<9984x1024xf32, #tpu.memory_space<hbm>>, %arg5: memref<312xi32, #tpu.memory_space<vmem>>, %arg6: memref<24x1024xf32, #tpu.memory_space<vmem>>, %arg7: memref<24x1024xf32, #tpu.memory_space<vmem>>, %arg8: memref<!tpu.dma_semaphore, #tpu.memory_space<semaphore_mem>>, %arg9: memref<!tpu.dma_semaphore, #tpu.memory_space<semaphore_mem>>, %arg10: memref<!tpu.dma_semaphore, #tpu.memory_space<semaphore_mem>>, %arg11: memref<!tpu.dma_semaphore, #tpu.memory_space<semaphore_mem>>) attributes {dimension_semantics = [#tpu.dimension_semantics<core_parallel>, #tpu.dimension_semantics<subcore_parallel>], iteration_bounds = array<i64: 2, 16>, scalar_prefetch = 0 : i64, scratch_operands = 7 : i64, tpu.core_type = #tpu.core_type<sc_vector_subcore>, window_params = [{transform_indices = #map}, {transform_indices = #map1}, {transform_indices = #map}]} {
    %mul3A = arith.constant 2 : i32
    %mul3A_0 = arith.muli %arg1, %mul3A : i32
    %add3A = arith.addi %mul3A_0, %arg0 : i32
    %mul3A_1 = arith.constant 312 : i32
    %mul3A_2 = arith.muli %add3A, %mul3A_1 : i32
    "tpu.region"() ({
      %run_scoped3A = tpu.sem_alloc : memref<!tpu.dma_semaphore, #tpu.memory_space<semaphore_mem>>
      %dma_start3A_261 = tpu.memref_slice %arg3[%mul3A_2] : memref<9984xi32, #tpu.memory_space<hbm>> -> memref<312xi32, #tpu.memory_space<hbm>>
      %dma_start3A_262 = tpu.memref_slice %arg3[%mul3A_2] : memref<9984xi32, #tpu.memory_space<hbm>> -> memref<312xi32, #tpu.memory_space<hbm>>
      tpu.enqueue_dma source(%dma_start3A_262 : memref<312xi32, #tpu.memory_space<hbm>>) target(%arg5 : memref<312xi32, #tpu.memory_space<vmem>>) target_semaphore(%run_scoped3A : memref<!tpu.dma_semaphore, #tpu.memory_space<semaphore_mem>>)
      %dma_wait3A_263 = tpu.memref_slice %arg3[%mul3A_2] : memref<9984xi32, #tpu.memory_space<hbm>> -> memref<312xi32, #tpu.memory_space<hbm>>
      %dma_wait3A_264 = tpu.memref_slice %arg3[%mul3A_2] : memref<9984xi32, #tpu.memory_space<hbm>> -> memref<312xi32, #tpu.memory_space<hbm>>
      tpu.wait_dma2 semaphore(%run_scoped3A : memref<!tpu.dma_semaphore, #tpu.memory_space<semaphore_mem>>) src(%dma_wait3A_264 : memref<312xi32, #tpu.memory_space<hbm>>) dst(%arg5 : memref<312xi32, #tpu.memory_space<vmem>>)
      tpu.yield
    }) : () -> ()
    %dma_start3A = arith.constant 0 : i32
    %dma_start3A_3 = tpu.memref_slice %arg5[%dma_start3A] : memref<312xi32, #tpu.memory_space<vmem>> -> memref<24xi32, #tpu.memory_space<vmem>>
    %dma_start3A_4 = arith.constant 0 : i32
    %dma_start3A_5 = arith.constant 0 : i32
    %dma_start3A_6 = tpu.memref_slice %arg2[%dma_start3A_4, %dma_start3A_5] : memref<4096x1024xf32, #tpu.memory_space<hbm>> -> memref<4096x1024xf32, #tpu.memory_space<hbm>>
    tpu.enqueue_indirect_dma source(%dma_start3A_6 : memref<4096x1024xf32, #tpu.memory_space<hbm>>) target(%arg6 : memref<24x1024xf32, #tpu.memory_space<vmem>>) offsets(%dma_start3A_3 : memref<24xi32, #tpu.memory_space<vmem>>) semaphore(%arg8 : memref<!tpu.dma_semaphore, #tpu.memory_space<semaphore_mem>>)
    %dma_start3A_7 = arith.constant 24 : i32
    %dma_start3A_8 = tpu.memref_slice %arg5[%dma_start3A_7] : memref<312xi32, #tpu.memory_space<vmem>> -> memref<24xi32, #tpu.memory_space<vmem>>
    %dma_start3A_9 = arith.constant 0 : i32
    %dma_start3A_10 = arith.constant 0 : i32
    %dma_start3A_11 = tpu.memref_slice %arg2[%dma_start3A_9, %dma_start3A_10] : memref<4096x1024xf32, #tpu.memory_space<hbm>> -> memref<4096x1024xf32, #tpu.memory_space<hbm>>
    tpu.enqueue_indirect_dma source(%dma_start3A_11 : memref<4096x1024xf32, #tpu.memory_space<hbm>>) target(%arg7 : memref<24x1024xf32, #tpu.memory_space<vmem>>) offsets(%dma_start3A_8 : memref<24xi32, #tpu.memory_space<vmem>>) semaphore(%arg9 : memref<!tpu.dma_semaphore, #tpu.memory_space<semaphore_mem>>)
    %dma_wait3A = arith.constant 0 : i32
    %dma_wait3A_12 = tpu.memref_slice %arg5[%dma_wait3A] : memref<312xi32, #tpu.memory_space<vmem>> -> memref<24xi32, #tpu.memory_space<vmem>>
    %dma_wait3A_13 = arith.constant 0 : i32
    %dma_wait3A_14 = arith.constant 0 : i32
    %dma_wait3A_15 = tpu.memref_slice %arg2[%dma_wait3A_13, %dma_wait3A_14] : memref<4096x1024xf32, #tpu.memory_space<hbm>> -> memref<4096x1024xf32, #tpu.memory_space<hbm>>
    tpu.wait_indirect_dma semaphore(%arg8 : memref<!tpu.dma_semaphore, #tpu.memory_space<semaphore_mem>>) src(%dma_wait3A_15 : memref<4096x1024xf32, #tpu.memory_space<hbm>>) dst(%arg6 : memref<24x1024xf32, #tpu.memory_space<vmem>>)
    %add3A_16 = arith.constant 0 : i32
    %add3A_17 = arith.addi %mul3A_2, %add3A_16 : i32
    %dma_start3A_18 = arith.constant 0 : i32
    %dma_start3A_19 = tpu.memref_slice %arg4[%add3A_17, %dma_start3A_18] : memref<9984x1024xf32, #tpu.memory_space<hbm>> -> memref<24x1024xf32, #tpu.memory_space<hbm>>
    %dma_start3A_20 = arith.constant 0 : i32
    %dma_start3A_21 = tpu.memref_slice %arg4[%add3A_17, %dma_start3A_20] : memref<9984x1024xf32, #tpu.memory_space<hbm>> -> memref<24x1024xf32, #tpu.memory_space<hbm>>
    tpu.enqueue_dma source(%arg6 : memref<24x1024xf32, #tpu.memory_space<vmem>>) target(%dma_start3A_21 : memref<24x1024xf32, #tpu.memory_space<hbm>>) target_semaphore(%arg10 : memref<!tpu.dma_semaphore, #tpu.memory_space<semaphore_mem>>)
    %dma_wait3A_22 = arith.constant 0 : i32
    %dma_wait3A_23 = tpu.memref_slice %arg4[%add3A_17, %dma_wait3A_22] : memref<9984x1024xf32, #tpu.memory_space<hbm>> -> memref<24x1024xf32, #tpu.memory_space<hbm>>
    %dma_wait3A_24 = arith.constant 0 : i32
    %dma_wait3A_25 = tpu.memref_slice %arg4[%add3A_17, %dma_wait3A_24] : memref<9984x1024xf32, #tpu.memory_space<hbm>> -> memref<24x1024xf32, #tpu.memory_space<hbm>>
    tpu.wait_dma2 semaphore(%arg10 : memref<!tpu.dma_semaphore, #tpu.memory_space<semaphore_mem>>) src(%arg6 : memref<24x1024xf32, #tpu.memory_space<vmem>>) dst(%dma_wait3A_25 : memref<24x1024xf32, #tpu.memory_space<hbm>>)
    %dma_start3A_26 = arith.constant 48 : i32
    %dma_start3A_27 = tpu.memref_slice %arg5[%dma_start3A_26] : memref<312xi32, #tpu.memory_space<vmem>> -> memref<24xi32, #tpu.memory_space<vmem>>
    %dma_start3A_28 = arith.constant 0 : i32
    %dma_start3A_29 = arith.constant 0 : i32
    %dma_start3A_30 = tpu.memref_slice %arg2[%dma_start3A_28, %dma_start3A_29] : memref<4096x1024xf32, #tpu.memory_space<hbm>> -> memref<4096x1024xf32, #tpu.memory_space<hbm>>
    tpu.enqueue_indirect_dma source(%dma_start3A_30 : memref<4096x1024xf32, #tpu.memory_space<hbm>>) target(%arg6 : memref<24x1024xf32, #tpu.memory_space<vmem>>) offsets(%dma_start3A_27 : memref<24xi32, #tpu.memory_space<vmem>>) semaphore(%arg8 : memref<!tpu.dma_semaphore, #tpu.memory_space<semaphore_mem>>)
    %dma_wait3A_31 = arith.constant 24 : i32
    %dma_wait3A_32 = tpu.memref_slice %arg5[%dma_wait3A_31] : memref<312xi32, #tpu.memory_space<vmem>> -> memref<24xi32, #tpu.memory_space<vmem>>
    %dma_wait3A_33 = arith.constant 0 : i32
    %dma_wait3A_34 = arith.constant 0 : i32
    %dma_wait3A_35 = tpu.memref_slice %arg2[%dma_wait3A_33, %dma_wait3A_34] : memref<4096x1024xf32, #tpu.memory_space<hbm>> -> memref<4096x1024xf32, #tpu.memory_space<hbm>>
    tpu.wait_indirect_dma semaphore(%arg9 : memref<!tpu.dma_semaphore, #tpu.memory_space<semaphore_mem>>) src(%dma_wait3A_35 : memref<4096x1024xf32, #tpu.memory_space<hbm>>) dst(%arg7 : memref<24x1024xf32, #tpu.memory_space<vmem>>)
    %add3A_36 = arith.constant 24 : i32
    %add3A_37 = arith.addi %mul3A_2, %add3A_36 : i32
    %dma_start3A_38 = arith.constant 0 : i32
    %dma_start3A_39 = tpu.memref_slice %arg4[%add3A_37, %dma_start3A_38] : memref<9984x1024xf32, #tpu.memory_space<hbm>> -> memref<24x1024xf32, #tpu.memory_space<hbm>>
    %dma_start3A_40 = arith.constant 0 : i32
    %dma_start3A_41 = tpu.memref_slice %arg4[%add3A_37, %dma_start3A_40] : memref<9984x1024xf32, #tpu.memory_space<hbm>> -> memref<24x1024xf32, #tpu.memory_space<hbm>>
    tpu.enqueue_dma source(%arg7 : memref<24x1024xf32, #tpu.memory_space<vmem>>) target(%dma_start3A_41 : memref<24x1024xf32, #tpu.memory_space<hbm>>) target_semaphore(%arg11 : memref<!tpu.dma_semaphore, #tpu.memory_space<semaphore_mem>>)
    %dma_wait3A_42 = arith.constant 0 : i32
    %dma_wait3A_43 = tpu.memref_slice %arg4[%add3A_37, %dma_wait3A_42] : memref<9984x1024xf32, #tpu.memory_space<hbm>> -> memref<24x1024xf32, #tpu.memory_space<hbm>>
    %dma_wait3A_44 = arith.constant 0 : i32
    %dma_wait3A_45 = tpu.memref_slice %arg4[%add3A_37, %dma_wait3A_44] : memref<9984x1024xf32, #tpu.memory_space<hbm>> -> memref<24x1024xf32, #tpu.memory_space<hbm>>
    tpu.wait_dma2 semaphore(%arg11 : memref<!tpu.dma_semaphore, #tpu.memory_space<semaphore_mem>>) src(%arg7 : memref<24x1024xf32, #tpu.memory_space<vmem>>) dst(%dma_wait3A_45 : memref<24x1024xf32, #tpu.memory_space<hbm>>)
    %dma_start3A_46 = arith.constant 72 : i32
    %dma_start3A_47 = tpu.memref_slice %arg5[%dma_start3A_46] : memref<312xi32, #tpu.memory_space<vmem>> -> memref<24xi32, #tpu.memory_space<vmem>>
    %dma_start3A_48 = arith.constant 0 : i32
    %dma_start3A_49 = arith.constant 0 : i32
    %dma_start3A_50 = tpu.memref_slice %arg2[%dma_start3A_48, %dma_start3A_49] : memref<4096x1024xf32, #tpu.memory_space<hbm>> -> memref<4096x1024xf32, #tpu.memory_space<hbm>>
    tpu.enqueue_indirect_dma source(%dma_start3A_50 : memref<4096x1024xf32, #tpu.memory_space<hbm>>) target(%arg7 : memref<24x1024xf32, #tpu.memory_space<vmem>>) offsets(%dma_start3A_47 : memref<24xi32, #tpu.memory_space<vmem>>) semaphore(%arg9 : memref<!tpu.dma_semaphore, #tpu.memory_space<semaphore_mem>>)
    %dma_wait3A_51 = arith.constant 48 : i32
    %dma_wait3A_52 = tpu.memref_slice %arg5[%dma_wait3A_51] : memref<312xi32, #tpu.memory_space<vmem>> -> memref<24xi32, #tpu.memory_space<vmem>>
    %dma_wait3A_53 = arith.constant 0 : i32
    %dma_wait3A_54 = arith.constant 0 : i32
    %dma_wait3A_55 = tpu.memref_slice %arg2[%dma_wait3A_53, %dma_wait3A_54] : memref<4096x1024xf32, #tpu.memory_space<hbm>> -> memref<4096x1024xf32, #tpu.memory_space<hbm>>
    tpu.wait_indirect_dma semaphore(%arg8 : memref<!tpu.dma_semaphore, #tpu.memory_space<semaphore_mem>>) src(%dma_wait3A_55 : memref<4096x1024xf32, #tpu.memory_space<hbm>>) dst(%arg6 : memref<24x1024xf32, #tpu.memory_space<vmem>>)
    %add3A_56 = arith.constant 48 : i32
    %add3A_57 = arith.addi %mul3A_2, %add3A_56 : i32
    %dma_start3A_58 = arith.constant 0 : i32
    %dma_start3A_59 = tpu.memref_slice %arg4[%add3A_57, %dma_start3A_58] : memref<9984x1024xf32, #tpu.memory_space<hbm>> -> memref<24x1024xf32, #tpu.memory_space<hbm>>
    %dma_start3A_60 = arith.constant 0 : i32
    %dma_start3A_61 = tpu.memref_slice %arg4[%add3A_57, %dma_start3A_60] : memref<9984x1024xf32, #tpu.memory_space<hbm>> -> memref<24x1024xf32, #tpu.memory_space<hbm>>
    tpu.enqueue_dma source(%arg6 : memref<24x1024xf32, #tpu.memory_space<vmem>>) target(%dma_start3A_61 : memref<24x1024xf32, #tpu.memory_space<hbm>>) target_semaphore(%arg10 : memref<!tpu.dma_semaphore, #tpu.memory_space<semaphore_mem>>)
    %dma_wait3A_62 = arith.constant 0 : i32
    %dma_wait3A_63 = tpu.memref_slice %arg4[%add3A_57, %dma_wait3A_62] : memref<9984x1024xf32, #tpu.memory_space<hbm>> -> memref<24x1024xf32, #tpu.memory_space<hbm>>
    %dma_wait3A_64 = arith.constant 0 : i32
    %dma_wait3A_65 = tpu.memref_slice %arg4[%add3A_57, %dma_wait3A_64] : memref<9984x1024xf32, #tpu.memory_space<hbm>> -> memref<24x1024xf32, #tpu.memory_space<hbm>>
    tpu.wait_dma2 semaphore(%arg10 : memref<!tpu.dma_semaphore, #tpu.memory_space<semaphore_mem>>) src(%arg6 : memref<24x1024xf32, #tpu.memory_space<vmem>>) dst(%dma_wait3A_65 : memref<24x1024xf32, #tpu.memory_space<hbm>>)
    %dma_start3A_66 = arith.constant 96 : i32
    %dma_start3A_67 = tpu.memref_slice %arg5[%dma_start3A_66] : memref<312xi32, #tpu.memory_space<vmem>> -> memref<24xi32, #tpu.memory_space<vmem>>
    %dma_start3A_68 = arith.constant 0 : i32
    %dma_start3A_69 = arith.constant 0 : i32
    %dma_start3A_70 = tpu.memref_slice %arg2[%dma_start3A_68, %dma_start3A_69] : memref<4096x1024xf32, #tpu.memory_space<hbm>> -> memref<4096x1024xf32, #tpu.memory_space<hbm>>
    tpu.enqueue_indirect_dma source(%dma_start3A_70 : memref<4096x1024xf32, #tpu.memory_space<hbm>>) target(%arg6 : memref<24x1024xf32, #tpu.memory_space<vmem>>) offsets(%dma_start3A_67 : memref<24xi32, #tpu.memory_space<vmem>>) semaphore(%arg8 : memref<!tpu.dma_semaphore, #tpu.memory_space<semaphore_mem>>)
    %dma_wait3A_71 = arith.constant 72 : i32
    %dma_wait3A_72 = tpu.memref_slice %arg5[%dma_wait3A_71] : memref<312xi32, #tpu.memory_space<vmem>> -> memref<24xi32, #tpu.memory_space<vmem>>
    %dma_wait3A_73 = arith.constant 0 : i32
    %dma_wait3A_74 = arith.constant 0 : i32
    %dma_wait3A_75 = tpu.memref_slice %arg2[%dma_wait3A_73, %dma_wait3A_74] : memref<4096x1024xf32, #tpu.memory_space<hbm>> -> memref<4096x1024xf32, #tpu.memory_space<hbm>>
    tpu.wait_indirect_dma semaphore(%arg9 : memref<!tpu.dma_semaphore, #tpu.memory_space<semaphore_mem>>) src(%dma_wait3A_75 : memref<4096x1024xf32, #tpu.memory_space<hbm>>) dst(%arg7 : memref<24x1024xf32, #tpu.memory_space<vmem>>)
    %add3A_76 = arith.constant 72 : i32
    %add3A_77 = arith.addi %mul3A_2, %add3A_76 : i32
    %dma_start3A_78 = arith.constant 0 : i32
    %dma_start3A_79 = tpu.memref_slice %arg4[%add3A_77, %dma_start3A_78] : memref<9984x1024xf32, #tpu.memory_space<hbm>> -> memref<24x1024xf32, #tpu.memory_space<hbm>>
    %dma_start3A_80 = arith.constant 0 : i32
    %dma_start3A_81 = tpu.memref_slice %arg4[%add3A_77, %dma_start3A_80] : memref<9984x1024xf32, #tpu.memory_space<hbm>> -> memref<24x1024xf32, #tpu.memory_space<hbm>>
    tpu.enqueue_dma source(%arg7 : memref<24x1024xf32, #tpu.memory_space<vmem>>) target(%dma_start3A_81 : memref<24x1024xf32, #tpu.memory_space<hbm>>) target_semaphore(%arg11 : memref<!tpu.dma_semaphore, #tpu.memory_space<semaphore_mem>>)
    %dma_wait3A_82 = arith.constant 0 : i32
    %dma_wait3A_83 = tpu.memref_slice %arg4[%add3A_77, %dma_wait3A_82] : memref<9984x1024xf32, #tpu.memory_space<hbm>> -> memref<24x1024xf32, #tpu.memory_space<hbm>>
    %dma_wait3A_84 = arith.constant 0 : i32
    %dma_wait3A_85 = tpu.memref_slice %arg4[%add3A_77, %dma_wait3A_84] : memref<9984x1024xf32, #tpu.memory_space<hbm>> -> memref<24x1024xf32, #tpu.memory_space<hbm>>
    tpu.wait_dma2 semaphore(%arg11 : memref<!tpu.dma_semaphore, #tpu.memory_space<semaphore_mem>>) src(%arg7 : memref<24x1024xf32, #tpu.memory_space<vmem>>) dst(%dma_wait3A_85 : memref<24x1024xf32, #tpu.memory_space<hbm>>)
    %dma_start3A_86 = arith.constant 120 : i32
    %dma_start3A_87 = tpu.memref_slice %arg5[%dma_start3A_86] : memref<312xi32, #tpu.memory_space<vmem>> -> memref<24xi32, #tpu.memory_space<vmem>>
    %dma_start3A_88 = arith.constant 0 : i32
    %dma_start3A_89 = arith.constant 0 : i32
    %dma_start3A_90 = tpu.memref_slice %arg2[%dma_start3A_88, %dma_start3A_89] : memref<4096x1024xf32, #tpu.memory_space<hbm>> -> memref<4096x1024xf32, #tpu.memory_space<hbm>>
    tpu.enqueue_indirect_dma source(%dma_start3A_90 : memref<4096x1024xf32, #tpu.memory_space<hbm>>) target(%arg7 : memref<24x1024xf32, #tpu.memory_space<vmem>>) offsets(%dma_start3A_87 : memref<24xi32, #tpu.memory_space<vmem>>) semaphore(%arg9 : memref<!tpu.dma_semaphore, #tpu.memory_space<semaphore_mem>>)
    %dma_wait3A_91 = arith.constant 96 : i32
    %dma_wait3A_92 = tpu.memref_slice %arg5[%dma_wait3A_91] : memref<312xi32, #tpu.memory_space<vmem>> -> memref<24xi32, #tpu.memory_space<vmem>>
    %dma_wait3A_93 = arith.constant 0 : i32
    %dma_wait3A_94 = arith.constant 0 : i32
    %dma_wait3A_95 = tpu.memref_slice %arg2[%dma_wait3A_93, %dma_wait3A_94] : memref<4096x1024xf32, #tpu.memory_space<hbm>> -> memref<4096x1024xf32, #tpu.memory_space<hbm>>
    tpu.wait_indirect_dma semaphore(%arg8 : memref<!tpu.dma_semaphore, #tpu.memory_space<semaphore_mem>>) src(%dma_wait3A_95 : memref<4096x1024xf32, #tpu.memory_space<hbm>>) dst(%arg6 : memref<24x1024xf32, #tpu.memory_space<vmem>>)
    %add3A_96 = arith.constant 96 : i32
    %add3A_97 = arith.addi %mul3A_2, %add3A_96 : i32
    %dma_start3A_98 = arith.constant 0 : i32
    %dma_start3A_99 = tpu.memref_slice %arg4[%add3A_97, %dma_start3A_98] : memref<9984x1024xf32, #tpu.memory_space<hbm>> -> memref<24x1024xf32, #tpu.memory_space<hbm>>
    %dma_start3A_100 = arith.constant 0 : i32
    %dma_start3A_101 = tpu.memref_slice %arg4[%add3A_97, %dma_start3A_100] : memref<9984x1024xf32, #tpu.memory_space<hbm>> -> memref<24x1024xf32, #tpu.memory_space<hbm>>
    tpu.enqueue_dma source(%arg6 : memref<24x1024xf32, #tpu.memory_space<vmem>>) target(%dma_start3A_101 : memref<24x1024xf32, #tpu.memory_space<hbm>>) target_semaphore(%arg10 : memref<!tpu.dma_semaphore, #tpu.memory_space<semaphore_mem>>)
    %dma_wait3A_102 = arith.constant 0 : i32
    %dma_wait3A_103 = tpu.memref_slice %arg4[%add3A_97, %dma_wait3A_102] : memref<9984x1024xf32, #tpu.memory_space<hbm>> -> memref<24x1024xf32, #tpu.memory_space<hbm>>
    %dma_wait3A_104 = arith.constant 0 : i32
    %dma_wait3A_105 = tpu.memref_slice %arg4[%add3A_97, %dma_wait3A_104] : memref<9984x1024xf32, #tpu.memory_space<hbm>> -> memref<24x1024xf32, #tpu.memory_space<hbm>>
    tpu.wait_dma2 semaphore(%arg10 : memref<!tpu.dma_semaphore, #tpu.memory_space<semaphore_mem>>) src(%arg6 : memref<24x1024xf32, #tpu.memory_space<vmem>>) dst(%dma_wait3A_105 : memref<24x1024xf32, #tpu.memory_space<hbm>>)
    %dma_start3A_106 = arith.constant 144 : i32
    %dma_start3A_107 = tpu.memref_slice %arg5[%dma_start3A_106] : memref<312xi32, #tpu.memory_space<vmem>> -> memref<24xi32, #tpu.memory_space<vmem>>
    %dma_start3A_108 = arith.constant 0 : i32
    %dma_start3A_109 = arith.constant 0 : i32
    %dma_start3A_110 = tpu.memref_slice %arg2[%dma_start3A_108, %dma_start3A_109] : memref<4096x1024xf32, #tpu.memory_space<hbm>> -> memref<4096x1024xf32, #tpu.memory_space<hbm>>
    tpu.enqueue_indirect_dma source(%dma_start3A_110 : memref<4096x1024xf32, #tpu.memory_space<hbm>>) target(%arg6 : memref<24x1024xf32, #tpu.memory_space<vmem>>) offsets(%dma_start3A_107 : memref<24xi32, #tpu.memory_space<vmem>>) semaphore(%arg8 : memref<!tpu.dma_semaphore, #tpu.memory_space<semaphore_mem>>)
    %dma_wait3A_111 = arith.constant 120 : i32
    %dma_wait3A_112 = tpu.memref_slice %arg5[%dma_wait3A_111] : memref<312xi32, #tpu.memory_space<vmem>> -> memref<24xi32, #tpu.memory_space<vmem>>
    %dma_wait3A_113 = arith.constant 0 : i32
    %dma_wait3A_114 = arith.constant 0 : i32
    %dma_wait3A_115 = tpu.memref_slice %arg2[%dma_wait3A_113, %dma_wait3A_114] : memref<4096x1024xf32, #tpu.memory_space<hbm>> -> memref<4096x1024xf32, #tpu.memory_space<hbm>>
    tpu.wait_indirect_dma semaphore(%arg9 : memref<!tpu.dma_semaphore, #tpu.memory_space<semaphore_mem>>) src(%dma_wait3A_115 : memref<4096x1024xf32, #tpu.memory_space<hbm>>) dst(%arg7 : memref<24x1024xf32, #tpu.memory_space<vmem>>)
    %add3A_116 = arith.constant 120 : i32
    %add3A_117 = arith.addi %mul3A_2, %add3A_116 : i32
    %dma_start3A_118 = arith.constant 0 : i32
    %dma_start3A_119 = tpu.memref_slice %arg4[%add3A_117, %dma_start3A_118] : memref<9984x1024xf32, #tpu.memory_space<hbm>> -> memref<24x1024xf32, #tpu.memory_space<hbm>>
    %dma_start3A_120 = arith.constant 0 : i32
    %dma_start3A_121 = tpu.memref_slice %arg4[%add3A_117, %dma_start3A_120] : memref<9984x1024xf32, #tpu.memory_space<hbm>> -> memref<24x1024xf32, #tpu.memory_space<hbm>>
    tpu.enqueue_dma source(%arg7 : memref<24x1024xf32, #tpu.memory_space<vmem>>) target(%dma_start3A_121 : memref<24x1024xf32, #tpu.memory_space<hbm>>) target_semaphore(%arg11 : memref<!tpu.dma_semaphore, #tpu.memory_space<semaphore_mem>>)
    %dma_wait3A_122 = arith.constant 0 : i32
    %dma_wait3A_123 = tpu.memref_slice %arg4[%add3A_117, %dma_wait3A_122] : memref<9984x1024xf32, #tpu.memory_space<hbm>> -> memref<24x1024xf32, #tpu.memory_space<hbm>>
    %dma_wait3A_124 = arith.constant 0 : i32
    %dma_wait3A_125 = tpu.memref_slice %arg4[%add3A_117, %dma_wait3A_124] : memref<9984x1024xf32, #tpu.memory_space<hbm>> -> memref<24x1024xf32, #tpu.memory_space<hbm>>
    tpu.wait_dma2 semaphore(%arg11 : memref<!tpu.dma_semaphore, #tpu.memory_space<semaphore_mem>>) src(%arg7 : memref<24x1024xf32, #tpu.memory_space<vmem>>) dst(%dma_wait3A_125 : memref<24x1024xf32, #tpu.memory_space<hbm>>)
    %dma_start3A_126 = arith.constant 168 : i32
    %dma_start3A_127 = tpu.memref_slice %arg5[%dma_start3A_126] : memref<312xi32, #tpu.memory_space<vmem>> -> memref<24xi32, #tpu.memory_space<vmem>>
    %dma_start3A_128 = arith.constant 0 : i32
    %dma_start3A_129 = arith.constant 0 : i32
    %dma_start3A_130 = tpu.memref_slice %arg2[%dma_start3A_128, %dma_start3A_129] : memref<4096x1024xf32, #tpu.memory_space<hbm>> -> memref<4096x1024xf32, #tpu.memory_space<hbm>>
    tpu.enqueue_indirect_dma source(%dma_start3A_130 : memref<4096x1024xf32, #tpu.memory_space<hbm>>) target(%arg7 : memref<24x1024xf32, #tpu.memory_space<vmem>>) offsets(%dma_start3A_127 : memref<24xi32, #tpu.memory_space<vmem>>) semaphore(%arg9 : memref<!tpu.dma_semaphore, #tpu.memory_space<semaphore_mem>>)
    %dma_wait3A_131 = arith.constant 144 : i32
    %dma_wait3A_132 = tpu.memref_slice %arg5[%dma_wait3A_131] : memref<312xi32, #tpu.memory_space<vmem>> -> memref<24xi32, #tpu.memory_space<vmem>>
    %dma_wait3A_133 = arith.constant 0 : i32
    %dma_wait3A_134 = arith.constant 0 : i32
    %dma_wait3A_135 = tpu.memref_slice %arg2[%dma_wait3A_133, %dma_wait3A_134] : memref<4096x1024xf32, #tpu.memory_space<hbm>> -> memref<4096x1024xf32, #tpu.memory_space<hbm>>
    tpu.wait_indirect_dma semaphore(%arg8 : memref<!tpu.dma_semaphore, #tpu.memory_space<semaphore_mem>>) src(%dma_wait3A_135 : memref<4096x1024xf32, #tpu.memory_space<hbm>>) dst(%arg6 : memref<24x1024xf32, #tpu.memory_space<vmem>>)
    %add3A_136 = arith.constant 144 : i32
    %add3A_137 = arith.addi %mul3A_2, %add3A_136 : i32
    %dma_start3A_138 = arith.constant 0 : i32
    %dma_start3A_139 = tpu.memref_slice %arg4[%add3A_137, %dma_start3A_138] : memref<9984x1024xf32, #tpu.memory_space<hbm>> -> memref<24x1024xf32, #tpu.memory_space<hbm>>
    %dma_start3A_140 = arith.constant 0 : i32
    %dma_start3A_141 = tpu.memref_slice %arg4[%add3A_137, %dma_start3A_140] : memref<9984x1024xf32, #tpu.memory_space<hbm>> -> memref<24x1024xf32, #tpu.memory_space<hbm>>
    tpu.enqueue_dma source(%arg6 : memref<24x1024xf32, #tpu.memory_space<vmem>>) target(%dma_start3A_141 : memref<24x1024xf32, #tpu.memory_space<hbm>>) target_semaphore(%arg10 : memref<!tpu.dma_semaphore, #tpu.memory_space<semaphore_mem>>)
    %dma_wait3A_142 = arith.constant 0 : i32
    %dma_wait3A_143 = tpu.memref_slice %arg4[%add3A_137, %dma_wait3A_142] : memref<9984x1024xf32, #tpu.memory_space<hbm>> -> memref<24x1024xf32, #tpu.memory_space<hbm>>
    %dma_wait3A_144 = arith.constant 0 : i32
    %dma_wait3A_145 = tpu.memref_slice %arg4[%add3A_137, %dma_wait3A_144] : memref<9984x1024xf32, #tpu.memory_space<hbm>> -> memref<24x1024xf32, #tpu.memory_space<hbm>>
    tpu.wait_dma2 semaphore(%arg10 : memref<!tpu.dma_semaphore, #tpu.memory_space<semaphore_mem>>) src(%arg6 : memref<24x1024xf32, #tpu.memory_space<vmem>>) dst(%dma_wait3A_145 : memref<24x1024xf32, #tpu.memory_space<hbm>>)
    %dma_start3A_146 = arith.constant 192 : i32
    %dma_start3A_147 = tpu.memref_slice %arg5[%dma_start3A_146] : memref<312xi32, #tpu.memory_space<vmem>> -> memref<24xi32, #tpu.memory_space<vmem>>
    %dma_start3A_148 = arith.constant 0 : i32
    %dma_start3A_149 = arith.constant 0 : i32
    %dma_start3A_150 = tpu.memref_slice %arg2[%dma_start3A_148, %dma_start3A_149] : memref<4096x1024xf32, #tpu.memory_space<hbm>> -> memref<4096x1024xf32, #tpu.memory_space<hbm>>
    tpu.enqueue_indirect_dma source(%dma_start3A_150 : memref<4096x1024xf32, #tpu.memory_space<hbm>>) target(%arg6 : memref<24x1024xf32, #tpu.memory_space<vmem>>) offsets(%dma_start3A_147 : memref<24xi32, #tpu.memory_space<vmem>>) semaphore(%arg8 : memref<!tpu.dma_semaphore, #tpu.memory_space<semaphore_mem>>)
    %dma_wait3A_151 = arith.constant 168 : i32
    %dma_wait3A_152 = tpu.memref_slice %arg5[%dma_wait3A_151] : memref<312xi32, #tpu.memory_space<vmem>> -> memref<24xi32, #tpu.memory_space<vmem>>
    %dma_wait3A_153 = arith.constant 0 : i32
    %dma_wait3A_154 = arith.constant 0 : i32
    %dma_wait3A_155 = tpu.memref_slice %arg2[%dma_wait3A_153, %dma_wait3A_154] : memref<4096x1024xf32, #tpu.memory_space<hbm>> -> memref<4096x1024xf32, #tpu.memory_space<hbm>>
    tpu.wait_indirect_dma semaphore(%arg9 : memref<!tpu.dma_semaphore, #tpu.memory_space<semaphore_mem>>) src(%dma_wait3A_155 : memref<4096x1024xf32, #tpu.memory_space<hbm>>) dst(%arg7 : memref<24x1024xf32, #tpu.memory_space<vmem>>)
    %add3A_156 = arith.constant 168 : i32
    %add3A_157 = arith.addi %mul3A_2, %add3A_156 : i32
    %dma_start3A_158 = arith.constant 0 : i32
    %dma_start3A_159 = tpu.memref_slice %arg4[%add3A_157, %dma_start3A_158] : memref<9984x1024xf32, #tpu.memory_space<hbm>> -> memref<24x1024xf32, #tpu.memory_space<hbm>>
    %dma_start3A_160 = arith.constant 0 : i32
    %dma_start3A_161 = tpu.memref_slice %arg4[%add3A_157, %dma_start3A_160] : memref<9984x1024xf32, #tpu.memory_space<hbm>> -> memref<24x1024xf32, #tpu.memory_space<hbm>>
    tpu.enqueue_dma source(%arg7 : memref<24x1024xf32, #tpu.memory_space<vmem>>) target(%dma_start3A_161 : memref<24x1024xf32, #tpu.memory_space<hbm>>) target_semaphore(%arg11 : memref<!tpu.dma_semaphore, #tpu.memory_space<semaphore_mem>>)
    %dma_wait3A_162 = arith.constant 0 : i32
    %dma_wait3A_163 = tpu.memref_slice %arg4[%add3A_157, %dma_wait3A_162] : memref<9984x1024xf32, #tpu.memory_space<hbm>> -> memref<24x1024xf32, #tpu.memory_space<hbm>>
    %dma_wait3A_164 = arith.constant 0 : i32
    %dma_wait3A_165 = tpu.memref_slice %arg4[%add3A_157, %dma_wait3A_164] : memref<9984x1024xf32, #tpu.memory_space<hbm>> -> memref<24x1024xf32, #tpu.memory_space<hbm>>
    tpu.wait_dma2 semaphore(%arg11 : memref<!tpu.dma_semaphore, #tpu.memory_space<semaphore_mem>>) src(%arg7 : memref<24x1024xf32, #tpu.memory_space<vmem>>) dst(%dma_wait3A_165 : memref<24x1024xf32, #tpu.memory_space<hbm>>)
    %dma_start3A_166 = arith.constant 216 : i32
    %dma_start3A_167 = tpu.memref_slice %arg5[%dma_start3A_166] : memref<312xi32, #tpu.memory_space<vmem>> -> memref<24xi32, #tpu.memory_space<vmem>>
    %dma_start3A_168 = arith.constant 0 : i32
    %dma_start3A_169 = arith.constant 0 : i32
    %dma_start3A_170 = tpu.memref_slice %arg2[%dma_start3A_168, %dma_start3A_169] : memref<4096x1024xf32, #tpu.memory_space<hbm>> -> memref<4096x1024xf32, #tpu.memory_space<hbm>>
    tpu.enqueue_indirect_dma source(%dma_start3A_170 : memref<4096x1024xf32, #tpu.memory_space<hbm>>) target(%arg7 : memref<24x1024xf32, #tpu.memory_space<vmem>>) offsets(%dma_start3A_167 : memref<24xi32, #tpu.memory_space<vmem>>) semaphore(%arg9 : memref<!tpu.dma_semaphore, #tpu.memory_space<semaphore_mem>>)
    %dma_wait3A_171 = arith.constant 192 : i32
    %dma_wait3A_172 = tpu.memref_slice %arg5[%dma_wait3A_171] : memref<312xi32, #tpu.memory_space<vmem>> -> memref<24xi32, #tpu.memory_space<vmem>>
    %dma_wait3A_173 = arith.constant 0 : i32
    %dma_wait3A_174 = arith.constant 0 : i32
    %dma_wait3A_175 = tpu.memref_slice %arg2[%dma_wait3A_173, %dma_wait3A_174] : memref<4096x1024xf32, #tpu.memory_space<hbm>> -> memref<4096x1024xf32, #tpu.memory_space<hbm>>
    tpu.wait_indirect_dma semaphore(%arg8 : memref<!tpu.dma_semaphore, #tpu.memory_space<semaphore_mem>>) src(%dma_wait3A_175 : memref<4096x1024xf32, #tpu.memory_space<hbm>>) dst(%arg6 : memref<24x1024xf32, #tpu.memory_space<vmem>>)
    %add3A_176 = arith.constant 192 : i32
    %add3A_177 = arith.addi %mul3A_2, %add3A_176 : i32
    %dma_start3A_178 = arith.constant 0 : i32
    %dma_start3A_179 = tpu.memref_slice %arg4[%add3A_177, %dma_start3A_178] : memref<9984x1024xf32, #tpu.memory_space<hbm>> -> memref<24x1024xf32, #tpu.memory_space<hbm>>
    %dma_start3A_180 = arith.constant 0 : i32
    %dma_start3A_181 = tpu.memref_slice %arg4[%add3A_177, %dma_start3A_180] : memref<9984x1024xf32, #tpu.memory_space<hbm>> -> memref<24x1024xf32, #tpu.memory_space<hbm>>
    tpu.enqueue_dma source(%arg6 : memref<24x1024xf32, #tpu.memory_space<vmem>>) target(%dma_start3A_181 : memref<24x1024xf32, #tpu.memory_space<hbm>>) target_semaphore(%arg10 : memref<!tpu.dma_semaphore, #tpu.memory_space<semaphore_mem>>)
    %dma_wait3A_182 = arith.constant 0 : i32
    %dma_wait3A_183 = tpu.memref_slice %arg4[%add3A_177, %dma_wait3A_182] : memref<9984x1024xf32, #tpu.memory_space<hbm>> -> memref<24x1024xf32, #tpu.memory_space<hbm>>
    %dma_wait3A_184 = arith.constant 0 : i32
    %dma_wait3A_185 = tpu.memref_slice %arg4[%add3A_177, %dma_wait3A_184] : memref<9984x1024xf32, #tpu.memory_space<hbm>> -> memref<24x1024xf32, #tpu.memory_space<hbm>>
    tpu.wait_dma2 semaphore(%arg10 : memref<!tpu.dma_semaphore, #tpu.memory_space<semaphore_mem>>) src(%arg6 : memref<24x1024xf32, #tpu.memory_space<vmem>>) dst(%dma_wait3A_185 : memref<24x1024xf32, #tpu.memory_space<hbm>>)
    %dma_start3A_186 = arith.constant 240 : i32
    %dma_start3A_187 = tpu.memref_slice %arg5[%dma_start3A_186] : memref<312xi32, #tpu.memory_space<vmem>> -> memref<24xi32, #tpu.memory_space<vmem>>
    %dma_start3A_188 = arith.constant 0 : i32
    %dma_start3A_189 = arith.constant 0 : i32
    %dma_start3A_190 = tpu.memref_slice %arg2[%dma_start3A_188, %dma_start3A_189] : memref<4096x1024xf32, #tpu.memory_space<hbm>> -> memref<4096x1024xf32, #tpu.memory_space<hbm>>
    tpu.enqueue_indirect_dma source(%dma_start3A_190 : memref<4096x1024xf32, #tpu.memory_space<hbm>>) target(%arg6 : memref<24x1024xf32, #tpu.memory_space<vmem>>) offsets(%dma_start3A_187 : memref<24xi32, #tpu.memory_space<vmem>>) semaphore(%arg8 : memref<!tpu.dma_semaphore, #tpu.memory_space<semaphore_mem>>)
    %dma_wait3A_191 = arith.constant 216 : i32
    %dma_wait3A_192 = tpu.memref_slice %arg5[%dma_wait3A_191] : memref<312xi32, #tpu.memory_space<vmem>> -> memref<24xi32, #tpu.memory_space<vmem>>
    %dma_wait3A_193 = arith.constant 0 : i32
    %dma_wait3A_194 = arith.constant 0 : i32
    %dma_wait3A_195 = tpu.memref_slice %arg2[%dma_wait3A_193, %dma_wait3A_194] : memref<4096x1024xf32, #tpu.memory_space<hbm>> -> memref<4096x1024xf32, #tpu.memory_space<hbm>>
    tpu.wait_indirect_dma semaphore(%arg9 : memref<!tpu.dma_semaphore, #tpu.memory_space<semaphore_mem>>) src(%dma_wait3A_195 : memref<4096x1024xf32, #tpu.memory_space<hbm>>) dst(%arg7 : memref<24x1024xf32, #tpu.memory_space<vmem>>)
    %add3A_196 = arith.constant 216 : i32
    %add3A_197 = arith.addi %mul3A_2, %add3A_196 : i32
    %dma_start3A_198 = arith.constant 0 : i32
    %dma_start3A_199 = tpu.memref_slice %arg4[%add3A_197, %dma_start3A_198] : memref<9984x1024xf32, #tpu.memory_space<hbm>> -> memref<24x1024xf32, #tpu.memory_space<hbm>>
    %dma_start3A_200 = arith.constant 0 : i32
    %dma_start3A_201 = tpu.memref_slice %arg4[%add3A_197, %dma_start3A_200] : memref<9984x1024xf32, #tpu.memory_space<hbm>> -> memref<24x1024xf32, #tpu.memory_space<hbm>>
    tpu.enqueue_dma source(%arg7 : memref<24x1024xf32, #tpu.memory_space<vmem>>) target(%dma_start3A_201 : memref<24x1024xf32, #tpu.memory_space<hbm>>) target_semaphore(%arg11 : memref<!tpu.dma_semaphore, #tpu.memory_space<semaphore_mem>>)
    %dma_wait3A_202 = arith.constant 0 : i32
    %dma_wait3A_203 = tpu.memref_slice %arg4[%add3A_197, %dma_wait3A_202] : memref<9984x1024xf32, #tpu.memory_space<hbm>> -> memref<24x1024xf32, #tpu.memory_space<hbm>>
    %dma_wait3A_204 = arith.constant 0 : i32
    %dma_wait3A_205 = tpu.memref_slice %arg4[%add3A_197, %dma_wait3A_204] : memref<9984x1024xf32, #tpu.memory_space<hbm>> -> memref<24x1024xf32, #tpu.memory_space<hbm>>
    tpu.wait_dma2 semaphore(%arg11 : memref<!tpu.dma_semaphore, #tpu.memory_space<semaphore_mem>>) src(%arg7 : memref<24x1024xf32, #tpu.memory_space<vmem>>) dst(%dma_wait3A_205 : memref<24x1024xf32, #tpu.memory_space<hbm>>)
    %dma_start3A_206 = arith.constant 264 : i32
    %dma_start3A_207 = tpu.memref_slice %arg5[%dma_start3A_206] : memref<312xi32, #tpu.memory_space<vmem>> -> memref<24xi32, #tpu.memory_space<vmem>>
    %dma_start3A_208 = arith.constant 0 : i32
    %dma_start3A_209 = arith.constant 0 : i32
    %dma_start3A_210 = tpu.memref_slice %arg2[%dma_start3A_208, %dma_start3A_209] : memref<4096x1024xf32, #tpu.memory_space<hbm>> -> memref<4096x1024xf32, #tpu.memory_space<hbm>>
    tpu.enqueue_indirect_dma source(%dma_start3A_210 : memref<4096x1024xf32, #tpu.memory_space<hbm>>) target(%arg7 : memref<24x1024xf32, #tpu.memory_space<vmem>>) offsets(%dma_start3A_207 : memref<24xi32, #tpu.memory_space<vmem>>) semaphore(%arg9 : memref<!tpu.dma_semaphore, #tpu.memory_space<semaphore_mem>>)
    %dma_wait3A_211 = arith.constant 240 : i32
    %dma_wait3A_212 = tpu.memref_slice %arg5[%dma_wait3A_211] : memref<312xi32, #tpu.memory_space<vmem>> -> memref<24xi32, #tpu.memory_space<vmem>>
    %dma_wait3A_213 = arith.constant 0 : i32
    %dma_wait3A_214 = arith.constant 0 : i32
    %dma_wait3A_215 = tpu.memref_slice %arg2[%dma_wait3A_213, %dma_wait3A_214] : memref<4096x1024xf32, #tpu.memory_space<hbm>> -> memref<4096x1024xf32, #tpu.memory_space<hbm>>
    tpu.wait_indirect_dma semaphore(%arg8 : memref<!tpu.dma_semaphore, #tpu.memory_space<semaphore_mem>>) src(%dma_wait3A_215 : memref<4096x1024xf32, #tpu.memory_space<hbm>>) dst(%arg6 : memref<24x1024xf32, #tpu.memory_space<vmem>>)
    %add3A_216 = arith.constant 240 : i32
    %add3A_217 = arith.addi %mul3A_2, %add3A_216 : i32
    %dma_start3A_218 = arith.constant 0 : i32
    %dma_start3A_219 = tpu.memref_slice %arg4[%add3A_217, %dma_start3A_218] : memref<9984x1024xf32, #tpu.memory_space<hbm>> -> memref<24x1024xf32, #tpu.memory_space<hbm>>
    %dma_start3A_220 = arith.constant 0 : i32
    %dma_start3A_221 = tpu.memref_slice %arg4[%add3A_217, %dma_start3A_220] : memref<9984x1024xf32, #tpu.memory_space<hbm>> -> memref<24x1024xf32, #tpu.memory_space<hbm>>
    tpu.enqueue_dma source(%arg6 : memref<24x1024xf32, #tpu.memory_space<vmem>>) target(%dma_start3A_221 : memref<24x1024xf32, #tpu.memory_space<hbm>>) target_semaphore(%arg10 : memref<!tpu.dma_semaphore, #tpu.memory_space<semaphore_mem>>)
    %dma_wait3A_222 = arith.constant 0 : i32
    %dma_wait3A_223 = tpu.memref_slice %arg4[%add3A_217, %dma_wait3A_222] : memref<9984x1024xf32, #tpu.memory_space<hbm>> -> memref<24x1024xf32, #tpu.memory_space<hbm>>
    %dma_wait3A_224 = arith.constant 0 : i32
    %dma_wait3A_225 = tpu.memref_slice %arg4[%add3A_217, %dma_wait3A_224] : memref<9984x1024xf32, #tpu.memory_space<hbm>> -> memref<24x1024xf32, #tpu.memory_space<hbm>>
    tpu.wait_dma2 semaphore(%arg10 : memref<!tpu.dma_semaphore, #tpu.memory_space<semaphore_mem>>) src(%arg6 : memref<24x1024xf32, #tpu.memory_space<vmem>>) dst(%dma_wait3A_225 : memref<24x1024xf32, #tpu.memory_space<hbm>>)
    %dma_start3A_226 = arith.constant 288 : i32
    %dma_start3A_227 = tpu.memref_slice %arg5[%dma_start3A_226] : memref<312xi32, #tpu.memory_space<vmem>> -> memref<24xi32, #tpu.memory_space<vmem>>
    %dma_start3A_228 = arith.constant 0 : i32
    %dma_start3A_229 = arith.constant 0 : i32
    %dma_start3A_230 = tpu.memref_slice %arg2[%dma_start3A_228, %dma_start3A_229] : memref<4096x1024xf32, #tpu.memory_space<hbm>> -> memref<4096x1024xf32, #tpu.memory_space<hbm>>
    tpu.enqueue_indirect_dma source(%dma_start3A_230 : memref<4096x1024xf32, #tpu.memory_space<hbm>>) target(%arg6 : memref<24x1024xf32, #tpu.memory_space<vmem>>) offsets(%dma_start3A_227 : memref<24xi32, #tpu.memory_space<vmem>>) semaphore(%arg8 : memref<!tpu.dma_semaphore, #tpu.memory_space<semaphore_mem>>)
    %dma_wait3A_231 = arith.constant 264 : i32
    %dma_wait3A_232 = tpu.memref_slice %arg5[%dma_wait3A_231] : memref<312xi32, #tpu.memory_space<vmem>> -> memref<24xi32, #tpu.memory_space<vmem>>
    %dma_wait3A_233 = arith.constant 0 : i32
    %dma_wait3A_234 = arith.constant 0 : i32
    %dma_wait3A_235 = tpu.memref_slice %arg2[%dma_wait3A_233, %dma_wait3A_234] : memref<4096x1024xf32, #tpu.memory_space<hbm>> -> memref<4096x1024xf32, #tpu.memory_space<hbm>>
    tpu.wait_indirect_dma semaphore(%arg9 : memref<!tpu.dma_semaphore, #tpu.memory_space<semaphore_mem>>) src(%dma_wait3A_235 : memref<4096x1024xf32, #tpu.memory_space<hbm>>) dst(%arg7 : memref<24x1024xf32, #tpu.memory_space<vmem>>)
    %add3A_236 = arith.constant 264 : i32
    %add3A_237 = arith.addi %mul3A_2, %add3A_236 : i32
    %dma_start3A_238 = arith.constant 0 : i32
    %dma_start3A_239 = tpu.memref_slice %arg4[%add3A_237, %dma_start3A_238] : memref<9984x1024xf32, #tpu.memory_space<hbm>> -> memref<24x1024xf32, #tpu.memory_space<hbm>>
    %dma_start3A_240 = arith.constant 0 : i32
    %dma_start3A_241 = tpu.memref_slice %arg4[%add3A_237, %dma_start3A_240] : memref<9984x1024xf32, #tpu.memory_space<hbm>> -> memref<24x1024xf32, #tpu.memory_space<hbm>>
    tpu.enqueue_dma source(%arg7 : memref<24x1024xf32, #tpu.memory_space<vmem>>) target(%dma_start3A_241 : memref<24x1024xf32, #tpu.memory_space<hbm>>) target_semaphore(%arg11 : memref<!tpu.dma_semaphore, #tpu.memory_space<semaphore_mem>>)
    %dma_wait3A_242 = arith.constant 288 : i32
    %dma_wait3A_243 = tpu.memref_slice %arg5[%dma_wait3A_242] : memref<312xi32, #tpu.memory_space<vmem>> -> memref<24xi32, #tpu.memory_space<vmem>>
    %dma_wait3A_244 = arith.constant 0 : i32
    %dma_wait3A_245 = arith.constant 0 : i32
    %dma_wait3A_246 = tpu.memref_slice %arg2[%dma_wait3A_244, %dma_wait3A_245] : memref<4096x1024xf32, #tpu.memory_space<hbm>> -> memref<4096x1024xf32, #tpu.memory_space<hbm>>
    tpu.wait_indirect_dma semaphore(%arg8 : memref<!tpu.dma_semaphore, #tpu.memory_space<semaphore_mem>>) src(%dma_wait3A_246 : memref<4096x1024xf32, #tpu.memory_space<hbm>>) dst(%arg6 : memref<24x1024xf32, #tpu.memory_space<vmem>>)
    %add3A_247 = arith.constant 288 : i32
    %add3A_248 = arith.addi %mul3A_2, %add3A_247 : i32
    %dma_start3A_249 = arith.constant 0 : i32
    %dma_start3A_250 = tpu.memref_slice %arg4[%add3A_248, %dma_start3A_249] : memref<9984x1024xf32, #tpu.memory_space<hbm>> -> memref<24x1024xf32, #tpu.memory_space<hbm>>
    %dma_start3A_251 = arith.constant 0 : i32
    %dma_start3A_252 = tpu.memref_slice %arg4[%add3A_248, %dma_start3A_251] : memref<9984x1024xf32, #tpu.memory_space<hbm>> -> memref<24x1024xf32, #tpu.memory_space<hbm>>
    tpu.enqueue_dma source(%arg6 : memref<24x1024xf32, #tpu.memory_space<vmem>>) target(%dma_start3A_252 : memref<24x1024xf32, #tpu.memory_space<hbm>>) target_semaphore(%arg10 : memref<!tpu.dma_semaphore, #tpu.memory_space<semaphore_mem>>)
    %dma_wait3A_253 = arith.constant 0 : i32
    %dma_wait3A_254 = tpu.memref_slice %arg4[%add3A_237, %dma_wait3A_253] : memref<9984x1024xf32, #tpu.memory_space<hbm>> -> memref<24x1024xf32, #tpu.memory_space<hbm>>
    %dma_wait3A_255 = arith.constant 0 : i32
    %dma_wait3A_256 = tpu.memref_slice %arg4[%add3A_237, %dma_wait3A_255] : memref<9984x1024xf32, #tpu.memory_space<hbm>> -> memref<24x1024xf32, #tpu.memory_space<hbm>>
    tpu.wait_dma2 semaphore(%arg11 : memref<!tpu.dma_semaphore, #tpu.memory_space<semaphore_mem>>) src(%arg7 : memref<24x1024xf32, #tpu.memory_space<vmem>>) dst(%dma_wait3A_256 : memref<24x1024xf32, #tpu.memory_space<hbm>>)
    %dma_wait3A_257 = arith.constant 0 : i32
    %dma_wait3A_258 = tpu.memref_slice %arg4[%add3A_248, %dma_wait3A_257] : memref<9984x1024xf32, #tpu.memory_space<hbm>> -> memref<24x1024xf32, #tpu.memory_space<hbm>>
    %dma_wait3A_259 = arith.constant 0 : i32
    %dma_wait3A_260 = tpu.memref_slice %arg4[%add3A_248, %dma_wait3A_259] : memref<9984x1024xf32, #tpu.memory_space<hbm>> -> memref<24x1024xf32, #tpu.memory_space<hbm>>
    tpu.wait_dma2 semaphore(%arg10 : memref<!tpu.dma_semaphore, #tpu.memory_space<semaphore_mem>>) src(%arg6 : memref<24x1024xf32, #tpu.memory_space<vmem>>) dst(%dma_wait3A_260 : memref<24x1024xf32, #tpu.memory_space<hbm>>)
    return
  }
}

module attributes {stable_mosaic.version = 14 : i64} {
  func.func @_shared_a_body(%arg0: i32, %arg1: i32, %arg2: memref<256x1024xf32, #tpu.memory_space<vmem>>, %arg3: memref<1024x1408xf32, #tpu.memory_space<vmem>>, %arg4: memref<1024x1408xf32, #tpu.memory_space<vmem>>, %arg5: memref<256x1408xbf16, #tpu.memory_space<vmem>>) attributes {dimension_semantics = [#tpu.dimension_semantics<arbitrary>, #tpu.dimension_semantics<arbitrary>], iteration_bounds = array<i64: 2, 16>, scalar_prefetch = 0 : i64, scratch_operands = 0 : i64, tpu.core_type = #tpu.core_type<tc>, window_params = [{transform_indices = @transform_0, window_bounds = array<i64: 256, 1024>}, {transform_indices = @transform_1, window_bounds = array<i64: 1024, 1408>}, {transform_indices = @transform_2, window_bounds = array<i64: 1024, 1408>}, {transform_indices = @transform_3, window_bounds = array<i64: 256, 1408>}]} {
    %get3A = arith.constant 0 : index
    %get3A_0 = arith.constant 0 : index
    %get3A_1 = vector.load %arg2[%get3A, %get3A_0] : memref<256x1024xf32, #tpu.memory_space<vmem>>, vector<256x1024xf32>
    %convert_element_type3A = arith.truncf %get3A_1 : vector<256x1024xf32> to vector<256x1024xbf16>
    %get3A_2 = arith.constant 0 : index
    %get3A_3 = arith.constant 0 : index
    %get3A_4 = vector.load %arg3[%get3A_2, %get3A_3] : memref<1024x1408xf32, #tpu.memory_space<vmem>>, vector<1024x1408xf32>
    %convert_element_type3A_5 = arith.truncf %get3A_4 : vector<1024x1408xf32> to vector<1024x1408xbf16>
    %get3A_6 = arith.constant 0 : index
    %get3A_7 = arith.constant 0 : index
    %get3A_8 = vector.load %arg4[%get3A_6, %get3A_7] : memref<1024x1408xf32, #tpu.memory_space<vmem>>, vector<1024x1408xf32>
    %convert_element_type3A_9 = arith.truncf %get3A_8 : vector<1024x1408xf32> to vector<1024x1408xbf16>
    %dot_general3A = arith.constant dense<0.000000e+00> : vector<256x1408xf32>
    %dot_general3A_10 = tpu.matmul %convert_element_type3A, %convert_element_type3A_5, %dot_general3A {dimension_numbers = #tpu.dot_dimension_numbers<[1], [0], [0], [1], [0, 0, 1, 1], [], []>, transpose_lhs_hint = false} : vector<256x1024xbf16>, vector<1024x1408xbf16>, vector<256x1408xf32> -> vector<256x1408xf32>
    %dot_general3A_11 = arith.constant dense<0.000000e+00> : vector<256x1408xf32>
    %dot_general3A_12 = tpu.matmul %convert_element_type3A, %convert_element_type3A_9, %dot_general3A_11 {dimension_numbers = #tpu.dot_dimension_numbers<[1], [0], [0], [1], [0, 0, 1, 1], [], []>, transpose_lhs_hint = false} : vector<256x1024xbf16>, vector<1024x1408xbf16>, vector<256x1408xf32> -> vector<256x1408xf32>
    %logistic3A = arith.negf %dot_general3A_10 : vector<256x1408xf32>
    %logistic3A_13 = math.exp %logistic3A : vector<256x1408xf32>
    %logistic3A_14 = arith.constant 1.000000e+00 : f32
    %logistic3A_15 = vector.broadcast %logistic3A_14 : f32 to vector<256x1408xf32>
    %logistic3A_16 = arith.addf %logistic3A_15, %logistic3A_13 : vector<256x1408xf32>
    %logistic3A_17 = arith.divf %logistic3A_15, %logistic3A_16 : vector<256x1408xf32>
    %mul3A = arith.mulf %dot_general3A_10, %logistic3A_17 : vector<256x1408xf32>
    %mul3A_18 = arith.mulf %mul3A, %dot_general3A_12 : vector<256x1408xf32>
    %convert_element_type3A_19 = arith.truncf %mul3A_18 : vector<256x1408xf32> to vector<256x1408xbf16>
    %swap3A = arith.constant 0 : index
    %swap3A_20 = arith.constant 0 : index
    %swap3A_21 = vector.load %arg5[%swap3A, %swap3A_20] : memref<256x1408xbf16, #tpu.memory_space<vmem>>, vector<256x1408xbf16>
    tpu.vector_store %arg5[%swap3A, %swap3A_20], %convert_element_type3A_19 {strides = array<i32>} : memref<256x1408xbf16, #tpu.memory_space<vmem>>, vector<256x1408xbf16>,
    return
  }
  func.func @transform_0(%arg0: i32, %arg1: i32) -> (i32, i32) {
    %c0_i32 = arith.constant 0 : i32
    %c0_i32_0 = arith.constant 0 : i32
    return %arg1, %c0_i32 : i32, i32
  }
  func.func @transform_1(%arg0: i32, %arg1: i32) -> (i32, i32) {
    %c0_i32 = arith.constant 0 : i32
    %c0_i32_0 = arith.constant 0 : i32
    return %c0_i32, %arg0 : i32, i32
  }
  func.func @transform_2(%arg0: i32, %arg1: i32) -> (i32, i32) {
    %c0_i32 = arith.constant 0 : i32
    %c0_i32_0 = arith.constant 0 : i32
    return %c0_i32, %arg0 : i32, i32
  }
  func.func @transform_3(%arg0: i32, %arg1: i32) -> (i32, i32) {
    %c0_i32 = arith.constant 0 : i32
    return %arg1, %arg0 : i32, i32
  }
}

module attributes {stable_mosaic.version = 14 : i64} {
  func.func @_shared_b_body(%arg0: i32, %arg1: i32, %arg2: memref<256x2816xbf16, #tpu.memory_space<vmem>>, %arg3: memref<2816x1024xf32, #tpu.memory_space<vmem>>, %arg4: memref<256x1024xf32, #tpu.memory_space<vmem>>) attributes {dimension_semantics = [#tpu.dimension_semantics<arbitrary>, #tpu.dimension_semantics<arbitrary>], iteration_bounds = array<i64: 1, 16>, scalar_prefetch = 0 : i64, scratch_operands = 0 : i64, tpu.core_type = #tpu.core_type<tc>, window_params = [{transform_indices = @transform_0, window_bounds = array<i64: 256, 2816>}, {transform_indices = @transform_1, window_bounds = array<i64: 2816, 1024>}, {transform_indices = @transform_2, window_bounds = array<i64: 256, 1024>}]} {
    %get3A = arith.constant 0 : index
    %get3A_0 = arith.constant 0 : index
    %get3A_1 = vector.load %arg3[%get3A, %get3A_0] : memref<2816x1024xf32, #tpu.memory_space<vmem>>, vector<2816x1024xf32>
    %convert_element_type3A = arith.truncf %get3A_1 : vector<2816x1024xf32> to vector<2816x1024xbf16>
    %get3A_2 = arith.constant 0 : index
    %get3A_3 = arith.constant 0 : index
    %get3A_4 = vector.load %arg2[%get3A_2, %get3A_3] : memref<256x2816xbf16, #tpu.memory_space<vmem>>, vector<256x2816xbf16>
    %dot_general3A = arith.constant dense<0.000000e+00> : vector<256x1024xf32>
    %dot_general3A_5 = tpu.matmul %get3A_4, %convert_element_type3A, %dot_general3A {dimension_numbers = #tpu.dot_dimension_numbers<[1], [0], [0], [1], [0, 0, 1, 1], [], []>, transpose_lhs_hint = false} : vector<256x2816xbf16>, vector<2816x1024xbf16>, vector<256x1024xf32> -> vector<256x1024xf32>
    %swap3A = arith.constant 0 : index
    %swap3A_6 = arith.constant 0 : index
    %swap3A_7 = vector.load %arg4[%swap3A, %swap3A_6] : memref<256x1024xf32, #tpu.memory_space<vmem>>, vector<256x1024xf32>
    tpu.vector_store %arg4[%swap3A, %swap3A_6], %dot_general3A_5 {strides = array<i32>} : memref<256x1024xf32, #tpu.memory_space<vmem>>, vector<256x1024xf32>,
    return
  }
  func.func @transform_0(%arg0: i32, %arg1: i32) -> (i32, i32) {
    %c0_i32 = arith.constant 0 : i32
    %c0_i32_0 = arith.constant 0 : i32
    return %arg1, %c0_i32 : i32, i32
  }
  func.func @transform_1(%arg0: i32, %arg1: i32) -> (i32, i32) {
    %c0_i32 = arith.constant 0 : i32
    %c0_i32_0 = arith.constant 0 : i32
    return %c0_i32, %arg0 : i32, i32
  }
  func.func @transform_2(%arg0: i32, %arg1: i32) -> (i32, i32) {
    %c0_i32 = arith.constant 0 : i32
    return %arg1, %arg0 : i32, i32
  }
}

module attributes {stable_mosaic.version = 14 : i64} {
  func.func @_gemm_a_body(%arg0: i32, %arg1: i32, %arg2: memref<39xi32, #tpu.memory_space<smem>>, %arg3: memref<256x1024xf32, #tpu.memory_space<vmem>>, %arg4: memref<1x1024x1408xf32, #tpu.memory_space<vmem>>, %arg5: memref<1x1024x1408xf32, #tpu.memory_space<vmem>>, %arg6: memref<256x1408xbf16, #tpu.memory_space<vmem>>) attributes {dimension_semantics = [#tpu.dimension_semantics<arbitrary>, #tpu.dimension_semantics<arbitrary>], iteration_bounds = array<i64: 2, 39>, scalar_prefetch = 1 : i64, scratch_operands = 0 : i64, tpu.core_type = #tpu.core_type<tc>, window_params = [{transform_indices = @transform_0, window_bounds = array<i64: 256, 1024>}, {transform_indices = @transform_1, window_bounds = array<i64: 1, 1024, 1408>}, {transform_indices = @transform_2, window_bounds = array<i64: 1, 1024, 1408>}, {transform_indices = @transform_3, window_bounds = array<i64: 256, 1408>}]} {
    %get3A = arith.constant 0 : index
    %get3A_0 = arith.constant 0 : index
    %get3A_1 = vector.load %arg3[%get3A, %get3A_0] : memref<256x1024xf32, #tpu.memory_space<vmem>>, vector<256x1024xf32>
    %convert_element_type3A = arith.truncf %get3A_1 : vector<256x1024xf32> to vector<256x1024xbf16>
    %get3A_2 = arith.constant 0 : index
    %get3A_3 = arith.constant 0 : index
    %get3A_4 = arith.constant 0 : index
    %get3A_5 = vector.load %arg4[%get3A_2, %get3A_3, %get3A_4] : memref<1x1024x1408xf32, #tpu.memory_space<vmem>>, vector<1x1024x1408xf32>
    %get3A_6 = vector.shape_cast %get3A_5 : vector<1x1024x1408xf32> to vector<1024x1408xf32>
    %convert_element_type3A_7 = arith.truncf %get3A_6 : vector<1024x1408xf32> to vector<1024x1408xbf16>
    %get3A_8 = arith.constant 0 : index
    %get3A_9 = arith.constant 0 : index
    %get3A_10 = arith.constant 0 : index
    %get3A_11 = vector.load %arg5[%get3A_8, %get3A_9, %get3A_10] : memref<1x1024x1408xf32, #tpu.memory_space<vmem>>, vector<1x1024x1408xf32>
    %get3A_12 = vector.shape_cast %get3A_11 : vector<1x1024x1408xf32> to vector<1024x1408xf32>
    %convert_element_type3A_13 = arith.truncf %get3A_12 : vector<1024x1408xf32> to vector<1024x1408xbf16>
    %dot_general3A = arith.constant dense<0.000000e+00> : vector<256x1408xf32>
    %dot_general3A_14 = tpu.matmul %convert_element_type3A, %convert_element_type3A_7, %dot_general3A {dimension_numbers = #tpu.dot_dimension_numbers<[1], [0], [0], [1], [0, 0, 1, 1], [], []>, transpose_lhs_hint = false} : vector<256x1024xbf16>, vector<1024x1408xbf16>, vector<256x1408xf32> -> vector<256x1408xf32>
    %dot_general3A_15 = arith.constant dense<0.000000e+00> : vector<256x1408xf32>
    %dot_general3A_16 = tpu.matmul %convert_element_type3A, %convert_element_type3A_13, %dot_general3A_15 {dimension_numbers = #tpu.dot_dimension_numbers<[1], [0], [0], [1], [0, 0, 1, 1], [], []>, transpose_lhs_hint = false} : vector<256x1024xbf16>, vector<1024x1408xbf16>, vector<256x1408xf32> -> vector<256x1408xf32>
    %logistic3A = arith.negf %dot_general3A_14 : vector<256x1408xf32>
    %logistic3A_17 = math.exp %logistic3A : vector<256x1408xf32>
    %logistic3A_18 = arith.constant 1.000000e+00 : f32
    %logistic3A_19 = vector.broadcast %logistic3A_18 : f32 to vector<256x1408xf32>
    %logistic3A_20 = arith.addf %logistic3A_19, %logistic3A_17 : vector<256x1408xf32>
    %logistic3A_21 = arith.divf %logistic3A_19, %logistic3A_20 : vector<256x1408xf32>
    %mul3A = arith.mulf %dot_general3A_14, %logistic3A_21 : vector<256x1408xf32>
    %mul3A_22 = arith.mulf %mul3A, %dot_general3A_16 : vector<256x1408xf32>
    %convert_element_type3A_23 = arith.truncf %mul3A_22 : vector<256x1408xf32> to vector<256x1408xbf16>
    %swap3A = arith.constant 0 : index
    %swap3A_24 = arith.constant 0 : index
    %swap3A_25 = vector.load %arg6[%swap3A, %swap3A_24] : memref<256x1408xbf16, #tpu.memory_space<vmem>>, vector<256x1408xbf16>
    tpu.vector_store %arg6[%swap3A, %swap3A_24], %convert_element_type3A_23 {strides = array<i32>} : memref<256x1408xbf16, #tpu.memory_space<vmem>>, vector<256x1408xbf16>,
    return
  }
  func.func @transform_0(%arg0: i32, %arg1: i32, %arg2: memref<39xi32, #tpu.memory_space<smem>>) -> (i32, i32) {
    %c0_i32 = arith.constant 0 : i32
    %c0_i32_0 = arith.constant 0 : i32
    return %arg1, %c0_i32 : i32, i32
  }
  func.func @transform_1(%arg0: i32, %arg1: i32, %arg2: memref<39xi32, #tpu.memory_space<smem>>) -> (i32, i32, i32) {
    %get3A = arith.index_cast %arg1 : i32 to index
    %get3A_0 = memref.load %arg2[%get3A] : memref<39xi32, #tpu.memory_space<smem>>
    %c0_i32 = arith.constant 0 : i32
    %c0_i32_1 = arith.constant 0 : i32
    return %get3A_0, %c0_i32, %arg0 : i32, i32, i32
  }
  func.func @transform_2(%arg0: i32, %arg1: i32, %arg2: memref<39xi32, #tpu.memory_space<smem>>) -> (i32, i32, i32) {
    %get3A = arith.index_cast %arg1 : i32 to index
    %get3A_0 = memref.load %arg2[%get3A] : memref<39xi32, #tpu.memory_space<smem>>
    %c0_i32 = arith.constant 0 : i32
    %c0_i32_1 = arith.constant 0 : i32
    return %get3A_0, %c0_i32, %arg0 : i32, i32, i32
  }
  func.func @transform_3(%arg0: i32, %arg1: i32, %arg2: memref<39xi32, #tpu.memory_space<smem>>) -> (i32, i32) {
    %c0_i32 = arith.constant 0 : i32
    return %arg1, %arg0 : i32, i32
  }
}

module attributes {stable_mosaic.version = 14 : i64} {
  func.func @_gemm_b_body(%arg0: i32, %arg1: i32, %arg2: memref<39xi32, #tpu.memory_space<smem>>, %arg3: memref<256x2816xbf16, #tpu.memory_space<vmem>>, %arg4: memref<1x2816x1024xf32, #tpu.memory_space<vmem>>, %arg5: memref<256x1xf32, #tpu.memory_space<vmem>>, %arg6: memref<256x1024xf32, #tpu.memory_space<vmem>>) attributes {dimension_semantics = [#tpu.dimension_semantics<arbitrary>, #tpu.dimension_semantics<arbitrary>], iteration_bounds = array<i64: 1, 39>, scalar_prefetch = 1 : i64, scratch_operands = 0 : i64, tpu.core_type = #tpu.core_type<tc>, window_params = [{transform_indices = @transform_0, window_bounds = array<i64: 256, 2816>}, {transform_indices = @transform_1, window_bounds = array<i64: 1, 2816, 1024>}, {transform_indices = @transform_2, window_bounds = array<i64: 256, 1>}, {transform_indices = @transform_3, window_bounds = array<i64: 256, 1024>}]} {
    %get3A = arith.constant 0 : index
    %get3A_0 = arith.constant 0 : index
    %get3A_1 = arith.constant 0 : index
    %get3A_2 = vector.load %arg4[%get3A, %get3A_0, %get3A_1] : memref<1x2816x1024xf32, #tpu.memory_space<vmem>>, vector<1x2816x1024xf32>
    %get3A_3 = vector.shape_cast %get3A_2 : vector<1x2816x1024xf32> to vector<2816x1024xf32>
    %convert_element_type3A = arith.truncf %get3A_3 : vector<2816x1024xf32> to vector<2816x1024xbf16>
    %get3A_4 = arith.constant 0 : index
    %get3A_5 = arith.constant 0 : index
    %get3A_6 = vector.load %arg3[%get3A_4, %get3A_5] : memref<256x2816xbf16, #tpu.memory_space<vmem>>, vector<256x2816xbf16>
    %dot_general3A = arith.constant dense<0.000000e+00> : vector<256x1024xf32>
    %dot_general3A_7 = tpu.matmul %get3A_6, %convert_element_type3A, %dot_general3A {dimension_numbers = #tpu.dot_dimension_numbers<[1], [0], [0], [1], [0, 0, 1, 1], [], []>, transpose_lhs_hint = false} : vector<256x2816xbf16>, vector<2816x1024xbf16>, vector<256x1024xf32> -> vector<256x1024xf32>
    %get3A_8 = arith.constant 0 : index
    %get3A_9 = arith.constant 0 : index
    %get3A_10 = vector.load %arg5[%get3A_8, %get3A_9] : memref<256x1xf32, #tpu.memory_space<vmem>>, vector<256x1xf32>
    %mul3A = vector.broadcast %get3A_10 : vector<256x1xf32> to vector<256x1024xf32>
    %mul3A_11 = arith.mulf %dot_general3A_7, %mul3A : vector<256x1024xf32>
    %swap3A = arith.constant 0 : index
    %swap3A_12 = arith.constant 0 : index
    %swap3A_13 = vector.load %arg6[%swap3A, %swap3A_12] : memref<256x1024xf32, #tpu.memory_space<vmem>>, vector<256x1024xf32>
    tpu.vector_store %arg6[%swap3A, %swap3A_12], %mul3A_11 {strides = array<i32>} : memref<256x1024xf32, #tpu.memory_space<vmem>>, vector<256x1024xf32>,
    return
  }
  func.func @transform_0(%arg0: i32, %arg1: i32, %arg2: memref<39xi32, #tpu.memory_space<smem>>) -> (i32, i32) {
    %c0_i32 = arith.constant 0 : i32
    %c0_i32_0 = arith.constant 0 : i32
    return %arg1, %c0_i32 : i32, i32
  }
  func.func @transform_1(%arg0: i32, %arg1: i32, %arg2: memref<39xi32, #tpu.memory_space<smem>>) -> (i32, i32, i32) {
    %get3A = arith.index_cast %arg1 : i32 to index
    %get3A_0 = memref.load %arg2[%get3A] : memref<39xi32, #tpu.memory_space<smem>>
    %c0_i32 = arith.constant 0 : i32
    %c0_i32_1 = arith.constant 0 : i32
    return %get3A_0, %c0_i32, %arg0 : i32, i32, i32
  }
  func.func @transform_2(%arg0: i32, %arg1: i32, %arg2: memref<39xi32, #tpu.memory_space<smem>>) -> (i32, i32) {
    %c0_i32 = arith.constant 0 : i32
    %c0_i32_0 = arith.constant 0 : i32
    return %arg1, %c0_i32 : i32, i32
  }
  func.func @transform_3(%arg0: i32, %arg1: i32, %arg2: memref<39xi32, #tpu.memory_space<smem>>) -> (i32, i32) {
    %c0_i32 = arith.constant 0 : i32
    return %arg1, %arg0 : i32, i32
  }
}

</mosaic_0001>

<sc_bundles>
// kernel: kernel.11.cloned.1.call-start
scs
__scs_entry_jumppad:
0x0: {  	(pc) =	sbr.rel $0x88, $3  }
0x1: {  	(tag) =	ssettag $0x0;
	lr =	simm.s32 $0x1  }
0x2: {  	[smem:$0x3F98] =	sst lr;
	_ =	strace $0xD0000000  }
0x3: {  	_ = 	snop  }
0x4: {  	_ = 	snop  }
0x5: {  	_ = 	snop  }
0x6: {  	_ = 	snop  }
0x7: {  	_ = 	snop  }
__scs_overlays_trampoline_lowered:
0x8: {  	[smem:$0x3FA7] =	sst s0  }
0x9: {  	[smem:$0x3FA8] =	sst s1  }
0xa: {  	[smem:$0x3FA9] =	sst s2  }
0xb: {  	[smem:$0x3FAA] =	sst s3  }
0xc: {  	[smem:$0x3FAB] =	sst s4  }
0xd: {  	[smem:$0x3FAC] =	sst s5  }
0xe: {  	[smem:$0x3FAD] =	sst s6  }
0xf: {  	[smem:$0x3FAE] =	sst s7  }
0x10: {  	[smem:$0x3FAF] =	sst s8  }
0x11: {  	[smem:$0x3FB0] =	sst s9;
	s0 =	simm.s32 @!p0 $0x0  }
0x12: {  	s1 =	sld [smem:$0x3F96];
	s0 =	simm.s32 @p0 $0x1  }
0x13: {  	[smem:$0x3FB1] =	sst s0;
	s0 =	simm.s32 @!p1 $0x0  }
0x14: {  	s2 =	sld [smem:$0x3F95];
	s0 =	simm.s32 @p1 $0x1  }
0x15: {  	[smem:$0x3FB2] =	sst s0;
	s0 =	simm.s32 @!p2 $0x0  }
0x16: {  	s3 =	sld [smem:$0x3FDB];
	s0 =	simm.s32 @p2 $0x1  }
0x17: {  	s4 =	simm.s32 $0x1BF5;
	[smem:$0x3FB4] =	sst s0  }
0x18: {  	s0 =	sld [smem:$0x3F97];
	_ =	swait.ge [sflag:s4], $0x0  }
0x19: {  	s7 =	sld [smem:$0x3F98]  }
0x1a: {  	s8 =	sadd.s32 $0xFFFFE003, lr  }
0x1b: {  	s9 =	sadd.s32 $0xFFFFFEF7, lr;
	s5 =	simm.s32 $0xFFFFFFFF;
	p2 =	slt.u32 s8, $0xFFFFF086  }
0x1c: {  	p1 =	slt.u32 s9, $0xF7A;
	s5 =	simm.s32 @!p2 $0x0  }
0x1d: {  	s5 =	simm.s32 @p1 $0x1;
	p0 =	seq.s32 s7, s2  }
0x1e: {  	s7 =	smul.u32 @!p0 $0xF7A, s2;
	p2 =	seq.s32 @!p0 s5, $0x0  }
0x1f: {  	s9 =	smul.u32 $0xF7A, s1;
	s8 =	simm.s32 @!p0 $0x1BF5;
	p2 =	por !p2, p0  }
0x20: {  	[sflag:s8] =	ssyncset.s32 @!p0 $0xFFFFF086;
	s6 =	sadd.s32 @!p0 s3, s7;
	s7 =	simm.s32 @!p0 $0x108  }
0x21: {  	s3 =	sadd.s32 s3, s9;
	s6 =	sadd.s32 @!p0 $0x88, s6;
	s7 =	simm.s32 @p2 $0x1082  }
0x22: {  	[simem:s7], [sflag:s8] =	dma.local @!p0 [hbm:s6], $0xF7A  }
0x23: {  	s9 =	sor.u32 $0xD0000000, s2;
	s6 =	simm.s32 $0x108;
	_ =	swait.ge @!p0 [sflag:s8], $0x0  }
0x24: {  	s3 =	sadd.s32 $0x88, s3;
	s6 =	simm.s32 @!p1 $0x1082;
	[sflag:s4] =	ssyncset.s32 $0xFFFFF086  }
0x25: {  	[simem:s6], [sflag:s4] =	dma.local [hbm:s3], $0xF7A  }
0x26: {  	[smem:$0x3F98] =	sst s1;
	(tag) =	ssettag s2;
	_ =	strace s9  }
0x27: {  	s1 =	sld [smem:$0x3FA8]  }
0x28: {  	s2 =	sld [smem:$0x3FA9]  }
0x29: {  	s4 =	sld [smem:$0x3FAB]  }
0x2a: {  	p0 =	seq.s32 s5, $0x0;
	s5 =	sld [smem:$0x3FAC]  }
0x2b: {  	s6 =	sld [smem:$0x3FAD]  }
0x2c: {  	s7 =	sld [smem:$0x3FAE]  }
0x2d: {  	s3 =	simm.s32 $0x108;
	s8 =	sld [smem:$0x3FAF]  }
0x2e: {  	s3 =	simm.s32 @!p0 $0x1082;
	s9 =	sld [smem:$0x3FB0]  }
0x2f: {  	lr =	sadd.s32 s0, s3;
	s0 =	sld [smem:$0x3FA7]  }
0x30: {  	s3 =	sld [smem:$0x3FAA]  }
0x31: {  	[smem:$0x3FB3] =	sst s10  }
0x32: {  	s10 =	sld [smem:$0x3FB1];
	_ =	sdelay $0x3  }
0x33: {  	p0 =	seq.s32 s10, $0x1;
	s10 =	sld [smem:$0x3FB3];
	_ =	sdelay $0x3  }
0x34: {  	[smem:$0x3FB3] =	sst s10  }
0x35: {  	s10 =	sld [smem:$0x3FB2];
	_ =	sdelay $0x3  }
0x36: {  	p1 =	seq.s32 s10, $0x1;
	s10 =	sld [smem:$0x3FB3];
	_ =	sdelay $0x3  }
0x37: {  	[smem:$0x3FB3] =	sst s10  }
0x38: {  	s10 =	sld [smem:$0x3FB4]  }
0x39: {  	_ = 	snop;
	(pc) =	sbr.ind lr, $3  }
0x3a: {  	_ = 	snop  }
0x3b: {  	_ = 	snop  }
0x3c: {  	p2 =	seq.s32 s10, $0x1;
	s10 =	sld [smem:$0x3FB3]  }
0x3d: {  	_ =	shalt  }
0x3e: {  	_ =	shalt  }
0x3f: {  	_ =	shalt  }
0x40: {  	_ =	shalt  }
0x41: {  	_ =	shalt  }
0x42: {  	_ =	shalt  }
0x43: {  	_ =	shalt  }
0x44: {  	_ =	shalt  }
0x45: {  	_ =	shalt  }
0x46: {  	_ =	shalt  }
0x47: {  	_ =	shalt  }
0x48: {  	_ =	shalt  }
0x49: {  	_ =	shalt  }
0x4a: {  	_ =	shalt  }
0x4b: {  	_ =	shalt  }
0x4c: {  	_ =	shalt  }
0x4d: {  	_ =	shalt  }
0x4e: {  	_ =	shalt  }
0x4f: {  	_ =	shalt  }
0x50: {  	_ =	shalt  }
0x51: {  	_ =	shalt  }
0x52: {  	_ =	shalt  }
0x53: {  	_ =	shalt  }
0x54: {  	_ =	shalt  }
0x55: {  	_ =	shalt  }
0x56: {  	_ =	shalt  }
0x57: {  	_ =	shalt  }
0x58: {  	_ =	shalt  }
0x59: {  	_ =	shalt  }
0x5a: {  	_ =	shalt  }
0x5b: {  	_ =	shalt  }
0x5c: {  	_ =	shalt  }
0x5d: {  	_ =	shalt  }
0x5e: {  	_ =	shalt  }
0x5f: {  	_ =	shalt  }
0x60: {  	_ =	shalt  }
0x61: {  	_ =	shalt  }
0x62: {  	_ =	shalt  }
0x63: {  	_ =	shalt  }
0x64: {  	_ =	shalt  }
0x65: {  	_ =	shalt  }
0x66: {  	_ =	shalt  }
0x67: {  	_ =	shalt  }
0x68: {  	_ =	shalt  }
0x69: {  	_ =	shalt  }
0x6a: {  	_ =	shalt  }
0x6b: {  	_ =	shalt  }
0x6c: {  	_ =	shalt  }
0x6d: {  	_ =	shalt  }
0x6e: {  	_ =	shalt  }
0x6f: {  	_ =	shalt  }
0x70: {  	_ =	shalt  }
0x71: {  	_ =	shalt  }
0x72: {  	_ =	shalt  }
0x73: {  	_ =	shalt  }
0x74: {  	_ =	shalt  }
0x75: {  	_ =	shalt  }
0x76: {  	_ =	shalt  }
0x77: {  	_ =	shalt  }
0x78: {  	_ =	shalt  }
0x79: {  	_ =	shalt  }
0x7a: {  	_ =	shalt  }
0x7b: {  	_ =	shalt  }
0x7c: {  	_ =	shalt  }
0x7d: {  	_ =	shalt  }
0x7e: {  	_ =	shalt  }
0x7f: {  	_ =	shalt  }
0x80: {  	_ =	shalt  }
0x81: {  	_ =	shalt  }
0x82: {  	_ =	shalt  }
0x83: {  	_ =	shalt  }
0x84: {  	_ =	shalt  }
0x85: {  	_ =	shalt  }
0x86: {  	_ =	shalt  }
0x87: {  	_ =	shalt  }
.Lfunc_end0:
.L_simem_size_0:
called_computation.1_lowered:
.L_overlay_start_0:
0x88: {  	s2 =	sld [smem:$0x3FD9]  }
0x89: {  	s3 =	sld [smem:$0x3FFE];
	_ =	sdelay $0x1  }
0x8a: {  	s1 =	srdreg.scid  }
0x8b: {  	s0 =	sand.u32 $0x1, s1  }
0x8c: {  	s17 =	sshll.u32 s0, $0xA;
	s2 =	sadd.s32 s3, s2  }
0x8d: {  	s2 =	sadd.s32 s2, s17  }
0x8e: {  	[smem:$0x3FBF] =	sst s2  }
0x8f: {  	_ = 	snop  }
0x90: {  	s2 =	sld [smem:$0x3FD0];
	(tm) =	ssettm $0x1  }
0x91: {  	s18 =	sld [smem:$0x3FFB];
	_ =	sdelay $0x3  }
0x92: {  	_ =	strace s18  }
0x93: {  	s3 =	sld [smem:$0x3FFC];
	_ =	sdelay $0x3  }
0x94: {  	_ =	strace s3  }
0x95: {  	s3 =	sld [smem:$0x3FFD];
	_ =	sdelay $0x3  }
0x96: {  	_ =	strace s3  }
0x97: {  	_ =	strace $0x8FFFFFFF  }
0x98: {  	s19 =	sld [smem:$0x3FDB];
	_ =	sdelay $0x1  }
0x99: {  	s4 =	simm.s32 $_scs_section_size  }
0x9a: {  	s5 =	simm.s32 $_size__tile_overlayer_lowered;
	s6 =	simm.s32 $_tile_overlayer_lowered  }
0x9b: {  	s22 =	simm.s32 $0x1BFF;
	s21 =	sshll.u32 s6, $0x1;
	s3 =	sadd.s32 s4, s19  }
0x9c: {  	s7 =	simm.s32 $0x0;
	s20 =	sshll.u32 s5, $0x1;
	s5 =	sadd.s32 s21, s3  }
0x9d: {  	[timem:s7], [sflag:s22] =	dma.local [hbm:s5], s20  }
0x9e: {  	_ =	swait.ge [sflag:s22], s20  }
0x9f: {  	s4 =	ssub.s32 $0x0, s20;
	[sflag:s22] =	ssyncset.done $0x0  }
0xa0: {  	[sflag:s22] =	ssyncadd.s32 s4;
	_ =	sdelay $0x1  }
0xa1: {  	s23 =	simm.s32 $0x1B8B  }
0xa2: {  	_ =	swait.ge [sflag:s23], $0x1  }
0xa3: {  	[sflag:s23] =	ssyncset.done $0x0  }
0xa4: {  	s25 =	simm.s32 $0x1B8E;
	s24 =	sld [smem:$0x3FFE];
	[sflag:s23] =	ssyncadd.s32 $0xFFFFFFFF  }
0xa5: {  	s26 =	simm.s32 $execute0_lowered;
	[smem:$0x3FD2] =	sst s25  }
0xa6: {  	s5 =	sshll.u32 s26, $0x1;
	_ =	strace $0x80000049;
	[dreg:$0x1] =	wrdreg $0xFFFFFFFF  }
0xa7: {  	s28 =	simm.s32 $_size_execute0_lowered;
	s3 =	sadd.s32 s3, s5;
	[dreg:$0x0] =	wrdreg $0x0  }
0xa8: {  	s5 =	sshll.u32 s28, $0x1;
	[dreg:$0x2] =	wrdreg s3  }
0xa9: {  	[dreg:$0x3] =	wrdreg s5  }
0xaa: {  	[dreg:$0x4] =	wrdreg $0xC0  }
0xab: {  	_ =	task [dreg:s7], $0x5FFFF  }
0xac: {  	[dreg:$0x1] =	wrdreg $0xFFFFFFFF  }
0xad: {  	[dreg:$0x0] =	wrdreg $0x60  }
0xae: {  	[dreg:$0x2] =	wrdreg s24  }
0xaf: {  	[dreg:$0x3] =	wrdreg s2  }
0xb0: {  	[dreg:$0x4] =	wrdreg $0x9  }
0xb1: {  	_ =	task.clear_ibuf [dreg:s7], $0x5FFFF;
	_ =	strace $0x90000049  }
0xb2: {  	s29 =	simm.s32 $0x9;
	_ =	strace $0x8000004B  }
0xb3: {  	_ =	swait.ge [sflag:s29], $0x1  }
0xb4: {  	[sflag:s29] =	ssyncadd.s32 $0xFFFFFFFF  }
0xb5: {  	_ =	strace $0x9000004B  }
0xb6: {  	_ =	sfence  }
0xb7: {  	s30 =	sld [smem:$0x0];
	_ =	sdelay $0x2  }
0xb8: {  	s31 =	sshll.u32 s1, $0xD;
	s1 =	sshrl.u32 s1, $0x2  }
0xb9: {  	s3 =	sand.u32 $0x4000, s31;
	s1 =	sadd.s32 s1, s30  }
0xba: {  	s0 =	sor.u32 s3, s0;
	s1 =	sshll.u32 s1, $0x11  }
0xbb: {  	s0 =	sor.u32 s1, s0  }
0xbc: {  	s0 =	sadd.s32 $0x8F2B, s0  }
0xbd: {  	[sflag:s0] =	ssyncadd.remote.s32 $0x1  }
0xbe: {  	_ =	sfence.sel $0xFFFF  }
0xbf: {  	[dreg:$0x0] =	wrdreg $0xFFFFFFFF;
	(pc) =	sbr.abs _section_cstart, $3  }
0xc0: {  	[dreg:$0x1] =	wrdreg $0xFFFFFFFF  }
0xc1: {  	_ =	task.clear_ibuf [dreg:s7], $0x2FFFF;
	_ =	strace $0x9FFFFFFF  }
0xc2: {  	(tm) =	ssettm $0x7FFFFFFF  }
0xc3: {  	_ =	shalt  }
tec
execute0_lowered:
.L_overlay_start_1:
0x0: {  	(tag) =	ssettag $0x1  }
0x1: {  	s2 =	rddreg [dreg:$0x0]  }
0x2: {  	s0 =	rddreg [dreg:$0x1]  }
0x3: {  	s1 =	srdreg.scid;
	s4 =	stileid.u32  }
0x4: {  	s3 =	simm.s32 $0x0;
	s28 =	simm.s32 $0xD100;
	s29 =	simm.s32 $0xD900  }
0x5: {  	s30 =	simm.s32 $0xE100;
	s31 =	simm.s32 $0xE900;
	s13 =	simm.s32 $0x6  }
0x6: {  	s1 =	sand.u32 $0x1, s1;
	s4 =	sshll.u32 s4, $0x1;
	[smem:$0x7FF] =	sst s3  }
0x7: {  	s8 =	sadd.s32 $0x1E8400, s2;
	s7 =	sadd.s32 $0x300, s2;
	s4 =	sor.u32 s1, s4  }
0x8: {  	s1 =	ssub.s32 $0x2, s1;
	s5 =	sshll.u32 s4, $0x5;
	s4 =	sshll.u32 s4, $0xE  }
0x9: {  	_ =	strace $0x8000004A;
	s6 =	sshrl.u32 s1, $0x1;
	s10 =	sadd.s32 s8, s4  }
0xa: {  	s5 =	sadd.s32 s5, s2;
	s15 =	sadd.s32 s0, s4;
	[dreg:$0x4] =	wrdreg s10  }
0xb: {  	s9 =	sor.u32 $0x800, s4;
	s5 =	sadd.s32 $0x138000, s5;
	[dreg:$0x6] =	wrdreg s15  }
0xc: {  	s16 =	sor.u32 $0x1000, s4;
	s14 =	sadd.s32 s8, s9;
	[dreg:$0x3] =	wrdreg s5  }
0xd: {  	s1 =	ssub.s32 s1, s6;
	s12 =	sadd.s32 s8, s16;
	[dreg:$0x5] =	wrdreg s14  }
0xe: {  	s11 =	sor.u32 $0x1800, s4;
	s9 =	sadd.s32 s0, s9;
	[dreg:$0x7] =	wrdreg s12  }
0xf: {  	s6 =	sadd.s32 $0x200, s2;
	s17 =	sadd.s32 s8, s11;
	[dreg:$0x8] =	wrdreg s9  }
0x10: {  	s19 =	sor.u32 $0x2000, s4;
	s18 =	sadd.s32 s0, s16;
	[dreg:$0x9] =	wrdreg s17  }
0x11: {  	s20 =	sor.u32 $0x2800, s4;
	s21 =	sadd.s32 s8, s19;
	[dreg:$0xa] =	wrdreg s18  }
0x12: {  	s23 =	sor.u32 $0x3000, s4;
	s11 =	sadd.s32 s0, s11;
	[dreg:$0xb] =	wrdreg s21  }
0x13: {  	s4 =	sor.u32 $0x3800, s4;
	s22 =	sadd.s32 s8, s20;
	[dreg:$0xc] =	wrdreg s11  }
0x14: {  	s24 =	sadd.s32 s8, s23;
	s10 =	sadd.s32 s0, s20;
	[dreg:$0xd] =	wrdreg s22  }
0x15: {  	s8 =	sadd.s32 s8, s4;
	s25 =	sadd.s32 s0, s23;
	[dreg:$0xf] =	wrdreg s24  }
0x16: {  	s26 =	smax.u32 s1, $0x1;
	s16 =	simm.s32 $0x10100;
	[dreg:$0x10] =	wrdreg s10  }
0x17: {  	s1 =	simm.s32 $0xF900;
	s5 =	sadd.s32 $0x100, s2;
	[dreg:$0x11] =	wrdreg s8  }
0x18: {  	s9 =	sadd.s32 s0, s19;
	[dreg:$0x12] =	wrdreg s25;
	s0 =	sadd.s32 s0, s4  }
0x19: {  	[dreg:$0x14] =	wrdreg s26;
	s26 =	simm.s32 $0xC900;
	s4 =	simm.s32 $0x14100  }
0x1a: {  	v2 =	vlaneseq.u32;
	s8 =	simm.s32 $0x1;
	s10 =	simm.s32 $0x5;
	s11 =	simm.s32 $0x2  }
0x1b: {  	vm0 =	vmmov $0xffff;
	v1 =	vshrl.u32 v2, $0x3;
	s12 =	simm.s32 $0x4;
	s14 =	simm.s32 $0x0;
	[dreg:$0xe] =	wrdreg s9  }
0x1c: {  	v0 =	vand.u32 $0x7, v2;
	v2 =	vor.u32 $0x8, v2;
	v1 =	vmul.u32 $0x8, v1;
	[dreg:$0x13] =	wrdreg s0;
	s0 =	simm.s32 $0xF100;
	s9 =	simm.s32 $0x3  }
.LBB2_1:
0x1d: {  	s15 =	rddreg [dreg:$0x3];
	s25 =	simm.s32 $0x7  }
0x1e: {  	[tilespmem:s3], [sflag:$0x7] =	stream.linear.gather [hbm4b:s15+s3], $0x100, $0x38;
	[tilespmem:$0x18100] =	vst v63  }
0x1f: {  	_ =	swait.ge [sflag:s25], $0x100  }
0x20: {  	[sflag:s25] =	ssyncset.done $0x0  }
0x21: {  	[sflag:s25] =	ssyncadd.s32 $0xFFFFFF00  }
0x22: {  	v3 =	vld [tilespmem:$0x0];
	_ =	sdelay $0x4  }
0x23: {  	v4 =	vshll.u32 v3, $0x3  }
0x24: {  	v3 =	vand.u32 $0x7, v3;
	v4 =	vand.u32 $0xFFFFFFC0, v4  }
0x25: {  	v3 =	vor.u32 v3, v4  }
0x26: {  	v4 =	vperm.xlane v3, v0;
	_ =	sdelay $0x1  }
0x27: {  	v4 =	vadd.s32 v1, v4;
	_ =	sdelay $0x3  }
0x28: {  	s17 =	simm.s32 $0x100  }
0x29: {  	[tilespmem:s17], [sflag:$0x1] =	stream.indirect_vreg.gather [hbm4b:s2+s3], $0x80, v4, vm0, $0xb8;
	[tilespmem:$0x18100] =	vst v63  }
0x2a: {  	s18 =	simm.s32 $0x900;
	v3 =	vperm.xlane v3, v2  }
0x2b: {  	[tilespmem:s18], [sflag:$0x1] =	stream.indirect_vreg.gather [hbm4b:s5+s3], $0x80, v4, vm0, $0xb8;
	[tilespmem:$0x18100] =	vst v63  }
0x2c: {  	s19 =	simm.s32 $0x1100;
	v3 =	vadd.s32 v1, v3  }
0x2d: {  	[tilespmem:s19], [sflag:$0x1] =	stream.indirect_vreg.gather [hbm4b:s6+s3], $0x80, v4, vm0, $0xb8;
	[tilespmem:$0x18100] =	vst v63  }
0x2e: {  	s20 =	simm.s32 $0x1900  }
0x2f: {  	[tilespmem:s20], [sflag:$0x1] =	stream.indirect_vreg.gather [hbm4b:s7+s3], $0x80, v4, vm0, $0xb8;
	[tilespmem:$0x18100] =	vst v63  }
0x30: {  	s21 =	simm.s32 $0x2100  }
0x31: {  	[tilespmem:s21], [sflag:$0x1] =	stream.indirect_vreg.gather [hbm4b:s2+s3], $0x80, v3, vm0, $0xb8;
	[tilespmem:$0x18100] =	vst v63  }
0x32: {  	s22 =	simm.s32 $0x2900  }
0x33: {  	[tilespmem:s22], [sflag:$0x1] =	stream.indirect_vreg.gather [hbm4b:s5+s3], $0x80, v3, vm0, $0xb8;
	[tilespmem:$0x18100] =	vst v63  }
0x34: {  	s23 =	simm.s32 $0x3100  }
0x35: {  	[tilespmem:s23], [sflag:$0x1] =	stream.indirect_vreg.gather [hbm4b:s6+s3], $0x80, v3, vm0, $0xb8;
	[tilespmem:$0x18100] =	vst v63  }
0x36: {  	s24 =	simm.s32 $0x3900  }
0x37: {  	[tilespmem:s24], [sflag:$0x1] =	stream.indirect_vreg.gather [hbm4b:s7+s3], $0x80, v3, vm0, $0xb8;
	[tilespmem:$0x18100] =	vst v63  }
0x38: {  	v3 =	vld [tilespmem:$0x10];
	_ =	sdelay $0x4  }
0x39: {  	v61 =	vshll.u32 v3, $0x3  }
0x3a: {  	v3 =	vand.u32 $0x7, v3;
	v4 =	vand.u32 $0xFFFFFFC0, v61  }
0x3b: {  	v3 =	vor.u32 v3, v4  }
0x3c: {  	v4 =	vperm.xlane v3, v0;
	_ =	sdelay $0x1  }
0x3d: {  	v4 =	vadd.s32 v1, v4;
	_ =	sdelay $0x3  }
0x3e: {  	s25 =	simm.s32 $0x4100  }
0x3f: {  	[tilespmem:s25], [sflag:$0x1] =	stream.indirect_vreg.gather [hbm4b:s2+s3], $0x80, v4, vm0, $0xb8;
	[tilespmem:$0x18100] =	vst v63  }
0x40: {  	s17 =	simm.s32 $0x4900;
	v3 =	vperm.xlane v3, v2  }
0x41: {  	[tilespmem:s17], [sflag:$0x1] =	stream.indirect_vreg.gather [hbm4b:s5+s3], $0x80, v4, vm0, $0xb8;
	[tilespmem:$0x18100] =	vst v63  }
0x42: {  	s18 =	simm.s32 $0x5100;
	v3 =	vadd.s32 v1, v3  }
0x43: {  	[tilespmem:s18], [sflag:$0x1] =	stream.indirect_vreg.gather [hbm4b:s6+s3], $0x80, v4, vm0, $0xb8;
	[tilespmem:$0x18100] =	vst v63  }
0x44: {  	s19 =	simm.s32 $0x5900  }
0x45: {  	[tilespmem:s19], [sflag:$0x1] =	stream.indirect_vreg.gather [hbm4b:s7+s3], $0x80, v4, vm0, $0xb8;
	[tilespmem:$0x18100] =	vst v63  }
0x46: {  	s20 =	simm.s32 $0x6100  }
0x47: {  	[tilespmem:s20], [sflag:$0x1] =	stream.indirect_vreg.gather [hbm4b:s2+s3], $0x80, v3, vm0, $0xb8;
	[tilespmem:$0x18100] =	vst v63  }
0x48: {  	s21 =	simm.s32 $0x6900  }
0x49: {  	[tilespmem:s21], [sflag:$0x1] =	stream.indirect_vreg.gather [hbm4b:s5+s3], $0x80, v3, vm0, $0xb8;
	[tilespmem:$0x18100] =	vst v63  }
0x4a: {  	s22 =	simm.s32 $0x7100  }
0x4b: {  	[tilespmem:s22], [sflag:$0x1] =	stream.indirect_vreg.gather [hbm4b:s6+s3], $0x80, v3, vm0, $0xb8;
	[tilespmem:$0x18100] =	vst v63  }
0x4c: {  	s23 =	simm.s32 $0x7900  }
0x4d: {  	[tilespmem:s23], [sflag:$0x1] =	stream.indirect_vreg.gather [hbm4b:s7+s3], $0x80, v3, vm0, $0xb8;
	[tilespmem:$0x18100] =	vst v63  }
0x4e: {  	s24 =	rddreg [dreg:$0x4]  }
0x4f: {  	[tilespmem:s16], [sflag:$0x3] =	stream.linear.gather [hbm4b:s24+s3], $0x4000, $0x38;
	[tilespmem:$0x18100] =	vst v63  }
0x50: {  	v3 =	vld [tilespmem:$0x20];
	_ =	sdelay $0x4  }
0x51: {  	v62 =	vshll.u32 v3, $0x3  }
0x52: {  	v3 =	vand.u32 $0x7, v3;
	v4 =	vand.u32 $0xFFFFFFC0, v62  }
0x53: {  	v3 =	vor.u32 v3, v4  }
0x54: {  	v4 =	vperm.xlane v3, v0;
	_ =	sdelay $0x1  }
0x55: {  	v4 =	vadd.s32 v1, v4;
	_ =	sdelay $0x3  }
0x56: {  	s25 =	simm.s32 $0x8100  }
0x57: {  	[tilespmem:s25], [sflag:$0x2] =	stream.indirect_vreg.gather [hbm4b:s2+s3], $0x80, v4, vm0, $0xb8;
	[tilespmem:$0x18100] =	vst v63  }
0x58: {  	s17 =	simm.s32 $0x8900;
	v3 =	vperm.xlane v3, v2  }
0x59: {  	[tilespmem:s17], [sflag:$0x2] =	stream.indirect_vreg.gather [hbm4b:s5+s3], $0x80, v4, vm0, $0xb8;
	[tilespmem:$0x18100] =	vst v63  }
0x5a: {  	s18 =	simm.s32 $0x9100;
	v3 =	vadd.s32 v1, v3  }
0x5b: {  	[tilespmem:s18], [sflag:$0x2] =	stream.indirect_vreg.gather [hbm4b:s6+s3], $0x80, v4, vm0, $0xb8;
	[tilespmem:$0x18100] =	vst v63  }
0x5c: {  	s19 =	simm.s32 $0x9900  }
0x5d: {  	[tilespmem:s19], [sflag:$0x2] =	stream.indirect_vreg.gather [hbm4b:s7+s3], $0x80, v4, vm0, $0xb8;
	[tilespmem:$0x18100] =	vst v63  }
0x5e: {  	s20 =	simm.s32 $0xA100  }
0x5f: {  	[tilespmem:s20], [sflag:$0x2] =	stream.indirect_vreg.gather [hbm4b:s2+s3], $0x80, v3, vm0, $0xb8;
	[tilespmem:$0x18100] =	vst v63  }
0x60: {  	s21 =	simm.s32 $0xA900  }
0x61: {  	[tilespmem:s21], [sflag:$0x2] =	stream.indirect_vreg.gather [hbm4b:s5+s3], $0x80, v3, vm0, $0xb8;
	[tilespmem:$0x18100] =	vst v63  }
0x62: {  	s22 =	simm.s32 $0xB100  }
0x63: {  	[tilespmem:s22], [sflag:$0x2] =	stream.indirect_vreg.gather [hbm4b:s6+s3], $0x80, v3, vm0, $0xb8;
	[tilespmem:$0x18100] =	vst v63  }
0x64: {  	s23 =	simm.s32 $0xB900  }
0x65: {  	[tilespmem:s23], [sflag:$0x2] =	stream.indirect_vreg.gather [hbm4b:s7+s3], $0x80, v3, vm0, $0xb8;
	[tilespmem:$0x18100] =	vst v63  }
0x66: {  	v3 =	vld [tilespmem:$0x30];
	_ =	sdelay $0x4  }
0x67: {  	v63 =	vshll.u32 v3, $0x3  }
0x68: {  	v3 =	vand.u32 $0x7, v3;
	v4 =	vand.u32 $0xFFFFFFC0, v63  }
0x69: {  	v3 =	vor.u32 v3, v4  }
0x6a: {  	v4 =	vperm.xlane v3, v0;
	_ =	sdelay $0x1  }
0x6b: {  	v4 =	vadd.s32 v1, v4;
	_ =	sdelay $0x3  }
0x6c: {  	s24 =	simm.s32 $0xC100  }
0x6d: {  	[tilespmem:s24], [sflag:$0x2] =	stream.indirect_vreg.gather [hbm4b:s2+s3], $0x80, v4, vm0, $0xb8;
	[tilespmem:$0x18100] =	vst v63  }
0x6e: {  	v3 =	vperm.xlane v3, v2  }
0x6f: {  	[tilespmem:s26], [sflag:$0x2] =	stream.indirect_vreg.gather [hbm4b:s5+s3], $0x80, v4, vm0, $0xb8;
	[tilespmem:$0x18100] =	vst v63  }
0x70: {  	v3 =	vadd.s32 v1, v3  }
0x71: {  	[tilespmem:s28], [sflag:$0x2] =	stream.indirect_vreg.gather [hbm4b:s6+s3], $0x80, v4, vm0, $0xb8;
	[tilespmem:$0x18100] =	vst v63  }
0x72: {  	_ = 	snop  }
0x73: {  	[tilespmem:s29], [sflag:$0x2] =	stream.indirect_vreg.gather [hbm4b:s7+s3], $0x80, v4, vm0, $0xb8;
	[tilespmem:$0x18100] =	vst v63  }
0x74: {  	_ = 	snop  }
0x75: {  	[tilespmem:s30], [sflag:$0x2] =	stream.indirect_vreg.gather [hbm4b:s2+s3], $0x80, v3, vm0, $0xb8;
	[tilespmem:$0x18100] =	vst v63  }
0x76: {  	_ = 	snop  }
0x77: {  	[tilespmem:s31], [sflag:$0x2] =	stream.indirect_vreg.gather [hbm4b:s5+s3], $0x80, v3, vm0, $0xb8;
	[tilespmem:$0x18100] =	vst v63  }
0x78: {  	_ = 	snop  }
0x79: {  	[tilespmem:s0], [sflag:$0x2] =	stream.indirect_vreg.gather [hbm4b:s6+s3], $0x80, v3, vm0, $0xb8;
	[tilespmem:$0x18100] =	vst v63  }
0x7a: {  	_ = 	snop  }
0x7b: {  	[tilespmem:s1], [sflag:$0x2] =	stream.indirect_vreg.gather [hbm4b:s7+s3], $0x80, v3, vm0, $0xb8;
	[tilespmem:$0x18100] =	vst v63  }
0x7c: {  	s25 =	rddreg [dreg:$0x5]  }
0x7d: {  	[tilespmem:s4], [sflag:$0x4] =	stream.linear.gather [hbm4b:s25+s3], $0x4000, $0x38;
	[tilespmem:$0x18100] =	vst v63  }
0x7e: {  	_ =	swait.ge [sflag:s8], $0x8000  }
0x7f: {  	[sflag:s8] =	ssyncset.done $0x0  }
0x80: {  	[sflag:s8] =	ssyncadd.s32 $0xFFFF8000  }
0x81: {  	_ =	swait.ge [sflag:s9], $0x4000  }
0x82: {  	[sflag:s9] =	ssyncset.done $0x0  }
0x83: {  	s15 =	simm.s32 $0x0;
	[sflag:s9] =	ssyncadd.s32 $0xFFFFC000  }
.LBB2_2:
0x84: {  	s17 =	sshll.u32 s15, $0xA  }
0x85: {  	s18 =	sshll.u32 s15, $0x8;
	s19 =	sshll.u32 s15, $0xB;
	s20 =	sshll.u32 s15, $0x7  }
0x86: {  	s23 =	simm.s32 $0x0;
	s19 =	sand.u32 $0x6000, s19;
	s18 =	sand.u32 $0x300, s18  }
0x87: {  	s17 =	sand.u32 $0x2000, s17;
	s20 =	sand.u32 $0x380, s20;
	s18 =	sor.u32 s18, s19  }
0x88: {  	s21 =	sand.u32 $0x1C00, s23;
	s20 =	sor.u32 s20, s17;
	s17 =	sadd.s32 $0x100, s18  }
0x89: {  	s19 =	sand.u32 $0x70, s23;
	s18 =	sadd.s32 $0x10100, s20;
	s24 =	sadd.s32 s21, s17  }
0x8a: {  	s21 =	sadd.s32 s21, s18;
	s20 =	sadd.s32 s19, s24  }
0x8b: {  	s19 =	sadd.s32 s19, s21;
	v3 =	vld [tilespmem:s20+$0x0]  }
0x8c: {  	v4 =	vld [tilespmem:s19+$0x0];
	_ =	sdelay $0x1  }
0x8d: {  	v5 =	vld [tilespmem:s20+$0x80];
	_ =	sdelay $0x2  }
0x8e: {  	v3 =	vadd.f32 v3, v4  }
0x8f: {  	s20 =	simm.s32 $0x80  }
0x90: {  	s25 =	simm.s32 $0x10;
	s23 =	sand.u32 $0x1C00, s20;
	v3 =	vadd.f32 v5, v3  }
0x91: {  	s22 =	sand.u32 $0x70, s25;
	s21 =	simm.s32 $0x20;
	s24 =	sadd.s32 s23, s17  }
.LBB2_3:
0x92: {  	p0 =	sne.s32 s21, $0x3F0;
	s23 =	sadd.s32 s23, s18;
	s24 =	sadd.s32 s22, s24;
	[tilespmem:s19+$0x0] =	vst v3  }
0x93: {  	s19 =	sadd.s32 s22, s23;
	v3 =	vld [tilespmem:s24+$0x0]  }
0x94: {  	v4 =	vld [tilespmem:s19+$0x0];
	_ =	sdelay $0x1  }
0x95: {  	v5 =	vld [tilespmem:s24+$0x80];
	_ =	sdelay $0x1  }
.Ltmp0:
0x96: {  	(pc) =	sbr.rel @p0 .LBB2_3-.Ltmp0, $4  }
0x97: {  	v3 =	vadd.f32 v3, v4  }
0x98: {  	s20 =	sadd.s32 $0x80, s20  }
0x99: {  	s23 =	sand.u32 $0x1C00, s20;
	v3 =	vadd.f32 v5, v3  }
0x9a: {  	s22 =	sand.u32 $0x70, s21;
	s21 =	sadd.s32 $0x10, s21;
	s24 =	sadd.s32 s23, s17  }
0x9b: {  	s17 =	sadd.s32 s23, s18;
	s25 =	sadd.s32 s22, s24;
	[tilespmem:s19+$0x0] =	vst v3  }
0x9c: {  	s17 =	sadd.s32 s22, s17;
	v3 =	vld [tilespmem:s25+$0x0]  }
0x9d: {  	v4 =	vld [tilespmem:s17+$0x0];
	_ =	sdelay $0x1  }
0x9e: {  	v5 =	vld [tilespmem:s25+$0x80]  }
0x9f: {  	s15 =	sadd.s32 $0x1, s15  }
0xa0: {  	p0 =	sne.s32 s15, $0x10  }
.Ltmp1:
0xa1: {  	v3 =	vadd.f32 v3, v4;
	(pc) =	sbr.rel @p0 .LBB2_2-.Ltmp1, $3  }
0xa2: {  	_ = 	snop  }
0xa3: {  	v3 =	vadd.f32 v5, v3;
	_ =	sdelay $0x1  }
0xa4: {  	[tilespmem:s17+$0x0] =	vst v3  }
0xa5: {  	s15 =	simm.s32 $0x0;
	s17 =	rddreg [dreg:$0x6]  }
0xa6: {  	[hbm4b:s17+s15] =	stream.linear.scatter [tilespmem:s16], [sflag:$0x5], $0x4000, $0x38;
	[tilespmem:$0x18100] =	vst v63  }
0xa7: {  	_ =	swait.ge [sflag:s10], $0x4000  }
0xa8: {  	[sflag:s10] =	ssyncset.done $0x0  }
0xa9: {  	[sflag:s10] =	ssyncadd.s32 $0xFFFFC000  }
0xaa: {  	v3 =	vld [tilespmem:$0x40];
	_ =	sdelay $0x4  }
0xab: {  	v4 =	vshll.u32 v3, $0x3  }
0xac: {  	v3 =	vand.u32 $0x7, v3;
	v4 =	vand.u32 $0xFFFFFFC0, v4  }
0xad: {  	v3 =	vor.u32 v3, v4  }
0xae: {  	v4 =	vperm.xlane v3, v0;
	_ =	sdelay $0x1  }
0xaf: {  	v4 =	vadd.s32 v1, v4;
	_ =	sdelay $0x3  }
0xb0: {  	s25 =	simm.s32 $0x100  }
0xb1: {  	[tilespmem:s25], [sflag:$0x1] =	stream.indirect_vreg.gather [hbm4b:s2+s15], $0x80, v4, vm0, $0xb8;
	[tilespmem:$0x18100] =	vst v63  }
0xb2: {  	s18 =	simm.s32 $0x900;
	v3 =	vperm.xlane v3, v2  }
0xb3: {  	[tilespmem:s18], [sflag:$0x1] =	stream.indirect_vreg.gather [hbm4b:s5+s15], $0x80, v4, vm0, $0xb8;
	[tilespmem:$0x18100] =	vst v63  }
0xb4: {  	s19 =	simm.s32 $0x1100;
	v3 =	vadd.s32 v1, v3  }
0xb5: {  	[tilespmem:s19], [sflag:$0x1] =	stream.indirect_vreg.gather [hbm4b:s6+s15], $0x80, v4, vm0, $0xb8;
	[tilespmem:$0x18100] =	vst v63  }
0xb6: {  	s20 =	simm.s32 $0x1900  }
0xb7: {  	[tilespmem:s20], [sflag:$0x1] =	stream.indirect_vreg.gather [hbm4b:s7+s15], $0x80, v4, vm0, $0xb8;
	[tilespmem:$0x18100] =	vst v63  }
0xb8: {  	s21 =	simm.s32 $0x2100  }
0xb9: {  	[tilespmem:s21], [sflag:$0x1] =	stream.indirect_vreg.gather [hbm4b:s2+s15], $0x80, v3, vm0, $0xb8;
	[tilespmem:$0x18100] =	vst v63  }
0xba: {  	s22 =	simm.s32 $0x2900  }
0xbb: {  	[tilespmem:s22], [sflag:$0x1] =	stream.indirect_vreg.gather [hbm4b:s5+s15], $0x80, v3, vm0, $0xb8;
	[tilespmem:$0x18100] =	vst v63  }
0xbc: {  	s23 =	simm.s32 $0x3100  }
0xbd: {  	[tilespmem:s23], [sflag:$0x1] =	stream.indirect_vreg.gather [hbm4b:s6+s15], $0x80, v3, vm0, $0xb8;
	[tilespmem:$0x18100] =	vst v63  }
0xbe: {  	s24 =	simm.s32 $0x3900  }
0xbf: {  	[tilespmem:s24], [sflag:$0x1] =	stream.indirect_vreg.gather [hbm4b:s7+s15], $0x80, v3, vm0, $0xb8;
	[tilespmem:$0x18100] =	vst v63  }
0xc0: {  	v3 =	vld [tilespmem:$0x50];
	_ =	sdelay $0x4  }
0xc1: {  	v63 =	vshll.u32 v3, $0x3  }
0xc2: {  	v3 =	vand.u32 $0x7, v3;
	v4 =	vand.u32 $0xFFFFFFC0, v63  }
0xc3: {  	v3 =	vor.u32 v3, v4  }
0xc4: {  	v4 =	vperm.xlane v3, v0;
	_ =	sdelay $0x1  }
0xc5: {  	v4 =	vadd.s32 v1, v4;
	_ =	sdelay $0x3  }
0xc6: {  	s25 =	simm.s32 $0x4100  }
0xc7: {  	[tilespmem:s25], [sflag:$0x1] =	stream.indirect_vreg.gather [hbm4b:s2+s15], $0x80, v4, vm0, $0xb8;
	[tilespmem:$0x18100] =	vst v63  }
0xc8: {  	s18 =	simm.s32 $0x4900;
	v3 =	vperm.xlane v3, v2  }
0xc9: {  	[tilespmem:s18], [sflag:$0x1] =	stream.indirect_vreg.gather [hbm4b:s5+s15], $0x80, v4, vm0, $0xb8;
	[tilespmem:$0x18100] =	vst v63  }
0xca: {  	s19 =	simm.s32 $0x5100;
	v3 =	vadd.s32 v1, v3  }
0xcb: {  	[tilespmem:s19], [sflag:$0x1] =	stream.indirect_vreg.gather [hbm4b:s6+s15], $0x80, v4, vm0, $0xb8;
	[tilespmem:$0x18100] =	vst v63  }
0xcc: {  	s20 =	simm.s32 $0x5900  }
0xcd: {  	[tilespmem:s20], [sflag:$0x1] =	stream.indirect_vreg.gather [hbm4b:s7+s15], $0x80, v4, vm0, $0xb8;
	[tilespmem:$0x18100] =	vst v63  }
0xce: {  	s21 =	simm.s32 $0x6100  }
0xcf: {  	[tilespmem:s21], [sflag:$0x1] =	stream.indirect_vreg.gather [hbm4b:s2+s15], $0x80, v3, vm0, $0xb8;
	[tilespmem:$0x18100] =	vst v63  }
0xd0: {  	s22 =	simm.s32 $0x6900  }
0xd1: {  	[tilespmem:s22], [sflag:$0x1] =	stream.indirect_vreg.gather [hbm4b:s5+s15], $0x80, v3, vm0, $0xb8;
	[tilespmem:$0x18100] =	vst v63  }
0xd2: {  	s23 =	simm.s32 $0x7100  }
0xd3: {  	[tilespmem:s23], [sflag:$0x1] =	stream.indirect_vreg.gather [hbm4b:s6+s15], $0x80, v3, vm0, $0xb8;
	[tilespmem:$0x18100] =	vst v63  }
0xd4: {  	s24 =	simm.s32 $0x7900  }
0xd5: {  	[tilespmem:s24], [sflag:$0x1] =	stream.indirect_vreg.gather [hbm4b:s7+s15], $0x80, v3, vm0, $0xb8;
	[tilespmem:$0x18100] =	vst v63  }
0xd6: {  	s25 =	rddreg [dreg:$0x7]  }
0xd7: {  	[tilespmem:s16], [sflag:$0x3] =	stream.linear.gather [hbm4b:s25+s15], $0x4000, $0x38;
	[tilespmem:$0x18100] =	vst v63  }
0xd8: {  	_ =	swait.ge [sflag:s11], $0x8000  }
0xd9: {  	[sflag:s11] =	ssyncset.done $0x0  }
0xda: {  	[sflag:s11] =	ssyncadd.s32 $0xFFFF8000  }
0xdb: {  	_ =	swait.ge [sflag:s12], $0x4000  }
0xdc: {  	[sflag:s12] =	ssyncset.done $0x0  }
0xdd: {  	s17 =	simm.s32 $0x0;
	[sflag:s12] =	ssyncadd.s32 $0xFFFFC000  }
.LBB2_6:
0xde: {  	s18 =	sshll.u32 s17, $0xA;
	s19 =	sshll.u32 s17, $0x8;
	s20 =	sshll.u32 s17, $0xB  }
0xdf: {  	s21 =	sshll.u32 s17, $0x7;
	s20 =	sand.u32 $0x6000, s20;
	s19 =	sand.u32 $0x300, s19  }
0xe0: {  	s18 =	sand.u32 $0x2000, s18;
	s21 =	sand.u32 $0x380, s21;
	s19 =	sor.u32 s19, s20  }
0xe1: {  	s23 =	sand.u32 $0x1C00, s15;
	s22 =	sor.u32 s21, s18;
	s18 =	sadd.s32 $0x8100, s19  }
0xe2: {  	s24 =	sand.u32 $0x70, s15;
	s19 =	sadd.s32 $0x14100, s22;
	s22 =	sadd.s32 s23, s18  }
0xe3: {  	s21 =	sadd.s32 s23, s19;
	s22 =	sadd.s32 s24, s22  }
0xe4: {  	s20 =	sadd.s32 s24, s21;
	v3 =	vld [tilespmem:s22+$0x0]  }
0xe5: {  	v4 =	vld [tilespmem:s20+$0x0];
	_ =	sdelay $0x1  }
0xe6: {  	v5 =	vld [tilespmem:s22+$0x80];
	_ =	sdelay $0x2  }
0xe7: {  	v3 =	vadd.f32 v3, v4  }
0xe8: {  	s21 =	simm.s32 $0x80  }
0xe9: {  	s25 =	simm.s32 $0x10;
	s24 =	sand.u32 $0x1C00, s21;
	v3 =	vadd.f32 v5, v3  }
0xea: {  	s23 =	sand.u32 $0x70, s25;
	s22 =	simm.s32 $0x20;
	s25 =	sadd.s32 s24, s18  }
.LBB2_7:
0xeb: {  	p0 =	sne.s32 s22, $0x3F0;
	s24 =	sadd.s32 s24, s19;
	s25 =	sadd.s32 s23, s25;
	[tilespmem:s20+$0x0] =	vst v3  }
0xec: {  	s20 =	sadd.s32 s23, s24;
	v3 =	vld [tilespmem:s25+$0x0]  }
0xed: {  	v4 =	vld [tilespmem:s20+$0x0];
	_ =	sdelay $0x1  }
0xee: {  	v5 =	vld [tilespmem:s25+$0x80];
	_ =	sdelay $0x1  }
.Ltmp2:
0xef: {  	(pc) =	sbr.rel @p0 .LBB2_7-.Ltmp2, $4  }
0xf0: {  	v3 =	vadd.f32 v3, v4  }
0xf1: {  	s21 =	sadd.s32 $0x80, s21  }
0xf2: {  	s24 =	sand.u32 $0x1C00, s21;
	v3 =	vadd.f32 v5, v3  }
0xf3: {  	s23 =	sand.u32 $0x70, s22;
	s22 =	sadd.s32 $0x10, s22;
	s25 =	sadd.s32 s24, s18  }
0xf4: {  	s18 =	sadd.s32 s24, s19;
	s25 =	sadd.s32 s23, s25;
	[tilespmem:s20+$0x0] =	vst v3  }
0xf5: {  	s18 =	sadd.s32 s23, s18;
	v3 =	vld [tilespmem:s25+$0x0]  }
0xf6: {  	v4 =	vld [tilespmem:s18+$0x0];
	_ =	sdelay $0x1  }
0xf7: {  	v5 =	vld [tilespmem:s25+$0x80]  }
0xf8: {  	s17 =	sadd.s32 $0x1, s17  }
0xf9: {  	p0 =	sne.s32 s17, $0x10  }
.Ltmp3:
0xfa: {  	v3 =	vadd.f32 v3, v4;
	(pc) =	sbr.rel @p0 .LBB2_6-.Ltmp3, $3  }
0xfb: {  	_ = 	snop  }
0xfc: {  	v3 =	vadd.f32 v5, v3;
	_ =	sdelay $0x1  }
0xfd: {  	[tilespmem:s18+$0x0] =	vst v3  }
0xfe: {  	s15 =	simm.s32 $0x0;
	s17 =	rddreg [dreg:$0x8]  }
0xff: {  	[hbm4b:s17+s15] =	stream.linear.scatter [tilespmem:s4], [sflag:$0x6], $0x4000, $0x38;
	[tilespmem:$0x18100] =	vst v63  }
0x100: {  	_ =	swait.ge [sflag:s13], $0x4000  }
0x101: {  	[sflag:s13] =	ssyncset.done $0x0  }
0x102: {  	[sflag:s13] =	ssyncadd.s32 $0xFFFFC000  }
0x103: {  	v3 =	vld [tilespmem:$0x60];
	_ =	sdelay $0x4  }
0x104: {  	v4 =	vshll.u32 v3, $0x3  }
0x105: {  	v3 =	vand.u32 $0x7, v3;
	v4 =	vand.u32 $0xFFFFFFC0, v4  }
0x106: {  	v3 =	vor.u32 v3, v4  }
0x107: {  	v4 =	vperm.xlane v3, v0;
	_ =	sdelay $0x1  }
0x108: {  	v4 =	vadd.s32 v1, v4;
	_ =	sdelay $0x3  }
0x109: {  	s24 =	simm.s32 $0x8100  }
0x10a: {  	[tilespmem:s24], [sflag:$0x2] =	stream.indirect_vreg.gather [hbm4b:s2+s15], $0x80, v4, vm0, $0xb8;
	[tilespmem:$0x18100] =	vst v63  }
0x10b: {  	s25 =	simm.s32 $0x8900;
	v3 =	vperm.xlane v3, v2  }
0x10c: {  	[tilespmem:s25], [sflag:$0x2] =	stream.indirect_vreg.gather [hbm4b:s5+s15], $0x80, v4, vm0, $0xb8;
	[tilespmem:$0x18100] =	vst v63  }
0x10d: {  	s18 =	simm.s32 $0x9100;
	v3 =	vadd.s32 v1, v3  }
0x10e: {  	[tilespmem:s18], [sflag:$0x2] =	stream.indirect_vreg.gather [hbm4b:s6+s15], $0x80, v4, vm0, $0xb8;
	[tilespmem:$0x18100] =	vst v63  }
0x10f: {  	s19 =	simm.s32 $0x9900  }
0x110: {  	[tilespmem:s19], [sflag:$0x2] =	stream.indirect_vreg.gather [hbm4b:s7+s15], $0x80, v4, vm0, $0xb8;
	[tilespmem:$0x18100] =	vst v63  }
0x111: {  	s20 =	simm.s32 $0xA100  }
0x112: {  	[tilespmem:s20], [sflag:$0x2] =	stream.indirect_vreg.gather [hbm4b:s2+s15], $0x80, v3, vm0, $0xb8;
	[tilespmem:$0x18100] =	vst v63  }
0x113: {  	s21 =	simm.s32 $0xA900  }
0x114: {  	[tilespmem:s21], [sflag:$0x2] =	stream.indirect_vreg.gather [hbm4b:s5+s15], $0x80, v3, vm0, $0xb8;
	[tilespmem:$0x18100] =	vst v63  }
0x115: {  	s22 =	simm.s32 $0xB100  }
0x116: {  	[tilespmem:s22], [sflag:$0x2] =	stream.indirect_vreg.gather [hbm4b:s6+s15], $0x80, v3, vm0, $0xb8;
	[tilespmem:$0x18100] =	vst v63  }
0x117: {  	s23 =	simm.s32 $0xB900  }
0x118: {  	[tilespmem:s23], [sflag:$0x2] =	stream.indirect_vreg.gather [hbm4b:s7+s15], $0x80, v3, vm0, $0xb8;
	[tilespmem:$0x18100] =	vst v63  }
0x119: {  	v3 =	vld [tilespmem:$0x70];
	_ =	sdelay $0x4  }
0x11a: {  	v63 =	vshll.u32 v3, $0x3  }
0x11b: {  	v3 =	vand.u32 $0x7, v3;
	v4 =	vand.u32 $0xFFFFFFC0, v63  }
0x11c: {  	v3 =	vor.u32 v3, v4  }
0x11d: {  	v4 =	vperm.xlane v3, v0;
	_ =	sdelay $0x1  }
0x11e: {  	v4 =	vadd.s32 v1, v4;
	_ =	sdelay $0x3  }
0x11f: {  	s24 =	simm.s32 $0xC100  }
0x120: {  	[tilespmem:s24], [sflag:$0x2] =	stream.indirect_vreg.gather [hbm4b:s2+s15], $0x80, v4, vm0, $0xb8;
	[tilespmem:$0x18100] =	vst v63  }
0x121: {  	v3 =	vperm.xlane v3, v2  }
0x122: {  	[tilespmem:s26], [sflag:$0x2] =	stream.indirect_vreg.gather [hbm4b:s5+s15], $0x80, v4, vm0, $0xb8;
	[tilespmem:$0x18100] =	vst v63  }
0x123: {  	v3 =	vadd.s32 v1, v3  }
0x124: {  	[tilespmem:s28], [sflag:$0x2] =	stream.indirect_vreg.gather [hbm4b:s6+s15], $0x80, v4, vm0, $0xb8;
	[tilespmem:$0x18100] =	vst v63  }
0x125: {  	_ = 	snop  }
0x126: {  	[tilespmem:s29], [sflag:$0x2] =	stream.indirect_vreg.gather [hbm4b:s7+s15], $0x80, v4, vm0, $0xb8;
	[tilespmem:$0x18100] =	vst v63  }
0x127: {  	_ = 	snop  }
0x128: {  	[tilespmem:s30], [sflag:$0x2] =	stream.indirect_vreg.gather [hbm4b:s2+s15], $0x80, v3, vm0, $0xb8;
	[tilespmem:$0x18100] =	vst v63  }
0x129: {  	_ = 	snop  }
0x12a: {  	[tilespmem:s31], [sflag:$0x2] =	stream.indirect_vreg.gather [hbm4b:s5+s15], $0x80, v3, vm0, $0xb8;
	[tilespmem:$0x18100] =	vst v63  }
0x12b: {  	_ = 	snop  }
0x12c: {  	[tilespmem:s0], [sflag:$0x2] =	stream.indirect_vreg.gather [hbm4b:s6+s15], $0x80, v3, vm0, $0xb8;
	[tilespmem:$0x18100] =	vst v63  }
0x12d: {  	_ = 	snop  }
0x12e: {  	[tilespmem:s1], [sflag:$0x2] =	stream.indirect_vreg.gather [hbm4b:s7+s15], $0x80, v3, vm0, $0xb8;
	[tilespmem:$0x18100] =	vst v63  }
0x12f: {  	s25 =	rddreg [dreg:$0x9]  }
0x130: {  	[tilespmem:s4], [sflag:$0x4] =	stream.linear.gather [hbm4b:s25+s15], $0x4000, $0x38;
	[tilespmem:$0x18100] =	vst v63  }
0x131: {  	_ =	swait.ge [sflag:s8], $0x8000  }
0x132: {  	[sflag:s8] =	ssyncset.done $0x0  }
0x133: {  	[sflag:s8] =	ssyncadd.s32 $0xFFFF8000  }
0x134: {  	_ =	swait.ge [sflag:s9], $0x4000  }
0x135: {  	[sflag:s9] =	ssyncset.done $0x0  }
0x136: {  	s17 =	simm.s32 $0x0;
	[sflag:s9] =	ssyncadd.s32 $0xFFFFC000  }
.LBB2_10:
0x137: {  	s18 =	sshll.u32 s17, $0xA;
	s19 =	sshll.u32 s17, $0x8;
	s20 =	sshll.u32 s17, $0xB  }
0x138: {  	s21 =	sshll.u32 s17, $0x7;
	s20 =	sand.u32 $0x6000, s20;
	s19 =	sand.u32 $0x300, s19  }
0x139: {  	s18 =	sand.u32 $0x2000, s18;
	s21 =	sand.u32 $0x380, s21;
	s19 =	sor.u32 s19, s20  }
0x13a: {  	s23 =	sand.u32 $0x1C00, s15;
	s22 =	sor.u32 s21, s18;
	s18 =	sadd.s32 $0x100, s19  }
0x13b: {  	s24 =	sand.u32 $0x70, s15;
	s19 =	sadd.s32 $0x10100, s22;
	s22 =	sadd.s32 s23, s18  }
0x13c: {  	s21 =	sadd.s32 s23, s19;
	s22 =	sadd.s32 s24, s22  }
0x13d: {  	s20 =	sadd.s32 s24, s21;
	v3 =	vld [tilespmem:s22+$0x0]  }
0x13e: {  	v4 =	vld [tilespmem:s20+$0x0];
	_ =	sdelay $0x1  }
0x13f: {  	v5 =	vld [tilespmem:s22+$0x80];
	_ =	sdelay $0x2  }
0x140: {  	v3 =	vadd.f32 v3, v4  }
0x141: {  	s21 =	simm.s32 $0x80  }
0x142: {  	s25 =	simm.s32 $0x10;
	s24 =	sand.u32 $0x1C00, s21;
	v3 =	vadd.f32 v5, v3  }
0x143: {  	s23 =	sand.u32 $0x70, s25;
	s22 =	simm.s32 $0x20;
	s25 =	sadd.s32 s24, s18  }
.LBB2_11:
0x144: {  	p0 =	sne.s32 s22, $0x3F0;
	s24 =	sadd.s32 s24, s19;
	s25 =	sadd.s32 s23, s25;
	[tilespmem:s20+$0x0] =	vst v3  }
0x145: {  	s20 =	sadd.s32 s23, s24;
	v3 =	vld [tilespmem:s25+$0x0]  }
0x146: {  	v4 =	vld [tilespmem:s20+$0x0];
	_ =	sdelay $0x1  }
0x147: {  	v5 =	vld [tilespmem:s25+$0x80];
	_ =	sdelay $0x1  }
.Ltmp4:
0x148: {  	(pc) =	sbr.rel @p0 .LBB2_11-.Ltmp4, $4  }
0x149: {  	v3 =	vadd.f32 v3, v4  }
0x14a: {  	s21 =	sadd.s32 $0x80, s21  }
0x14b: {  	s24 =	sand.u32 $0x1C00, s21;
	v3 =	vadd.f32 v5, v3  }
0x14c: {  	s23 =	sand.u32 $0x70, s22;
	s22 =	sadd.s32 $0x10, s22;
	s25 =	sadd.s32 s24, s18  }
0x14d: {  	s18 =	sadd.s32 s24, s19;
	s25 =	sadd.s32 s23, s25;
	[tilespmem:s20+$0x0] =	vst v3  }
0x14e: {  	s18 =	sadd.s32 s23, s18;
	v3 =	vld [tilespmem:s25+$0x0]  }
0x14f: {  	v4 =	vld [tilespmem:s18+$0x0];
	_ =	sdelay $0x1  }
0x150: {  	v5 =	vld [tilespmem:s25+$0x80]  }
0x151: {  	s17 =	sadd.s32 $0x1, s17  }
0x152: {  	p0 =	sne.s32 s17, $0x10  }
.Ltmp5:
0x153: {  	v3 =	vadd.f32 v3, v4;
	(pc) =	sbr.rel @p0 .LBB2_10-.Ltmp5, $3  }
0x154: {  	_ = 	snop  }
0x155: {  	v3 =	vadd.f32 v5, v3;
	_ =	sdelay $0x1  }
0x156: {  	[tilespmem:s18+$0x0] =	vst v3  }
0x157: {  	s15 =	simm.s32 $0x0;
	s17 =	rddreg [dreg:$0xa]  }
0x158: {  	[hbm4b:s17+s15] =	stream.linear.scatter [tilespmem:s16], [sflag:$0x5], $0x4000, $0x38;
	[tilespmem:$0x18100] =	vst v63  }
0x159: {  	_ =	swait.ge [sflag:s10], $0x4000  }
0x15a: {  	[sflag:s10] =	ssyncset.done $0x0  }
0x15b: {  	[sflag:s10] =	ssyncadd.s32 $0xFFFFC000  }
0x15c: {  	v3 =	vld [tilespmem:$0x80];
	_ =	sdelay $0x4  }
0x15d: {  	v4 =	vshll.u32 v3, $0x3  }
0x15e: {  	v3 =	vand.u32 $0x7, v3;
	v4 =	vand.u32 $0xFFFFFFC0, v4  }
0x15f: {  	v3 =	vor.u32 v3, v4  }
0x160: {  	v4 =	vperm.xlane v3, v0;
	_ =	sdelay $0x1  }
0x161: {  	v4 =	vadd.s32 v1, v4;
	_ =	sdelay $0x3  }
0x162: {  	s25 =	simm.s32 $0x100  }
0x163: {  	[tilespmem:s25], [sflag:$0x1] =	stream.indirect_vreg.gather [hbm4b:s2+s15], $0x80, v4, vm0, $0xb8;
	[tilespmem:$0x18100] =	vst v63  }
0x164: {  	s18 =	simm.s32 $0x900;
	v3 =	vperm.xlane v3, v2  }
0x165: {  	[tilespmem:s18], [sflag:$0x1] =	stream.indirect_vreg.gather [hbm4b:s5+s15], $0x80, v4, vm0, $0xb8;
	[tilespmem:$0x18100] =	vst v63  }
0x166: {  	s19 =	simm.s32 $0x1100;
	v3 =	vadd.s32 v1, v3  }
0x167: {  	[tilespmem:s19], [sflag:$0x1] =	stream.indirect_vreg.gather [hbm4b:s6+s15], $0x80, v4, vm0, $0xb8;
	[tilespmem:$0x18100] =	vst v63  }
0x168: {  	s20 =	simm.s32 $0x1900  }
0x169: {  	[tilespmem:s20], [sflag:$0x1] =	stream.indirect_vreg.gather [hbm4b:s7+s15], $0x80, v4, vm0, $0xb8;
	[tilespmem:$0x18100] =	vst v63  }
0x16a: {  	s21 =	simm.s32 $0x2100  }
0x16b: {  	[tilespmem:s21], [sflag:$0x1] =	stream.indirect_vreg.gather [hbm4b:s2+s15], $0x80, v3, vm0, $0xb8;
	[tilespmem:$0x18100] =	vst v63  }
0x16c: {  	s22 =	simm.s32 $0x2900  }
0x16d: {  	[tilespmem:s22], [sflag:$0x1] =	stream.indirect_vreg.gather [hbm4b:s5+s15], $0x80, v3, vm0, $0xb8;
	[tilespmem:$0x18100] =	vst v63  }
0x16e: {  	s23 =	simm.s32 $0x3100  }
0x16f: {  	[tilespmem:s23], [sflag:$0x1] =	stream.indirect_vreg.gather [hbm4b:s6+s15], $0x80, v3, vm0, $0xb8;
	[tilespmem:$0x18100] =	vst v63  }
0x170: {  	s24 =	simm.s32 $0x3900  }
0x171: {  	[tilespmem:s24], [sflag:$0x1] =	stream.indirect_vreg.gather [hbm4b:s7+s15], $0x80, v3, vm0, $0xb8;
	[tilespmem:$0x18100] =	vst v63  }
0x172: {  	v3 =	vld [tilespmem:$0x90];
	_ =	sdelay $0x4  }
0x173: {  	v63 =	vshll.u32 v3, $0x3  }
0x174: {  	v3 =	vand.u32 $0x7, v3;
	v4 =	vand.u32 $0xFFFFFFC0, v63  }
0x175: {  	v3 =	vor.u32 v3, v4  }
0x176: {  	v4 =	vperm.xlane v3, v0;
	_ =	sdelay $0x1  }
0x177: {  	v4 =	vadd.s32 v1, v4;
	_ =	sdelay $0x3  }
0x178: {  	s25 =	simm.s32 $0x4100  }
0x179: {  	[tilespmem:s25], [sflag:$0x1] =	stream.indirect_vreg.gather [hbm4b:s2+s15], $0x80, v4, vm0, $0xb8;
	[tilespmem:$0x18100] =	vst v63  }
0x17a: {  	s18 =	simm.s32 $0x4900;
	v3 =	vperm.xlane v3, v2  }
0x17b: {  	[tilespmem:s18], [sflag:$0x1] =	stream.indirect_vreg.gather [hbm4b:s5+s15], $0x80, v4, vm0, $0xb8;
	[tilespmem:$0x18100] =	vst v63  }
0x17c: {  	s19 =	simm.s32 $0x5100;
	v3 =	vadd.s32 v1, v3  }
0x17d: {  	[tilespmem:s19], [sflag:$0x1] =	stream.indirect_vreg.gather [hbm4b:s6+s15], $0x80, v4, vm0, $0xb8;
	[tilespmem:$0x18100] =	vst v63  }
0x17e: {  	s20 =	simm.s32 $0x5900  }
0x17f: {  	[tilespmem:s20], [sflag:$0x1] =	stream.indirect_vreg.gather [hbm4b:s7+s15], $0x80, v4, vm0, $0xb8;
	[tilespmem:$0x18100] =	vst v63  }
0x180: {  	s21 =	simm.s32 $0x6100  }
0x181: {  	[tilespmem:s21], [sflag:$0x1] =	stream.indirect_vreg.gather [hbm4b:s2+s15], $0x80, v3, vm0, $0xb8;
	[tilespmem:$0x18100] =	vst v63  }
0x182: {  	s22 =	simm.s32 $0x6900  }
0x183: {  	[tilespmem:s22], [sflag:$0x1] =	stream.indirect_vreg.gather [hbm4b:s5+s15], $0x80, v3, vm0, $0xb8;
	[tilespmem:$0x18100] =	vst v63  }
0x184: {  	s23 =	simm.s32 $0x7100  }
0x185: {  	[tilespmem:s23], [sflag:$0x1] =	stream.indirect_vreg.gather [hbm4b:s6+s15], $0x80, v3, vm0, $0xb8;
	[tilespmem:$0x18100] =	vst v63  }
0x186: {  	s24 =	simm.s32 $0x7900  }
0x187: {  	[tilespmem:s24], [sflag:$0x1] =	stream.indirect_vreg.gather [hbm4b:s7+s15], $0x80, v3, vm0, $0xb8;
	[tilespmem:$0x18100] =	vst v63  }
0x188: {  	s25 =	rddreg [dreg:$0xb]  }
0x189: {  	[tilespmem:s16], [sflag:$0x3] =	stream.linear.gather [hbm4b:s25+s15], $0x4000, $0x38;
	[tilespmem:$0x18100] =	vst v63  }
0x18a: {  	_ =	swait.ge [sflag:s11], $0x8000  }
0x18b: {  	[sflag:s11] =	ssyncset.done $0x0  }
0x18c: {  	[sflag:s11] =	ssyncadd.s32 $0xFFFF8000  }
0x18d: {  	_ =	swait.ge [sflag:s12], $0x4000  }
0x18e: {  	[sflag:s12] =	ssyncset.done $0x0  }
0x18f: {  	s17 =	simm.s32 $0x0;
	[sflag:s12] =	ssyncadd.s32 $0xFFFFC000  }
.LBB2_14:
0x190: {  	s18 =	sshll.u32 s17, $0xA;
	s19 =	sshll.u32 s17, $0x8;
	s20 =	sshll.u32 s17, $0xB  }
0x191: {  	s21 =	sshll.u32 s17, $0x7;
	s20 =	sand.u32 $0x6000, s20;
	s19 =	sand.u32 $0x300, s19  }
0x192: {  	s18 =	sand.u32 $0x2000, s18;
	s21 =	sand.u32 $0x380, s21;
	s19 =	sor.u32 s19, s20  }
0x193: {  	s23 =	sand.u32 $0x1C00, s15;
	s22 =	sor.u32 s21, s18;
	s18 =	sadd.s32 $0x8100, s19  }
0x194: {  	s24 =	sand.u32 $0x70, s15;
	s19 =	sadd.s32 $0x14100, s22;
	s22 =	sadd.s32 s23, s18  }
0x195: {  	s21 =	sadd.s32 s23, s19;
	s22 =	sadd.s32 s24, s22  }
0x196: {  	s20 =	sadd.s32 s24, s21;
	v3 =	vld [tilespmem:s22+$0x0]  }
0x197: {  	v4 =	vld [tilespmem:s20+$0x0];
	_ =	sdelay $0x1  }
0x198: {  	v5 =	vld [tilespmem:s22+$0x80];
	_ =	sdelay $0x2  }
0x199: {  	v3 =	vadd.f32 v3, v4  }
0x19a: {  	s21 =	simm.s32 $0x80  }
0x19b: {  	s25 =	simm.s32 $0x10;
	s24 =	sand.u32 $0x1C00, s21;
	v3 =	vadd.f32 v5, v3  }
0x19c: {  	s23 =	sand.u32 $0x70, s25;
	s22 =	simm.s32 $0x20;
	s25 =	sadd.s32 s24, s18  }
.LBB2_15:
0x19d: {  	p0 =	sne.s32 s22, $0x3F0;
	s24 =	sadd.s32 s24, s19;
	s25 =	sadd.s32 s23, s25;
	[tilespmem:s20+$0x0] =	vst v3  }
0x19e: {  	s20 =	sadd.s32 s23, s24;
	v3 =	vld [tilespmem:s25+$0x0]  }
0x19f: {  	v4 =	vld [tilespmem:s20+$0x0];
	_ =	sdelay $0x1  }
0x1a0: {  	v5 =	vld [tilespmem:s25+$0x80];
	_ =	sdelay $0x1  }
.Ltmp6:
0x1a1: {  	(pc) =	sbr.rel @p0 .LBB2_15-.Ltmp6, $4  }
0x1a2: {  	v3 =	vadd.f32 v3, v4  }
0x1a3: {  	s21 =	sadd.s32 $0x80, s21  }
0x1a4: {  	s24 =	sand.u32 $0x1C00, s21;
	v3 =	vadd.f32 v5, v3  }
0x1a5: {  	s23 =	sand.u32 $0x70, s22;
	s22 =	sadd.s32 $0x10, s22;
	s25 =	sadd.s32 s24, s18  }
0x1a6: {  	s18 =	sadd.s32 s24, s19;
	s25 =	sadd.s32 s23, s25;
	[tilespmem:s20+$0x0] =	vst v3  }
0x1a7: {  	s18 =	sadd.s32 s23, s18;
	v3 =	vld [tilespmem:s25+$0x0]  }
0x1a8: {  	v4 =	vld [tilespmem:s18+$0x0];
	_ =	sdelay $0x1  }
0x1a9: {  	v5 =	vld [tilespmem:s25+$0x80]  }
0x1aa: {  	s17 =	sadd.s32 $0x1, s17  }
0x1ab: {  	p0 =	sne.s32 s17, $0x10  }
.Ltmp7:
0x1ac: {  	v3 =	vadd.f32 v3, v4;
	(pc) =	sbr.rel @p0 .LBB2_14-.Ltmp7, $3  }
0x1ad: {  	_ = 	snop  }
0x1ae: {  	v3 =	vadd.f32 v5, v3;
	_ =	sdelay $0x1  }
0x1af: {  	[tilespmem:s18+$0x0] =	vst v3  }
0x1b0: {  	s15 =	simm.s32 $0x0;
	s17 =	rddreg [dreg:$0xc]  }
0x1b1: {  	[hbm4b:s17+s15] =	stream.linear.scatter [tilespmem:s4], [sflag:$0x6], $0x4000, $0x38;
	[tilespmem:$0x18100] =	vst v63  }
0x1b2: {  	_ =	swait.ge [sflag:s13], $0x4000  }
0x1b3: {  	[sflag:s13] =	ssyncset.done $0x0  }
0x1b4: {  	[sflag:s13] =	ssyncadd.s32 $0xFFFFC000  }
0x1b5: {  	v3 =	vld [tilespmem:$0xA0];
	_ =	sdelay $0x4  }
0x1b6: {  	v4 =	vshll.u32 v3, $0x3  }
0x1b7: {  	v3 =	vand.u32 $0x7, v3;
	v4 =	vand.u32 $0xFFFFFFC0, v4  }
0x1b8: {  	v3 =	vor.u32 v3, v4  }
0x1b9: {  	v4 =	vperm.xlane v3, v0;
	_ =	sdelay $0x1  }
0x1ba: {  	v4 =	vadd.s32 v1, v4;
	_ =	sdelay $0x3  }
0x1bb: {  	s24 =	simm.s32 $0x8100  }
0x1bc: {  	[tilespmem:s24], [sflag:$0x2] =	stream.indirect_vreg.gather [hbm4b:s2+s15], $0x80, v4, vm0, $0xb8;
	[tilespmem:$0x18100] =	vst v63  }
0x1bd: {  	s25 =	simm.s32 $0x8900;
	v3 =	vperm.xlane v3, v2  }
0x1be: {  	[tilespmem:s25], [sflag:$0x2] =	stream.indirect_vreg.gather [hbm4b:s5+s15], $0x80, v4, vm0, $0xb8;
	[tilespmem:$0x18100] =	vst v63  }
0x1bf: {  	s18 =	simm.s32 $0x9100;
	v3 =	vadd.s32 v1, v3  }
0x1c0: {  	[tilespmem:s18], [sflag:$0x2] =	stream.indirect_vreg.gather [hbm4b:s6+s15], $0x80, v4, vm0, $0xb8;
	[tilespmem:$0x18100] =	vst v63  }
0x1c1: {  	s19 =	simm.s32 $0x9900  }
0x1c2: {  	[tilespmem:s19], [sflag:$0x2] =	stream.indirect_vreg.gather [hbm4b:s7+s15], $0x80, v4, vm0, $0xb8;
	[tilespmem:$0x18100] =	vst v63  }
0x1c3: {  	s20 =	simm.s32 $0xA100  }
0x1c4: {  	[tilespmem:s20], [sflag:$0x2] =	stream.indirect_vreg.gather [hbm4b:s2+s15], $0x80, v3, vm0, $0xb8;
	[tilespmem:$0x18100] =	vst v63  }
0x1c5: {  	s21 =	simm.s32 $0xA900  }
0x1c6: {  	[tilespmem:s21], [sflag:$0x2] =	stream.indirect_vreg.gather [hbm4b:s5+s15], $0x80, v3, vm0, $0xb8;
	[tilespmem:$0x18100] =	vst v63  }
0x1c7: {  	s22 =	simm.s32 $0xB100  }
0x1c8: {  	[tilespmem:s22], [sflag:$0x2] =	stream.indirect_vreg.gather [hbm4b:s6+s15], $0x80, v3, vm0, $0xb8;
	[tilespmem:$0x18100] =	vst v63  }
0x1c9: {  	s23 =	simm.s32 $0xB900  }
0x1ca: {  	[tilespmem:s23], [sflag:$0x2] =	stream.indirect_vreg.gather [hbm4b:s7+s15], $0x80, v3, vm0, $0xb8;
	[tilespmem:$0x18100] =	vst v63  }
0x1cb: {  	v3 =	vld [tilespmem:$0xB0];
	_ =	sdelay $0x4  }
0x1cc: {  	v63 =	vshll.u32 v3, $0x3  }
0x1cd: {  	v3 =	vand.u32 $0x7, v3;
	v4 =	vand.u32 $0xFFFFFFC0, v63  }
0x1ce: {  	v3 =	vor.u32 v3, v4  }
0x1cf: {  	v4 =	vperm.xlane v3, v0;
	_ =	sdelay $0x1  }
0x1d0: {  	v4 =	vadd.s32 v1, v4;
	_ =	sdelay $0x3  }
0x1d1: {  	s24 =	simm.s32 $0xC100  }
0x1d2: {  	[tilespmem:s24], [sflag:$0x2] =	stream.indirect_vreg.gather [hbm4b:s2+s15], $0x80, v4, vm0, $0xb8;
	[tilespmem:$0x18100] =	vst v63  }
0x1d3: {  	v3 =	vperm.xlane v3, v2  }
0x1d4: {  	[tilespmem:s26], [sflag:$0x2] =	stream.indirect_vreg.gather [hbm4b:s5+s15], $0x80, v4, vm0, $0xb8;
	[tilespmem:$0x18100] =	vst v63  }
0x1d5: {  	v3 =	vadd.s32 v1, v3  }
0x1d6: {  	[tilespmem:s28], [sflag:$0x2] =	stream.indirect_vreg.gather [hbm4b:s6+s15], $0x80, v4, vm0, $0xb8;
	[tilespmem:$0x18100] =	vst v63  }
0x1d7: {  	_ = 	snop  }
0x1d8: {  	[tilespmem:s29], [sflag:$0x2] =	stream.indirect_vreg.gather [hbm4b:s7+s15], $0x80, v4, vm0, $0xb8;
	[tilespmem:$0x18100] =	vst v63  }
0x1d9: {  	_ = 	snop  }
0x1da: {  	[tilespmem:s30], [sflag:$0x2] =	stream.indirect_vreg.gather [hbm4b:s2+s15], $0x80, v3, vm0, $0xb8;
	[tilespmem:$0x18100] =	vst v63  }
0x1db: {  	_ = 	snop  }
0x1dc: {  	[tilespmem:s31], [sflag:$0x2] =	stream.indirect_vreg.gather [hbm4b:s5+s15], $0x80, v3, vm0, $0xb8;
	[tilespmem:$0x18100] =	vst v63  }
0x1dd: {  	_ = 	snop  }
0x1de: {  	[tilespmem:s0], [sflag:$0x2] =	stream.indirect_vreg.gather [hbm4b:s6+s15], $0x80, v3, vm0, $0xb8;
	[tilespmem:$0x18100] =	vst v63  }
0x1df: {  	_ = 	snop  }
0x1e0: {  	[tilespmem:s1], [sflag:$0x2] =	stream.indirect_vreg.gather [hbm4b:s7+s15], $0x80, v3, vm0, $0xb8;
	[tilespmem:$0x18100] =	vst v63  }
0x1e1: {  	s25 =	rddreg [dreg:$0xd]  }
0x1e2: {  	[tilespmem:s4], [sflag:$0x4] =	stream.linear.gather [hbm4b:s25+s15], $0x4000, $0x38;
	[tilespmem:$0x18100] =	vst v63  }
0x1e3: {  	_ =	swait.ge [sflag:s8], $0x8000  }
0x1e4: {  	[sflag:s8] =	ssyncset.done $0x0  }
0x1e5: {  	[sflag:s8] =	ssyncadd.s32 $0xFFFF8000  }
0x1e6: {  	_ =	swait.ge [sflag:s9], $0x4000  }
0x1e7: {  	[sflag:s9] =	ssyncset.done $0x0  }
0x1e8: {  	s17 =	simm.s32 $0x0;
	[sflag:s9] =	ssyncadd.s32 $0xFFFFC000  }
.LBB2_18:
0x1e9: {  	s18 =	sshll.u32 s17, $0xA;
	s19 =	sshll.u32 s17, $0x8;
	s20 =	sshll.u32 s17, $0xB  }
0x1ea: {  	s21 =	sshll.u32 s17, $0x7;
	s20 =	sand.u32 $0x6000, s20;
	s19 =	sand.u32 $0x300, s19  }
0x1eb: {  	s18 =	sand.u32 $0x2000, s18;
	s21 =	sand.u32 $0x380, s21;
	s19 =	sor.u32 s19, s20  }
0x1ec: {  	s23 =	sand.u32 $0x1C00, s15;
	s22 =	sor.u32 s21, s18;
	s18 =	sadd.s32 $0x100, s19  }
0x1ed: {  	s24 =	sand.u32 $0x70, s15;
	s19 =	sadd.s32 $0x10100, s22;
	s22 =	sadd.s32 s23, s18  }
0x1ee: {  	s21 =	sadd.s32 s23, s19;
	s22 =	sadd.s32 s24, s22  }
0x1ef: {  	s20 =	sadd.s32 s24, s21;
	v3 =	vld [tilespmem:s22+$0x0]  }
0x1f0: {  	v4 =	vld [tilespmem:s20+$0x0];
	_ =	sdelay $0x1  }
0x1f1: {  	v5 =	vld [tilespmem:s22+$0x80];
	_ =	sdelay $0x2  }
0x1f2: {  	v3 =	vadd.f32 v3, v4  }
0x1f3: {  	s21 =	simm.s32 $0x80  }
0x1f4: {  	s25 =	simm.s32 $0x10;
	s24 =	sand.u32 $0x1C00, s21;
	v3 =	vadd.f32 v5, v3  }
0x1f5: {  	s23 =	sand.u32 $0x70, s25;
	s22 =	simm.s32 $0x20;
	s25 =	sadd.s32 s24, s18  }
.LBB2_19:
0x1f6: {  	p0 =	sne.s32 s22, $0x3F0;
	s24 =	sadd.s32 s24, s19;
	s25 =	sadd.s32 s23, s25;
	[tilespmem:s20+$0x0] =	vst v3  }
0x1f7: {  	s20 =	sadd.s32 s23, s24;
	v3 =	vld [tilespmem:s25+$0x0]  }
0x1f8: {  	v4 =	vld [tilespmem:s20+$0x0];
	_ =	sdelay $0x1  }
0x1f9: {  	v5 =	vld [tilespmem:s25+$0x80];
	_ =	sdelay $0x1  }
.Ltmp8:
0x1fa: {  	(pc) =	sbr.rel @p0 .LBB2_19-.Ltmp8, $4  }
0x1fb: {  	v3 =	vadd.f32 v3, v4  }
0x1fc: {  	s21 =	sadd.s32 $0x80, s21  }
0x1fd: {  	s24 =	sand.u32 $0x1C00, s21;
	v3 =	vadd.f32 v5, v3  }
0x1fe: {  	s23 =	sand.u32 $0x70, s22;
	s22 =	sadd.s32 $0x10, s22;
	s25 =	sadd.s32 s24, s18  }
0x1ff: {  	s18 =	sadd.s32 s24, s19;
	s25 =	sadd.s32 s23, s25;
	[tilespmem:s20+$0x0] =	vst v3  }
0x200: {  	s18 =	sadd.s32 s23, s18;
	v3 =	vld [tilespmem:s25+$0x0]  }
0x201: {  	v4 =	vld [tilespmem:s18+$0x0];
	_ =	sdelay $0x1  }
0x202: {  	v5 =	vld [tilespmem:s25+$0x80]  }
0x203: {  	s17 =	sadd.s32 $0x1, s17  }
0x204: {  	p0 =	sne.s32 s17, $0x10  }
.Ltmp9:
0x205: {  	v3 =	vadd.f32 v3, v4;
	(pc) =	sbr.rel @p0 .LBB2_18-.Ltmp9, $3  }
0x206: {  	_ = 	snop  }
0x207: {  	v3 =	vadd.f32 v5, v3;
	_ =	sdelay $0x1  }
0x208: {  	[tilespmem:s18+$0x0] =	vst v3  }
0x209: {  	s15 =	simm.s32 $0x0;
	s17 =	rddreg [dreg:$0xe]  }
0x20a: {  	[hbm4b:s17+s15] =	stream.linear.scatter [tilespmem:s16], [sflag:$0x5], $0x4000, $0x38;
	[tilespmem:$0x18100] =	vst v63  }
0x20b: {  	_ =	swait.ge [sflag:s10], $0x4000  }
0x20c: {  	[sflag:s10] =	ssyncset.done $0x0  }
0x20d: {  	[sflag:s10] =	ssyncadd.s32 $0xFFFFC000  }
0x20e: {  	v3 =	vld [tilespmem:$0xC0];
	_ =	sdelay $0x4  }
0x20f: {  	v4 =	vshll.u32 v3, $0x3  }
0x210: {  	v3 =	vand.u32 $0x7, v3;
	v4 =	vand.u32 $0xFFFFFFC0, v4  }
0x211: {  	v3 =	vor.u32 v3, v4  }
0x212: {  	v4 =	vperm.xlane v3, v0;
	_ =	sdelay $0x1  }
0x213: {  	v4 =	vadd.s32 v1, v4;
	_ =	sdelay $0x3  }
0x214: {  	s25 =	simm.s32 $0x100  }
0x215: {  	[tilespmem:s25], [sflag:$0x1] =	stream.indirect_vreg.gather [hbm4b:s2+s15], $0x80, v4, vm0, $0xb8;
	[tilespmem:$0x18100] =	vst v63  }
0x216: {  	s18 =	simm.s32 $0x900;
	v3 =	vperm.xlane v3, v2  }
0x217: {  	[tilespmem:s18], [sflag:$0x1] =	stream.indirect_vreg.gather [hbm4b:s5+s15], $0x80, v4, vm0, $0xb8;
	[tilespmem:$0x18100] =	vst v63  }
0x218: {  	s19 =	simm.s32 $0x1100;
	v3 =	vadd.s32 v1, v3  }
0x219: {  	[tilespmem:s19], [sflag:$0x1] =	stream.indirect_vreg.gather [hbm4b:s6+s15], $0x80, v4, vm0, $0xb8;
	[tilespmem:$0x18100] =	vst v63  }
0x21a: {  	s20 =	simm.s32 $0x1900  }
0x21b: {  	[tilespmem:s20], [sflag:$0x1] =	stream.indirect_vreg.gather [hbm4b:s7+s15], $0x80, v4, vm0, $0xb8;
	[tilespmem:$0x18100] =	vst v63  }
0x21c: {  	s21 =	simm.s32 $0x2100  }
0x21d: {  	[tilespmem:s21], [sflag:$0x1] =	stream.indirect_vreg.gather [hbm4b:s2+s15], $0x80, v3, vm0, $0xb8;
	[tilespmem:$0x18100] =	vst v63  }
0x21e: {  	s22 =	simm.s32 $0x2900  }
0x21f: {  	[tilespmem:s22], [sflag:$0x1] =	stream.indirect_vreg.gather [hbm4b:s5+s15], $0x80, v3, vm0, $0xb8;
	[tilespmem:$0x18100] =	vst v63  }
0x220: {  	s23 =	simm.s32 $0x3100  }
0x221: {  	[tilespmem:s23], [sflag:$0x1] =	stream.indirect_vreg.gather [hbm4b:s6+s15], $0x80, v3, vm0, $0xb8;
	[tilespmem:$0x18100] =	vst v63  }
0x222: {  	s24 =	simm.s32 $0x3900  }
0x223: {  	[tilespmem:s24], [sflag:$0x1] =	stream.indirect_vreg.gather [hbm4b:s7+s15], $0x80, v3, vm0, $0xb8;
	[tilespmem:$0x18100] =	vst v63  }
0x224: {  	v3 =	vld [tilespmem:$0xD0];
	_ =	sdelay $0x4  }
0x225: {  	v63 =	vshll.u32 v3, $0x3  }
0x226: {  	v3 =	vand.u32 $0x7, v3;
	v4 =	vand.u32 $0xFFFFFFC0, v63  }
0x227: {  	v3 =	vor.u32 v3, v4  }
0x228: {  	v4 =	vperm.xlane v3, v0;
	_ =	sdelay $0x1  }
0x229: {  	v4 =	vadd.s32 v1, v4;
	_ =	sdelay $0x3  }
0x22a: {  	s25 =	simm.s32 $0x4100  }
0x22b: {  	[tilespmem:s25], [sflag:$0x1] =	stream.indirect_vreg.gather [hbm4b:s2+s15], $0x80, v4, vm0, $0xb8;
	[tilespmem:$0x18100] =	vst v63  }
0x22c: {  	s18 =	simm.s32 $0x4900;
	v3 =	vperm.xlane v3, v2  }
0x22d: {  	[tilespmem:s18], [sflag:$0x1] =	stream.indirect_vreg.gather [hbm4b:s5+s15], $0x80, v4, vm0, $0xb8;
	[tilespmem:$0x18100] =	vst v63  }
0x22e: {  	s19 =	simm.s32 $0x5100;
	v3 =	vadd.s32 v1, v3  }
0x22f: {  	[tilespmem:s19], [sflag:$0x1] =	stream.indirect_vreg.gather [hbm4b:s6+s15], $0x80, v4, vm0, $0xb8;
	[tilespmem:$0x18100] =	vst v63  }
0x230: {  	s20 =	simm.s32 $0x5900  }
0x231: {  	[tilespmem:s20], [sflag:$0x1] =	stream.indirect_vreg.gather [hbm4b:s7+s15], $0x80, v4, vm0, $0xb8;
	[tilespmem:$0x18100] =	vst v63  }
0x232: {  	s21 =	simm.s32 $0x6100  }
0x233: {  	[tilespmem:s21], [sflag:$0x1] =	stream.indirect_vreg.gather [hbm4b:s2+s15], $0x80, v3, vm0, $0xb8;
	[tilespmem:$0x18100] =	vst v63  }
0x234: {  	s22 =	simm.s32 $0x6900  }
0x235: {  	[tilespmem:s22], [sflag:$0x1] =	stream.indirect_vreg.gather [hbm4b:s5+s15], $0x80, v3, vm0, $0xb8;
	[tilespmem:$0x18100] =	vst v63  }
0x236: {  	s23 =	simm.s32 $0x7100  }
0x237: {  	[tilespmem:s23], [sflag:$0x1] =	stream.indirect_vreg.gather [hbm4b:s6+s15], $0x80, v3, vm0, $0xb8;
	[tilespmem:$0x18100] =	vst v63  }
0x238: {  	s24 =	simm.s32 $0x7900  }
0x239: {  	[tilespmem:s24], [sflag:$0x1] =	stream.indirect_vreg.gather [hbm4b:s7+s15], $0x80, v3, vm0, $0xb8;
	[tilespmem:$0x18100] =	vst v63  }
0x23a: {  	s25 =	rddreg [dreg:$0xf]  }
0x23b: {  	[tilespmem:s16], [sflag:$0x3] =	stream.linear.gather [hbm4b:s25+s15], $0x4000, $0x38;
	[tilespmem:$0x18100] =	vst v63  }
0x23c: {  	_ =	swait.ge [sflag:s11], $0x8000  }
0x23d: {  	[sflag:s11] =	ssyncset.done $0x0  }
0x23e: {  	[sflag:s11] =	ssyncadd.s32 $0xFFFF8000  }
0x23f: {  	_ =	swait.ge [sflag:s12], $0x4000  }
0x240: {  	[sflag:s12] =	ssyncset.done $0x0  }
0x241: {  	s17 =	simm.s32 $0x0;
	[sflag:s12] =	ssyncadd.s32 $0xFFFFC000  }
.LBB2_22:
0x242: {  	s18 =	sshll.u32 s17, $0xA;
	s19 =	sshll.u32 s17, $0x8;
	s20 =	sshll.u32 s17, $0xB  }
0x243: {  	s21 =	sshll.u32 s17, $0x7;
	s20 =	sand.u32 $0x6000, s20;
	s19 =	sand.u32 $0x300, s19  }
0x244: {  	s18 =	sand.u32 $0x2000, s18;
	s21 =	sand.u32 $0x380, s21;
	s19 =	sor.u32 s19, s20  }
0x245: {  	s23 =	sand.u32 $0x1C00, s15;
	s22 =	sor.u32 s21, s18;
	s18 =	sadd.s32 $0x8100, s19  }
0x246: {  	s24 =	sand.u32 $0x70, s15;
	s19 =	sadd.s32 $0x14100, s22;
	s22 =	sadd.s32 s23, s18  }
0x247: {  	s21 =	sadd.s32 s23, s19;
	s22 =	sadd.s32 s24, s22  }
0x248: {  	s20 =	sadd.s32 s24, s21;
	v3 =	vld [tilespmem:s22+$0x0]  }
0x249: {  	v4 =	vld [tilespmem:s20+$0x0];
	_ =	sdelay $0x1  }
0x24a: {  	v5 =	vld [tilespmem:s22+$0x80];
	_ =	sdelay $0x2  }
0x24b: {  	v3 =	vadd.f32 v3, v4  }
0x24c: {  	s21 =	simm.s32 $0x80  }
0x24d: {  	s25 =	simm.s32 $0x10;
	s24 =	sand.u32 $0x1C00, s21;
	v3 =	vadd.f32 v5, v3  }
0x24e: {  	s23 =	sand.u32 $0x70, s25;
	s22 =	simm.s32 $0x20;
	s25 =	sadd.s32 s24, s18  }
.LBB2_23:
0x24f: {  	p0 =	sne.s32 s22, $0x3F0;
	s24 =	sadd.s32 s24, s19;
	s25 =	sadd.s32 s23, s25;
	[tilespmem:s20+$0x0] =	vst v3  }
0x250: {  	s20 =	sadd.s32 s23, s24;
	v3 =	vld [tilespmem:s25+$0x0]  }
0x251: {  	v4 =	vld [tilespmem:s20+$0x0];
	_ =	sdelay $0x1  }
0x252: {  	v5 =	vld [tilespmem:s25+$0x80];
	_ =	sdelay $0x1  }
.Ltmp10:
0x253: {  	(pc) =	sbr.rel @p0 .LBB2_23-.Ltmp10, $4  }
0x254: {  	v3 =	vadd.f32 v3, v4  }
0x255: {  	s21 =	sadd.s32 $0x80, s21  }
0x256: {  	s24 =	sand.u32 $0x1C00, s21;
	v3 =	vadd.f32 v5, v3  }
0x257: {  	s23 =	sand.u32 $0x70, s22;
	s22 =	sadd.s32 $0x10, s22;
	s25 =	sadd.s32 s24, s18  }
0x258: {  	s18 =	sadd.s32 s24, s19;
	s25 =	sadd.s32 s23, s25;
	[tilespmem:s20+$0x0] =	vst v3  }
0x259: {  	s18 =	sadd.s32 s23, s18;
	v3 =	vld [tilespmem:s25+$0x0]  }
0x25a: {  	v4 =	vld [tilespmem:s18+$0x0];
	_ =	sdelay $0x1  }
0x25b: {  	v5 =	vld [tilespmem:s25+$0x80]  }
0x25c: {  	s17 =	sadd.s32 $0x1, s17  }
0x25d: {  	p0 =	sne.s32 s17, $0x10  }
.Ltmp11:
0x25e: {  	v3 =	vadd.f32 v3, v4;
	(pc) =	sbr.rel @p0 .LBB2_22-.Ltmp11, $3  }
0x25f: {  	_ = 	snop  }
0x260: {  	v3 =	vadd.f32 v5, v3;
	_ =	sdelay $0x1  }
0x261: {  	[tilespmem:s18+$0x0] =	vst v3  }
0x262: {  	s15 =	simm.s32 $0x0;
	s17 =	rddreg [dreg:$0x10]  }
0x263: {  	[hbm4b:s17+s15] =	stream.linear.scatter [tilespmem:s4], [sflag:$0x6], $0x4000, $0x38;
	[tilespmem:$0x18100] =	vst v63  }
0x264: {  	_ =	swait.ge [sflag:s13], $0x4000  }
0x265: {  	[sflag:s13] =	ssyncset.done $0x0  }
0x266: {  	[sflag:s13] =	ssyncadd.s32 $0xFFFFC000  }
0x267: {  	v3 =	vld [tilespmem:$0xE0];
	_ =	sdelay $0x4  }
0x268: {  	v4 =	vshll.u32 v3, $0x3  }
0x269: {  	v3 =	vand.u32 $0x7, v3;
	v4 =	vand.u32 $0xFFFFFFC0, v4  }
0x26a: {  	v3 =	vor.u32 v3, v4  }
0x26b: {  	v4 =	vperm.xlane v3, v0;
	_ =	sdelay $0x1  }
0x26c: {  	v4 =	vadd.s32 v1, v4;
	_ =	sdelay $0x3  }
0x26d: {  	s24 =	simm.s32 $0x8100  }
0x26e: {  	[tilespmem:s24], [sflag:$0x2] =	stream.indirect_vreg.gather [hbm4b:s2+s15], $0x80, v4, vm0, $0xb8;
	[tilespmem:$0x18100] =	vst v63  }
0x26f: {  	s25 =	simm.s32 $0x8900;
	v3 =	vperm.xlane v3, v2  }
0x270: {  	[tilespmem:s25], [sflag:$0x2] =	stream.indirect_vreg.gather [hbm4b:s5+s15], $0x80, v4, vm0, $0xb8;
	[tilespmem:$0x18100] =	vst v63  }
0x271: {  	s18 =	simm.s32 $0x9100;
	v3 =	vadd.s32 v1, v3  }
0x272: {  	[tilespmem:s18], [sflag:$0x2] =	stream.indirect_vreg.gather [hbm4b:s6+s15], $0x80, v4, vm0, $0xb8;
	[tilespmem:$0x18100] =	vst v63  }
0x273: {  	s19 =	simm.s32 $0x9900  }
0x274: {  	[tilespmem:s19], [sflag:$0x2] =	stream.indirect_vreg.gather [hbm4b:s7+s15], $0x80, v4, vm0, $0xb8;
	[tilespmem:$0x18100] =	vst v63  }
0x275: {  	s20 =	simm.s32 $0xA100  }
0x276: {  	[tilespmem:s20], [sflag:$0x2] =	stream.indirect_vreg.gather [hbm4b:s2+s15], $0x80, v3, vm0, $0xb8;
	[tilespmem:$0x18100] =	vst v63  }
0x277: {  	s21 =	simm.s32 $0xA900  }
0x278: {  	[tilespmem:s21], [sflag:$0x2] =	stream.indirect_vreg.gather [hbm4b:s5+s15], $0x80, v3, vm0, $0xb8;
	[tilespmem:$0x18100] =	vst v63  }
0x279: {  	s22 =	simm.s32 $0xB100  }
0x27a: {  	[tilespmem:s22], [sflag:$0x2] =	stream.indirect_vreg.gather [hbm4b:s6+s15], $0x80, v3, vm0, $0xb8;
	[tilespmem:$0x18100] =	vst v63  }
0x27b: {  	s23 =	simm.s32 $0xB900  }
0x27c: {  	[tilespmem:s23], [sflag:$0x2] =	stream.indirect_vreg.gather [hbm4b:s7+s15], $0x80, v3, vm0, $0xb8;
	[tilespmem:$0x18100] =	vst v63  }
0x27d: {  	v3 =	vld [tilespmem:$0xF0];
	_ =	sdelay $0x4  }
0x27e: {  	v63 =	vshll.u32 v3, $0x3  }
0x27f: {  	v3 =	vand.u32 $0x7, v3;
	v4 =	vand.u32 $0xFFFFFFC0, v63  }
0x280: {  	v3 =	vor.u32 v3, v4  }
0x281: {  	v4 =	vperm.xlane v3, v0;
	_ =	sdelay $0x1  }
0x282: {  	v4 =	vadd.s32 v1, v4;
	_ =	sdelay $0x3  }
0x283: {  	s24 =	simm.s32 $0xC100  }
0x284: {  	[tilespmem:s24], [sflag:$0x2] =	stream.indirect_vreg.gather [hbm4b:s2+s15], $0x80, v4, vm0, $0xb8;
	[tilespmem:$0x18100] =	vst v63  }
0x285: {  	v3 =	vperm.xlane v3, v2  }
0x286: {  	[tilespmem:s26], [sflag:$0x2] =	stream.indirect_vreg.gather [hbm4b:s5+s15], $0x80, v4, vm0, $0xb8;
	[tilespmem:$0x18100] =	vst v63  }
0x287: {  	v3 =	vadd.s32 v1, v3  }
0x288: {  	[tilespmem:s28], [sflag:$0x2] =	stream.indirect_vreg.gather [hbm4b:s6+s15], $0x80, v4, vm0, $0xb8;
	[tilespmem:$0x18100] =	vst v63  }
0x289: {  	_ = 	snop  }
0x28a: {  	[tilespmem:s29], [sflag:$0x2] =	stream.indirect_vreg.gather [hbm4b:s7+s15], $0x80, v4, vm0, $0xb8;
	[tilespmem:$0x18100] =	vst v63  }
0x28b: {  	_ = 	snop  }
0x28c: {  	[tilespmem:s30], [sflag:$0x2] =	stream.indirect_vreg.gather [hbm4b:s2+s15], $0x80, v3, vm0, $0xb8;
	[tilespmem:$0x18100] =	vst v63  }
0x28d: {  	_ = 	snop  }
0x28e: {  	[tilespmem:s31], [sflag:$0x2] =	stream.indirect_vreg.gather [hbm4b:s5+s15], $0x80, v3, vm0, $0xb8;
	[tilespmem:$0x18100] =	vst v63  }
0x28f: {  	_ = 	snop  }
0x290: {  	[tilespmem:s0], [sflag:$0x2] =	stream.indirect_vreg.gather [hbm4b:s6+s15], $0x80, v3, vm0, $0xb8;
	[tilespmem:$0x18100] =	vst v63  }
0x291: {  	_ = 	snop  }
0x292: {  	[tilespmem:s1], [sflag:$0x2] =	stream.indirect_vreg.gather [hbm4b:s7+s15], $0x80, v3, vm0, $0xb8;
	[tilespmem:$0x18100] =	vst v63  }
0x293: {  	s25 =	rddreg [dreg:$0x11]  }
0x294: {  	[tilespmem:s4], [sflag:$0x4] =	stream.linear.gather [hbm4b:s25+s15], $0x4000, $0x38;
	[tilespmem:$0x18100] =	vst v63  }
0x295: {  	_ =	swait.ge [sflag:s8], $0x8000  }
0x296: {  	[sflag:s8] =	ssyncset.done $0x0  }
0x297: {  	[sflag:s8] =	ssyncadd.s32 $0xFFFF8000  }
0x298: {  	_ =	swait.ge [sflag:s9], $0x4000  }
0x299: {  	[sflag:s9] =	ssyncset.done $0x0  }
0x29a: {  	s17 =	simm.s32 $0x0;
	[sflag:s9] =	ssyncadd.s32 $0xFFFFC000  }
.LBB2_26:
0x29b: {  	s18 =	sshll.u32 s17, $0xA;
	s19 =	sshll.u32 s17, $0x8;
	s20 =	sshll.u32 s17, $0xB  }
0x29c: {  	s21 =	sshll.u32 s17, $0x7;
	s20 =	sand.u32 $0x6000, s20;
	s19 =	sand.u32 $0x300, s19  }
0x29d: {  	s18 =	sand.u32 $0x2000, s18;
	s21 =	sand.u32 $0x380, s21;
	s19 =	sor.u32 s19, s20  }
0x29e: {  	s23 =	sand.u32 $0x1C00, s15;
	s22 =	sor.u32 s21, s18;
	s18 =	sadd.s32 $0x100, s19  }
0x29f: {  	s24 =	sand.u32 $0x70, s15;
	s19 =	sadd.s32 $0x10100, s22;
	s22 =	sadd.s32 s23, s18  }
0x2a0: {  	s21 =	sadd.s32 s23, s19;
	s22 =	sadd.s32 s24, s22  }
0x2a1: {  	s20 =	sadd.s32 s24, s21;
	v3 =	vld [tilespmem:s22+$0x0]  }
0x2a2: {  	v4 =	vld [tilespmem:s20+$0x0];
	_ =	sdelay $0x1  }
0x2a3: {  	v5 =	vld [tilespmem:s22+$0x80];
	_ =	sdelay $0x2  }
0x2a4: {  	v3 =	vadd.f32 v3, v4  }
0x2a5: {  	s21 =	simm.s32 $0x80  }
0x2a6: {  	s25 =	simm.s32 $0x10;
	s24 =	sand.u32 $0x1C00, s21;
	v3 =	vadd.f32 v5, v3  }
0x2a7: {  	s23 =	sand.u32 $0x70, s25;
	s22 =	simm.s32 $0x20;
	s25 =	sadd.s32 s24, s18  }
.LBB2_27:
0x2a8: {  	p0 =	sne.s32 s22, $0x3F0;
	s24 =	sadd.s32 s24, s19;
	s25 =	sadd.s32 s23, s25;
	[tilespmem:s20+$0x0] =	vst v3  }
0x2a9: {  	s20 =	sadd.s32 s23, s24;
	v3 =	vld [tilespmem:s25+$0x0]  }
0x2aa: {  	v4 =	vld [tilespmem:s20+$0x0];
	_ =	sdelay $0x1  }
0x2ab: {  	v5 =	vld [tilespmem:s25+$0x80];
	_ =	sdelay $0x1  }
.Ltmp12:
0x2ac: {  	(pc) =	sbr.rel @p0 .LBB2_27-.Ltmp12, $4  }
0x2ad: {  	v3 =	vadd.f32 v3, v4  }
0x2ae: {  	s21 =	sadd.s32 $0x80, s21  }
0x2af: {  	s24 =	sand.u32 $0x1C00, s21;
	v3 =	vadd.f32 v5, v3  }
0x2b0: {  	s23 =	sand.u32 $0x70, s22;
	s22 =	sadd.s32 $0x10, s22;
	s25 =	sadd.s32 s24, s18  }
0x2b1: {  	s18 =	sadd.s32 s24, s19;
	s25 =	sadd.s32 s23, s25;
	[tilespmem:s20+$0x0] =	vst v3  }
0x2b2: {  	s18 =	sadd.s32 s23, s18;
	v3 =	vld [tilespmem:s25+$0x0]  }
0x2b3: {  	v4 =	vld [tilespmem:s18+$0x0];
	_ =	sdelay $0x1  }
0x2b4: {  	v5 =	vld [tilespmem:s25+$0x80]  }
0x2b5: {  	s17 =	sadd.s32 $0x1, s17  }
0x2b6: {  	p0 =	sne.s32 s17, $0x10  }
.Ltmp13:
0x2b7: {  	v3 =	vadd.f32 v3, v4;
	(pc) =	sbr.rel @p0 .LBB2_26-.Ltmp13, $3  }
0x2b8: {  	_ = 	snop  }
0x2b9: {  	v3 =	vadd.f32 v5, v3;
	_ =	sdelay $0x1  }
0x2ba: {  	[tilespmem:s18+$0x0] =	vst v3  }
0x2bb: {  	s15 =	simm.s32 $0x0;
	s17 =	rddreg [dreg:$0x12]  }
0x2bc: {  	[hbm4b:s17+s15] =	stream.linear.scatter [tilespmem:s16], [sflag:$0x5], $0x4000, $0x38;
	[tilespmem:$0x18100] =	vst v63  }
0x2bd: {  	_ =	swait.ge [sflag:s11], $0x8000  }
0x2be: {  	[sflag:s11] =	ssyncset.done $0x0  }
0x2bf: {  	[sflag:s11] =	ssyncadd.s32 $0xFFFF8000  }
0x2c0: {  	_ =	swait.ge [sflag:s12], $0x4000  }
0x2c1: {  	[sflag:s12] =	ssyncset.done $0x0  }
0x2c2: {  	s17 =	simm.s32 $0x0;
	[sflag:s12] =	ssyncadd.s32 $0xFFFFC000  }
.LBB2_30:
0x2c3: {  	s18 =	sshll.u32 s17, $0xA;
	s19 =	sshll.u32 s17, $0x8;
	s20 =	sshll.u32 s17, $0xB  }
0x2c4: {  	s21 =	sshll.u32 s17, $0x7;
	s20 =	sand.u32 $0x6000, s20;
	s19 =	sand.u32 $0x300, s19  }
0x2c5: {  	s18 =	sand.u32 $0x2000, s18;
	s21 =	sand.u32 $0x380, s21;
	s19 =	sor.u32 s19, s20  }
0x2c6: {  	s23 =	sand.u32 $0x1C00, s15;
	s22 =	sor.u32 s21, s18;
	s18 =	sadd.s32 $0x8100, s19  }
0x2c7: {  	s24 =	sand.u32 $0x70, s15;
	s19 =	sadd.s32 $0x14100, s22;
	s22 =	sadd.s32 s23, s18  }
0x2c8: {  	s21 =	sadd.s32 s23, s19;
	s22 =	sadd.s32 s24, s22  }
0x2c9: {  	s20 =	sadd.s32 s24, s21;
	v3 =	vld [tilespmem:s22+$0x0]  }
0x2ca: {  	v4 =	vld [tilespmem:s20+$0x0];
	_ =	sdelay $0x1  }
0x2cb: {  	v5 =	vld [tilespmem:s22+$0x80];
	_ =	sdelay $0x2  }
0x2cc: {  	v3 =	vadd.f32 v3, v4  }
0x2cd: {  	s21 =	simm.s32 $0x80  }
0x2ce: {  	s25 =	simm.s32 $0x10;
	s24 =	sand.u32 $0x1C00, s21;
	v3 =	vadd.f32 v5, v3  }
0x2cf: {  	s23 =	sand.u32 $0x70, s25;
	s22 =	simm.s32 $0x20;
	s25 =	sadd.s32 s24, s18  }
.LBB2_31:
0x2d0: {  	p0 =	sne.s32 s22, $0x3F0;
	s24 =	sadd.s32 s24, s19;
	s25 =	sadd.s32 s23, s25;
	[tilespmem:s20+$0x0] =	vst v3  }
0x2d1: {  	s20 =	sadd.s32 s23, s24;
	v3 =	vld [tilespmem:s25+$0x0]  }
0x2d2: {  	v4 =	vld [tilespmem:s20+$0x0];
	_ =	sdelay $0x1  }
0x2d3: {  	v5 =	vld [tilespmem:s25+$0x80];
	_ =	sdelay $0x1  }
.Ltmp14:
0x2d4: {  	(pc) =	sbr.rel @p0 .LBB2_31-.Ltmp14, $4  }
0x2d5: {  	v3 =	vadd.f32 v3, v4  }
0x2d6: {  	s21 =	sadd.s32 $0x80, s21  }
0x2d7: {  	s24 =	sand.u32 $0x1C00, s21;
	v3 =	vadd.f32 v5, v3  }
0x2d8: {  	s23 =	sand.u32 $0x70, s22;
	s22 =	sadd.s32 $0x10, s22;
	s25 =	sadd.s32 s24, s18  }
0x2d9: {  	s18 =	sadd.s32 s24, s19;
	s25 =	sadd.s32 s23, s25;
	[tilespmem:s20+$0x0] =	vst v3  }
0x2da: {  	s18 =	sadd.s32 s23, s18;
	v3 =	vld [tilespmem:s25+$0x0]  }
0x2db: {  	v4 =	vld [tilespmem:s18+$0x0];
	_ =	sdelay $0x1  }
0x2dc: {  	v5 =	vld [tilespmem:s25+$0x80]  }
0x2dd: {  	s17 =	sadd.s32 $0x1, s17  }
0x2de: {  	p0 =	sne.s32 s17, $0x10  }
.Ltmp15:
0x2df: {  	v3 =	vadd.f32 v3, v4;
	(pc) =	sbr.rel @p0 .LBB2_30-.Ltmp15, $3  }
0x2e0: {  	_ = 	snop  }
0x2e1: {  	v3 =	vadd.f32 v5, v3;
	_ =	sdelay $0x1  }
0x2e2: {  	[tilespmem:s18+$0x0] =	vst v3  }
0x2e3: {  	s15 =	rddreg [dreg:$0x13]  }
0x2e4: {  	[hbm4b:s15+s3] =	stream.linear.scatter [tilespmem:s4], [sflag:$0x6], $0x4000, $0x38;
	[tilespmem:$0x18100] =	vst v63  }
0x2e5: {  	_ =	swait.ge [sflag:s10], $0x4000  }
0x2e6: {  	[sflag:s10] =	ssyncset.done $0x0  }
0x2e7: {  	[sflag:s10] =	ssyncadd.s32 $0xFFFFC000  }
0x2e8: {  	_ =	swait.ge [sflag:s13], $0x4000  }
0x2e9: {  	s14 =	sadd.s32 $0x1, s14;
	s25 =	rddreg [dreg:$0x14]  }
0x2ea: {  	p0 =	sne.s32 s14, s25  }
.Ltmp16:
0x2eb: {  	_ = 	snop;
	(pc) =	sbr.rel @p0 .LBB2_1-.Ltmp16, $3  }
0x2ec: {  	_ =	sdelay $0x1  }
0x2ed: {  	[sflag:s13] =	ssyncset.done $0x0  }
0x2ee: {  	[sflag:s13] =	ssyncadd.s32 $0xFFFFC000  }
0x2ef: {  	_ =	sfence.sel $0x180000  }
0x2f0: {  	[bflag:$0x0] =	sbarrier.arrive $0xFFFF  }
0x2f1: {  	_ =	strace $0x9000004A  }
0x2f2: {  	s0 =	stileid.u32;
	[bflag:$0x2] =	sbarrier.arrive $0xFFFF  }
0x2f3: {  	p0 =	sne.s32 s0, $0x0;
	s0 =	rddreg [dreg:$0x2]  }
0x2f4: {  	s0 =	sadd.s32 @!p0 $0x100000, s0  }
0x2f5: {  	[sflag:s0] =	ssyncadd.tile.s32 @!p0 $0x1;
	_ =	shalt  }
.Lfunc_end2:
_tile_overlayer_lowered:
.L_overlay_start_2:
0x2f6: {  	(tag) =	ssettag $0x2  }
0x2f7: {  	s0 =	rddreg [dreg:$0x0];
	s2 =	stileid.u32  }
0x2f8: {  	s1 =	rddreg [dreg:$0x1];
	p0 =	sne.s32 s2, $0x0  }
0x2f9: {  	s3 =	rddreg [dreg:$0x2];
	[bflag:$0x3] =	sbarrier.arrive $0xFFFF;
	s2 =	simm.s32 @!p0 $0x1C07  }
0x2fa: {  	[timem:s3], [sflag:s2] =	dma.local @!p0 [hbm:s0], s1  }
0x2fb: {  	s0 =	simm.s32 @!p0 $0x7  }
0x2fc: {  	_ =	swait.ge @!p0 [sflag:s0], s1  }
0x2fd: {  	s1 =	ssub.s32 @!p0 $0x0, s1;
	[sflag:s0] =	ssyncset.done @!p0 $0x0  }
0x2fe: {  	[sflag:s0] =	ssyncadd.s32 @!p0 s1  }
0x2ff: {  	[bflag:$0x3] =	sbarrier.arrive $0xFFFF  }
0x300: {  	_ =	shalt  }

// kernel: kernel.8.cloned.1.call-start
scs
__scs_entry_jumppad:
0x0: {  	(pc) =	sbr.rel $0x88, $3  }
0x1: {  	(tag) =	ssettag $0x0;
	lr =	simm.s32 $0x1  }
0x2: {  	[smem:$0x3F98] =	sst lr;
	_ =	strace $0xD0000000  }
0x3: {  	_ = 	snop  }
0x4: {  	_ = 	snop  }
0x5: {  	_ = 	snop  }
0x6: {  	_ = 	snop  }
0x7: {  	_ = 	snop  }
__scs_overlays_trampoline_lowered:
0x8: {  	[smem:$0x3FA7] =	sst s0  }
0x9: {  	[smem:$0x3FA8] =	sst s1  }
0xa: {  	[smem:$0x3FA9] =	sst s2  }
0xb: {  	[smem:$0x3FAA] =	sst s3  }
0xc: {  	[smem:$0x3FAB] =	sst s4  }
0xd: {  	[smem:$0x3FAC] =	sst s5  }
0xe: {  	[smem:$0x3FAD] =	sst s6  }
0xf: {  	[smem:$0x3FAE] =	sst s7  }
0x10: {  	[smem:$0x3FAF] =	sst s8  }
0x11: {  	[smem:$0x3FB0] =	sst s9;
	s0 =	simm.s32 @!p0 $0x0  }
0x12: {  	s1 =	sld [smem:$0x3F96];
	s0 =	simm.s32 @p0 $0x1  }
0x13: {  	[smem:$0x3FB1] =	sst s0;
	s0 =	simm.s32 @!p1 $0x0  }
0x14: {  	s2 =	sld [smem:$0x3F95];
	s0 =	simm.s32 @p1 $0x1  }
0x15: {  	[smem:$0x3FB2] =	sst s0;
	s0 =	simm.s32 @!p2 $0x0  }
0x16: {  	s3 =	sld [smem:$0x3FDB];
	s0 =	simm.s32 @p2 $0x1  }
0x17: {  	s4 =	simm.s32 $0x1BF5;
	[smem:$0x3FB4] =	sst s0  }
0x18: {  	s0 =	sld [smem:$0x3F97];
	_ =	swait.ge [sflag:s4], $0x0  }
0x19: {  	s7 =	sld [smem:$0x3F98]  }
0x1a: {  	s8 =	sadd.s32 $0xFFFFE003, lr  }
0x1b: {  	s9 =	sadd.s32 $0xFFFFFEF7, lr;
	s5 =	simm.s32 $0xFFFFFFFF;
	p2 =	slt.u32 s8, $0xFFFFF086  }
0x1c: {  	p1 =	slt.u32 s9, $0xF7A;
	s5 =	simm.s32 @!p2 $0x0  }
0x1d: {  	s5 =	simm.s32 @p1 $0x1;
	p0 =	seq.s32 s7, s2  }
0x1e: {  	s7 =	smul.u32 @!p0 $0xF7A, s2;
	p2 =	seq.s32 @!p0 s5, $0x0  }
0x1f: {  	s9 =	smul.u32 $0xF7A, s1;
	s8 =	simm.s32 @!p0 $0x1BF5;
	p2 =	por !p2, p0  }
0x20: {  	[sflag:s8] =	ssyncset.s32 @!p0 $0xFFFFF086;
	s6 =	sadd.s32 @!p0 s3, s7;
	s7 =	simm.s32 @!p0 $0x108  }
0x21: {  	s3 =	sadd.s32 s3, s9;
	s6 =	sadd.s32 @!p0 $0x88, s6;
	s7 =	simm.s32 @p2 $0x1082  }
0x22: {  	[simem:s7], [sflag:s8] =	dma.local @!p0 [hbm:s6], $0xF7A  }
0x23: {  	s9 =	sor.u32 $0xD0000000, s2;
	s6 =	simm.s32 $0x108;
	_ =	swait.ge @!p0 [sflag:s8], $0x0  }
0x24: {  	s3 =	sadd.s32 $0x88, s3;
	s6 =	simm.s32 @!p1 $0x1082;
	[sflag:s4] =	ssyncset.s32 $0xFFFFF086  }
0x25: {  	[simem:s6], [sflag:s4] =	dma.local [hbm:s3], $0xF7A  }
0x26: {  	[smem:$0x3F98] =	sst s1;
	(tag) =	ssettag s2;
	_ =	strace s9  }
0x27: {  	s1 =	sld [smem:$0x3FA8]  }
0x28: {  	s2 =	sld [smem:$0x3FA9]  }
0x29: {  	s4 =	sld [smem:$0x3FAB]  }
0x2a: {  	p0 =	seq.s32 s5, $0x0;
	s5 =	sld [smem:$0x3FAC]  }
0x2b: {  	s6 =	sld [smem:$0x3FAD]  }
0x2c: {  	s7 =	sld [smem:$0x3FAE]  }
0x2d: {  	s3 =	simm.s32 $0x108;
	s8 =	sld [smem:$0x3FAF]  }
0x2e: {  	s3 =	simm.s32 @!p0 $0x1082;
	s9 =	sld [smem:$0x3FB0]  }
0x2f: {  	lr =	sadd.s32 s0, s3;
	s0 =	sld [smem:$0x3FA7]  }
0x30: {  	s3 =	sld [smem:$0x3FAA]  }
0x31: {  	[smem:$0x3FB3] =	sst s10  }
0x32: {  	s10 =	sld [smem:$0x3FB1];
	_ =	sdelay $0x3  }
0x33: {  	p0 =	seq.s32 s10, $0x1;
	s10 =	sld [smem:$0x3FB3];
	_ =	sdelay $0x3  }
0x34: {  	[smem:$0x3FB3] =	sst s10  }
0x35: {  	s10 =	sld [smem:$0x3FB2];
	_ =	sdelay $0x3  }
0x36: {  	p1 =	seq.s32 s10, $0x1;
	s10 =	sld [smem:$0x3FB3];
	_ =	sdelay $0x3  }
0x37: {  	[smem:$0x3FB3] =	sst s10  }
0x38: {  	s10 =	sld [smem:$0x3FB4]  }
0x39: {  	_ = 	snop;
	(pc) =	sbr.ind lr, $3  }
0x3a: {  	_ = 	snop  }
0x3b: {  	_ = 	snop  }
0x3c: {  	p2 =	seq.s32 s10, $0x1;
	s10 =	sld [smem:$0x3FB3]  }
0x3d: {  	_ =	shalt  }
0x3e: {  	_ =	shalt  }
0x3f: {  	_ =	shalt  }
0x40: {  	_ =	shalt  }
0x41: {  	_ =	shalt  }
0x42: {  	_ =	shalt  }
0x43: {  	_ =	shalt  }
0x44: {  	_ =	shalt  }
0x45: {  	_ =	shalt  }
0x46: {  	_ =	shalt  }
0x47: {  	_ =	shalt  }
0x48: {  	_ =	shalt  }
0x49: {  	_ =	shalt  }
0x4a: {  	_ =	shalt  }
0x4b: {  	_ =	shalt  }
0x4c: {  	_ =	shalt  }
0x4d: {  	_ =	shalt  }
0x4e: {  	_ =	shalt  }
0x4f: {  	_ =	shalt  }
0x50: {  	_ =	shalt  }
0x51: {  	_ =	shalt  }
0x52: {  	_ =	shalt  }
0x53: {  	_ =	shalt  }
0x54: {  	_ =	shalt  }
0x55: {  	_ =	shalt  }
0x56: {  	_ =	shalt  }
0x57: {  	_ =	shalt  }
0x58: {  	_ =	shalt  }
0x59: {  	_ =	shalt  }
0x5a: {  	_ =	shalt  }
0x5b: {  	_ =	shalt  }
0x5c: {  	_ =	shalt  }
0x5d: {  	_ =	shalt  }
0x5e: {  	_ =	shalt  }
0x5f: {  	_ =	shalt  }
0x60: {  	_ =	shalt  }
0x61: {  	_ =	shalt  }
0x62: {  	_ =	shalt  }
0x63: {  	_ =	shalt  }
0x64: {  	_ =	shalt  }
0x65: {  	_ =	shalt  }
0x66: {  	_ =	shalt  }
0x67: {  	_ =	shalt  }
0x68: {  	_ =	shalt  }
0x69: {  	_ =	shalt  }
0x6a: {  	_ =	shalt  }
0x6b: {  	_ =	shalt  }
0x6c: {  	_ =	shalt  }
0x6d: {  	_ =	shalt  }
0x6e: {  	_ =	shalt  }
0x6f: {  	_ =	shalt  }
0x70: {  	_ =	shalt  }
0x71: {  	_ =	shalt  }
0x72: {  	_ =	shalt  }
0x73: {  	_ =	shalt  }
0x74: {  	_ =	shalt  }
0x75: {  	_ =	shalt  }
0x76: {  	_ =	shalt  }
0x77: {  	_ =	shalt  }
0x78: {  	_ =	shalt  }
0x79: {  	_ =	shalt  }
0x7a: {  	_ =	shalt  }
0x7b: {  	_ =	shalt  }
0x7c: {  	_ =	shalt  }
0x7d: {  	_ =	shalt  }
0x7e: {  	_ =	shalt  }
0x7f: {  	_ =	shalt  }
0x80: {  	_ =	shalt  }
0x81: {  	_ =	shalt  }
0x82: {  	_ =	shalt  }
0x83: {  	_ =	shalt  }
0x84: {  	_ =	shalt  }
0x85: {  	_ =	shalt  }
0x86: {  	_ =	shalt  }
0x87: {  	_ =	shalt  }
.Lfunc_end0:
.L_simem_size_0:
called_computation_lowered:
.L_overlay_start_0:
0x88: {  	s2 =	sld [smem:$0x3FD9]  }
0x89: {  	s3 =	sld [smem:$0x3FFE];
	_ =	sdelay $0x1  }
0x8a: {  	s1 =	srdreg.scid  }
0x8b: {  	s0 =	sand.u32 $0x1, s1  }
0x8c: {  	s17 =	sshll.u32 s0, $0xA;
	s2 =	sadd.s32 s3, s2  }
0x8d: {  	s2 =	sadd.s32 s2, s17  }
0x8e: {  	[smem:$0x3FBF] =	sst s2  }
0x8f: {  	_ = 	snop  }
0x90: {  	s2 =	sld [smem:$0x3FC9]  }
0x91: {  	s18 =	sld [smem:$0x3FD0];
	(tm) =	ssettm $0x1  }
0x92: {  	s4 =	sld [smem:$0x3FFB];
	_ =	sdelay $0x3  }
0x93: {  	_ =	strace s4  }
0x94: {  	s4 =	sld [smem:$0x3FFC];
	_ =	sdelay $0x3  }
0x95: {  	_ =	strace s4  }
0x96: {  	s4 =	sld [smem:$0x3FFD];
	_ =	sdelay $0x3  }
0x97: {  	_ =	strace s4  }
0x98: {  	_ =	strace $0x8FFFFFFF  }
0x99: {  	s19 =	sld [smem:$0x3FDB];
	_ =	sdelay $0x1  }
0x9a: {  	s5 =	simm.s32 $_scs_section_size  }
0x9b: {  	s6 =	simm.s32 $_size__tile_overlayer_lowered;
	s7 =	simm.s32 $_tile_overlayer_lowered  }
0x9c: {  	s22 =	simm.s32 $0x1BFF;
	s21 =	sshll.u32 s7, $0x1;
	s4 =	sadd.s32 s5, s19  }
0x9d: {  	s8 =	simm.s32 $0x0;
	s20 =	sshll.u32 s6, $0x1;
	s6 =	sadd.s32 s21, s4  }
0x9e: {  	[timem:s8], [sflag:s22] =	dma.local [hbm:s6], s20  }
0x9f: {  	_ =	swait.ge [sflag:s22], s20  }
0xa0: {  	s5 =	ssub.s32 $0x0, s20;
	[sflag:s22] =	ssyncset.done $0x0  }
0xa1: {  	[sflag:s22] =	ssyncadd.s32 s5;
	_ =	sdelay $0x1  }
0xa2: {  	s23 =	simm.s32 $0x1B8B  }
0xa3: {  	_ =	swait.ge [sflag:s23], $0x1  }
0xa4: {  	[sflag:s23] =	ssyncset.done $0x0  }
0xa5: {  	s25 =	simm.s32 $0x1B8E;
	s24 =	sld [smem:$0x3FFE];
	[sflag:s23] =	ssyncadd.s32 $0xFFFFFFFF  }
0xa6: {  	s26 =	simm.s32 $execute0_lowered;
	[smem:$0x3FD2] =	sst s25  }
0xa7: {  	s6 =	sshll.u32 s26, $0x1;
	_ =	strace $0x80000046;
	[dreg:$0x1] =	wrdreg $0xFFFFFFFF  }
0xa8: {  	s28 =	simm.s32 $_size_execute0_lowered;
	s4 =	sadd.s32 s4, s6;
	[dreg:$0x0] =	wrdreg $0x0  }
0xa9: {  	s6 =	sshll.u32 s28, $0x1;
	[dreg:$0x2] =	wrdreg s4  }
0xaa: {  	[dreg:$0x3] =	wrdreg s6  }
0xab: {  	[dreg:$0x4] =	wrdreg $0xC0  }
0xac: {  	_ =	task [dreg:s8], $0x5FFFF  }
0xad: {  	[dreg:$0x1] =	wrdreg $0xFFFFFFFF  }
0xae: {  	[dreg:$0x0] =	wrdreg $0x60  }
0xaf: {  	[dreg:$0x2] =	wrdreg s2  }
0xb0: {  	[dreg:$0x3] =	wrdreg s18  }
0xb1: {  	[dreg:$0x4] =	wrdreg s24  }
0xb2: {  	[dreg:$0x5] =	wrdreg $0x9  }
0xb3: {  	_ =	task.clear_ibuf [dreg:s8], $0x6FFFF;
	_ =	strace $0x90000046  }
0xb4: {  	s29 =	simm.s32 $0x9;
	_ =	strace $0x80000048  }
0xb5: {  	_ =	swait.ge [sflag:s29], $0x1  }
0xb6: {  	[sflag:s29] =	ssyncadd.s32 $0xFFFFFFFF  }
0xb7: {  	_ =	strace $0x90000048  }
0xb8: {  	_ =	sfence  }
0xb9: {  	s30 =	sld [smem:$0x0];
	_ =	sdelay $0x2  }
0xba: {  	s31 =	sshll.u32 s1, $0xD;
	s1 =	sshrl.u32 s1, $0x2  }
0xbb: {  	s3 =	sand.u32 $0x4000, s31;
	s1 =	sadd.s32 s1, s30  }
0xbc: {  	s0 =	sor.u32 s3, s0;
	s1 =	sshll.u32 s1, $0x11  }
0xbd: {  	s0 =	sor.u32 s1, s0  }
0xbe: {  	s0 =	sadd.s32 $0x8F2B, s0  }
0xbf: {  	[sflag:s0] =	ssyncadd.remote.s32 $0x1  }
0xc0: {  	_ =	sfence.sel $0xFFFF  }
0xc1: {  	[dreg:$0x0] =	wrdreg $0xFFFFFFFF;
	(pc) =	sbr.abs _section_cstart, $3  }
0xc2: {  	[dreg:$0x1] =	wrdreg $0xFFFFFFFF  }
0xc3: {  	_ =	task.clear_ibuf [dreg:s8], $0x2FFFF;
	_ =	strace $0x9FFFFFFF  }
0xc4: {  	(tm) =	ssettm $0x7FFFFFFF  }
0xc5: {  	_ =	shalt  }
tec
execute0_lowered:
.L_overlay_start_1:
0x0: {  	(tag) =	ssettag $0x1  }
0x1: {  	s0 =	srdreg.scid;
	s2 =	stileid.u32  }
0x2: {  	s0 =	sand.u32 $0x1, s0;
	s2 =	sshll.u32 s2, $0x1  }
0x3: {  	s1 =	rddreg [dreg:$0x0];
	s2 =	sor.u32 s0, s2  }
0x4: {  	s4 =	rddreg [dreg:$0x1];
	s6 =	smul.u32 $0x27, s2  }
0x5: {  	s5 =	rddreg [dreg:$0x2];
	s3 =	simm.s32 $0x0;
	s7 =	smul.u32 $0x4E000, s2  }
0x6: {  	[smem:$0x7FF] =	sst s3;
	s2 =	smul.u32 $0x9C00, s2  }
0x7: {  	_ =	strace $0x80000047;
	s4 =	sadd.s32 s4, s6;
	s16 =	sshrl.u32 s7, $0x3  }
0x8: {  	s2 =	sadd.s32 s5, s2;
	[dreg:$0x4] =	wrdreg s4;
	s5 =	sadd.s32 s5, s16  }
0x9: {  	[dreg:$0x5] =	wrdreg s2;
	s17 =	sadd.s32 $0xC00, s5  }
0xa: {  	s18 =	sadd.s32 $0x1800, s5;
	[dreg:$0x6] =	wrdreg s17  }
0xb: {  	s19 =	sadd.s32 $0x2400, s5;
	[dreg:$0x7] =	wrdreg s18  }
0xc: {  	s20 =	sadd.s32 $0x3000, s5;
	[dreg:$0x8] =	wrdreg s19  }
0xd: {  	s9 =	simm.s32 $0x180;
	s21 =	sadd.s32 $0x3C00, s5;
	[dreg:$0x9] =	wrdreg s20  }
0xe: {  	s28 =	simm.s32 $0x6180;
	s22 =	sadd.s32 $0x4800, s5;
	[dreg:$0xa] =	wrdreg s21  }
0xf: {  	s8 =	simm.s32 $0x1;
	s23 =	sadd.s32 $0x5400, s5;
	[dreg:$0xb] =	wrdreg s22  }
0x10: {  	s0 =	ssub.s32 $0x2, s0;
	s24 =	sadd.s32 $0x6000, s5;
	[dreg:$0xc] =	wrdreg s23  }
0x11: {  	s26 =	sshrl.u32 s0, $0x1;
	s25 =	sadd.s32 $0x6C00, s5;
	[dreg:$0xd] =	wrdreg s24  }
0x12: {  	s0 =	ssub.s32 s0, s26;
	s29 =	sadd.s32 $0x7800, s5;
	[dreg:$0xe] =	wrdreg s25  }
0x13: {  	s6 =	sadd.s32 $0x300, s1;
	s30 =	sadd.s32 $0x8400, s5;
	[dreg:$0xf] =	wrdreg s29  }
0x14: {  	v2 =	vlaneseq.u32;
	s7 =	smax.u32 s0, $0x1;
	s31 =	sadd.s32 $0x9000, s5;
	[dreg:$0x10] =	wrdreg s30  }
0x15: {  	vm0 =	vmmov $0xffff;
	v1 =	vshrl.u32 v2, $0x3;
	s4 =	sadd.s32 $0x100, s1;
	s5 =	sadd.s32 $0x200, s1;
	[dreg:$0x11] =	wrdreg s31  }
0x16: {  	v0 =	vand.u32 $0x7, v2;
	v2 =	vor.u32 $0x8, v2;
	v1 =	vmul.u32 $0x8, v1;
	s22 =	simm.s32 $0x3;
	s23 =	simm.s32 $0x2;
	s24 =	simm.s32 $0x4  }
.LBB2_1:
0x17: {  	s25 =	rddreg [dreg:$0x4];
	s19 =	simm.s32 $0x5  }
0x18: {  	[tilespmem:s3], [sflag:$0x5] =	stream.linear.gather [hbm4b:s25+s3], $0x138, $0x38;
	[tilespmem:$0xC180] =	vst v63  }
0x19: {  	_ =	swait.ge [sflag:s19], $0x138  }
0x1a: {  	[sflag:s19] =	ssyncset.done $0x0  }
0x1b: {  	[sflag:s19] =	ssyncadd.s32 $0xFFFFFEC8  }
0x1c: {  	v3 =	vld [tilespmem:$0x0];
	_ =	sdelay $0x4  }
0x1d: {  	v4 =	vshll.u32 v3, $0x3  }
0x1e: {  	v3 =	vand.u32 $0x7, v3;
	v4 =	vand.u32 $0xFFFFFFC0, v4  }
0x1f: {  	v3 =	vor.u32 v3, v4  }
0x20: {  	v4 =	vperm.xlane v3, v0;
	_ =	sdelay $0x1  }
0x21: {  	v4 =	vadd.s32 v1, v4;
	_ =	sdelay $0x4  }
0x22: {  	[tilespmem:s9], [sflag:$0x1] =	stream.indirect_vreg.gather [hbm4b:s1+s3], $0x80, v4, vm0, $0xb8;
	[tilespmem:$0xC180] =	vst v63  }
0x23: {  	s0 =	simm.s32 $0x980;
	v3 =	vperm.xlane v3, v2  }
0x24: {  	[tilespmem:s0], [sflag:$0x1] =	stream.indirect_vreg.gather [hbm4b:s4+s3], $0x80, v4, vm0, $0xb8;
	[tilespmem:$0xC180] =	vst v63  }
0x25: {  	s20 =	simm.s32 $0x1180;
	v3 =	vadd.s32 v1, v3  }
0x26: {  	[tilespmem:s20], [sflag:$0x1] =	stream.indirect_vreg.gather [hbm4b:s5+s3], $0x80, v4, vm0, $0xb8;
	[tilespmem:$0xC180] =	vst v63  }
0x27: {  	s21 =	simm.s32 $0x1980  }
0x28: {  	[tilespmem:s21], [sflag:$0x1] =	stream.indirect_vreg.gather [hbm4b:s6+s3], $0x80, v4, vm0, $0xb8;
	[tilespmem:$0xC180] =	vst v63  }
0x29: {  	s25 =	simm.s32 $0x2180  }
0x2a: {  	[tilespmem:s25], [sflag:$0x1] =	stream.indirect_vreg.gather [hbm4b:s1+s3], $0x80, v3, vm0, $0xb8;
	[tilespmem:$0xC180] =	vst v63  }
0x2b: {  	s26 =	simm.s32 $0x2980  }
0x2c: {  	[tilespmem:s26], [sflag:$0x1] =	stream.indirect_vreg.gather [hbm4b:s4+s3], $0x80, v3, vm0, $0xb8;
	[tilespmem:$0xC180] =	vst v63  }
0x2d: {  	s29 =	simm.s32 $0x3180  }
0x2e: {  	[tilespmem:s29], [sflag:$0x1] =	stream.indirect_vreg.gather [hbm4b:s5+s3], $0x80, v3, vm0, $0xb8;
	[tilespmem:$0xC180] =	vst v63  }
0x2f: {  	s30 =	simm.s32 $0x3980  }
0x30: {  	[tilespmem:s30], [sflag:$0x1] =	stream.indirect_vreg.gather [hbm4b:s6+s3], $0x80, v3, vm0, $0xb8;
	[tilespmem:$0xC180] =	vst v63  }
0x31: {  	v3 =	vld.msk [tilespmem:$0x10], $0xff;
	_ =	sdelay $0x4  }
0x32: {  	v39 =	vshll.u32 v3, $0x3  }
0x33: {  	v3 =	vand.u32 $0x7, v3;
	v4 =	vand.u32 $0xFFFFFFC0, v39  }
0x34: {  	v3 =	vor.u32 v3, v4  }
0x35: {  	v3 =	vperm.xlane v3, v0;
	_ =	sdelay $0x1  }
0x36: {  	v3 =	vadd.s32 v1, v3;
	_ =	sdelay $0x3  }
0x37: {  	s31 =	simm.s32 $0x4180  }
0x38: {  	[tilespmem:s31], [sflag:$0x1] =	stream.indirect_vreg.gather [hbm4b:s1+s3], $0x80, v3, vm0, $0xb8;
	[tilespmem:$0xC180] =	vst v63  }
0x39: {  	s2 =	simm.s32 $0x4980  }
0x3a: {  	[tilespmem:s2], [sflag:$0x1] =	stream.indirect_vreg.gather [hbm4b:s4+s3], $0x80, v3, vm0, $0xb8;
	[tilespmem:$0xC180] =	vst v63  }
0x3b: {  	s10 =	simm.s32 $0x5180  }
0x3c: {  	[tilespmem:s10], [sflag:$0x1] =	stream.indirect_vreg.gather [hbm4b:s5+s3], $0x80, v3, vm0, $0xb8;
	[tilespmem:$0xC180] =	vst v63  }
0x3d: {  	s17 =	simm.s32 $0x5980  }
0x3e: {  	[tilespmem:s17], [sflag:$0x1] =	stream.indirect_vreg.gather [hbm4b:s6+s3], $0x80, v3, vm0, $0xb8;
	[tilespmem:$0xC180] =	vst v63  }
0x3f: {  	v3 =	vld [tilespmem:$0x18];
	_ =	sdelay $0x4  }
0x40: {  	v40 =	vshll.u32 v3, $0x3  }
0x41: {  	v3 =	vand.u32 $0x7, v3;
	v4 =	vand.u32 $0xFFFFFFC0, v40  }
0x42: {  	v3 =	vor.u32 v3, v4  }
0x43: {  	v4 =	vperm.xlane v3, v0;
	_ =	sdelay $0x1  }
0x44: {  	v4 =	vadd.s32 v1, v4;
	_ =	sdelay $0x4  }
0x45: {  	[tilespmem:s28], [sflag:$0x2] =	stream.indirect_vreg.gather [hbm4b:s1+s3], $0x80, v4, vm0, $0xb8;
	[tilespmem:$0xC180] =	vst v63  }
0x46: {  	s18 =	simm.s32 $0x6980;
	v3 =	vperm.xlane v3, v2  }
0x47: {  	[tilespmem:s18], [sflag:$0x2] =	stream.indirect_vreg.gather [hbm4b:s4+s3], $0x80, v4, vm0, $0xb8;
	[tilespmem:$0xC180] =	vst v63  }
0x48: {  	s19 =	simm.s32 $0x7180;
	v3 =	vadd.s32 v1, v3  }
0x49: {  	[tilespmem:s19], [sflag:$0x2] =	stream.indirect_vreg.gather [hbm4b:s5+s3], $0x80, v4, vm0, $0xb8;
	[tilespmem:$0xC180] =	vst v63  }
0x4a: {  	s21 =	simm.s32 $0x7980  }
0x4b: {  	[tilespmem:s21], [sflag:$0x2] =	stream.indirect_vreg.gather [hbm4b:s6+s3], $0x80, v4, vm0, $0xb8;
	[tilespmem:$0xC180] =	vst v63  }
0x4c: {  	s25 =	simm.s32 $0x8180  }
0x4d: {  	[tilespmem:s25], [sflag:$0x2] =	stream.indirect_vreg.gather [hbm4b:s1+s3], $0x80, v3, vm0, $0xb8;
	[tilespmem:$0xC180] =	vst v63  }
0x4e: {  	s26 =	simm.s32 $0x8980  }
0x4f: {  	[tilespmem:s26], [sflag:$0x2] =	stream.indirect_vreg.gather [hbm4b:s4+s3], $0x80, v3, vm0, $0xb8;
	[tilespmem:$0xC180] =	vst v63  }
0x50: {  	s29 =	simm.s32 $0x9180  }
0x51: {  	[tilespmem:s29], [sflag:$0x2] =	stream.indirect_vreg.gather [hbm4b:s5+s3], $0x80, v3, vm0, $0xb8;
	[tilespmem:$0xC180] =	vst v63  }
0x52: {  	s30 =	simm.s32 $0x9980  }
0x53: {  	[tilespmem:s30], [sflag:$0x2] =	stream.indirect_vreg.gather [hbm4b:s6+s3], $0x80, v3, vm0, $0xb8;
	[tilespmem:$0xC180] =	vst v63  }
0x54: {  	v3 =	vld.msk [tilespmem:$0x28], $0xff;
	_ =	sdelay $0x4  }
0x55: {  	v41 =	vshll.u32 v3, $0x3  }
0x56: {  	v3 =	vand.u32 $0x7, v3;
	v4 =	vand.u32 $0xFFFFFFC0, v41  }
0x57: {  	v3 =	vor.u32 v3, v4  }
0x58: {  	v3 =	vperm.xlane v3, v0;
	_ =	sdelay $0x1  }
0x59: {  	v3 =	vadd.s32 v1, v3;
	_ =	sdelay $0x3  }
0x5a: {  	s31 =	simm.s32 $0xA180  }
0x5b: {  	[tilespmem:s31], [sflag:$0x2] =	stream.indirect_vreg.gather [hbm4b:s1+s3], $0x80, v3, vm0, $0xb8;
	[tilespmem:$0xC180] =	vst v63  }
0x5c: {  	s2 =	simm.s32 $0xA980  }
0x5d: {  	[tilespmem:s2], [sflag:$0x2] =	stream.indirect_vreg.gather [hbm4b:s4+s3], $0x80, v3, vm0, $0xb8;
	[tilespmem:$0xC180] =	vst v63  }
0x5e: {  	s17 =	simm.s32 $0xB180  }
0x5f: {  	[tilespmem:s17], [sflag:$0x2] =	stream.indirect_vreg.gather [hbm4b:s5+s3], $0x80, v3, vm0, $0xb8;
	[tilespmem:$0xC180] =	vst v63  }
0x60: {  	s18 =	simm.s32 $0xB980  }
0x61: {  	[tilespmem:s18], [sflag:$0x2] =	stream.indirect_vreg.gather [hbm4b:s6+s3], $0x80, v3, vm0, $0xb8;
	[tilespmem:$0xC180] =	vst v63  }
0x62: {  	_ =	swait.ge [sflag:s8], $0x6000  }
0x63: {  	[sflag:s8] =	ssyncset.done $0x0  }
0x64: {  	s19 =	rddreg [dreg:$0x5];
	[sflag:s8] =	ssyncadd.s32 $0xFFFFA000  }
0x65: {  	[hbm4b:s19+s3] =	stream.linear.scatter [tilespmem:s9], [sflag:$0x3], $0x6000, $0x38;
	[tilespmem:$0xC180] =	vst v63  }
0x66: {  	_ =	swait.ge [sflag:s22], $0x6000  }
0x67: {  	[sflag:s22] =	ssyncset.done $0x0  }
0x68: {  	[sflag:s22] =	ssyncadd.s32 $0xFFFFA000  }
0x69: {  	v3 =	vld [tilespmem:$0x30];
	_ =	sdelay $0x4  }
0x6a: {  	v42 =	vshll.u32 v3, $0x3  }
0x6b: {  	v3 =	vand.u32 $0x7, v3;
	v4 =	vand.u32 $0xFFFFFFC0, v42  }
0x6c: {  	v3 =	vor.u32 v3, v4  }
0x6d: {  	v4 =	vperm.xlane v3, v0;
	_ =	sdelay $0x1  }
0x6e: {  	v4 =	vadd.s32 v1, v4;
	_ =	sdelay $0x4  }
0x6f: {  	[tilespmem:s9], [sflag:$0x1] =	stream.indirect_vreg.gather [hbm4b:s1+s3], $0x80, v4, vm0, $0xb8;
	[tilespmem:$0xC180] =	vst v63  }
0x70: {  	s2 =	simm.s32 $0x980;
	v3 =	vperm.xlane v3, v2  }
0x71: {  	[tilespmem:s2], [sflag:$0x1] =	stream.indirect_vreg.gather [hbm4b:s4+s3], $0x80, v4, vm0, $0xb8;
	[tilespmem:$0xC180] =	vst v63  }
0x72: {  	s0 =	simm.s32 $0x1180;
	v3 =	vadd.s32 v1, v3  }
0x73: {  	[tilespmem:s0], [sflag:$0x1] =	stream.indirect_vreg.gather [hbm4b:s5+s3], $0x80, v4, vm0, $0xb8;
	[tilespmem:$0xC180] =	vst v63  }
0x74: {  	s15 =	simm.s32 $0x1980  }
0x75: {  	[tilespmem:s15], [sflag:$0x1] =	stream.indirect_vreg.gather [hbm4b:s6+s3], $0x80, v4, vm0, $0xb8;
	[tilespmem:$0xC180] =	vst v63  }
0x76: {  	s16 =	simm.s32 $0x2180  }
0x77: {  	[tilespmem:s16], [sflag:$0x1] =	stream.indirect_vreg.gather [hbm4b:s1+s3], $0x80, v3, vm0, $0xb8;
	[tilespmem:$0xC180] =	vst v63  }
0x78: {  	s11 =	simm.s32 $0x2980  }
0x79: {  	[tilespmem:s11], [sflag:$0x1] =	stream.indirect_vreg.gather [hbm4b:s4+s3], $0x80, v3, vm0, $0xb8;
	[tilespmem:$0xC180] =	vst v63  }
0x7a: {  	s12 =	simm.s32 $0x3180  }
0x7b: {  	[tilespmem:s12], [sflag:$0x1] =	stream.indirect_vreg.gather [hbm4b:s5+s3], $0x80, v3, vm0, $0xb8;
	[tilespmem:$0xC180] =	vst v63  }
0x7c: {  	s16 =	simm.s32 $0x3980  }
0x7d: {  	[tilespmem:s16], [sflag:$0x1] =	stream.indirect_vreg.gather [hbm4b:s6+s3], $0x80, v3, vm0, $0xb8;
	[tilespmem:$0xC180] =	vst v63  }
0x7e: {  	v3 =	vld.msk [tilespmem:$0x40], $0xff;
	_ =	sdelay $0x4  }
0x7f: {  	v43 =	vshll.u32 v3, $0x3  }
0x80: {  	v3 =	vand.u32 $0x7, v3;
	v4 =	vand.u32 $0xFFFFFFC0, v43  }
0x81: {  	v3 =	vor.u32 v3, v4  }
0x82: {  	v3 =	vperm.xlane v3, v0;
	_ =	sdelay $0x1  }
0x83: {  	v3 =	vadd.s32 v1, v3;
	_ =	sdelay $0x3  }
0x84: {  	s13 =	simm.s32 $0x4180  }
0x85: {  	[tilespmem:s13], [sflag:$0x1] =	stream.indirect_vreg.gather [hbm4b:s1+s3], $0x80, v3, vm0, $0xb8;
	[tilespmem:$0xC180] =	vst v63  }
0x86: {  	s14 =	simm.s32 $0x4980  }
0x87: {  	[tilespmem:s14], [sflag:$0x1] =	stream.indirect_vreg.gather [hbm4b:s4+s3], $0x80, v3, vm0, $0xb8;
	[tilespmem:$0xC180] =	vst v63  }
0x88: {  	s14 =	simm.s32 $0x5180  }
0x89: {  	[tilespmem:s14], [sflag:$0x1] =	stream.indirect_vreg.gather [hbm4b:s5+s3], $0x80, v3, vm0, $0xb8;
	[tilespmem:$0xC180] =	vst v63  }
0x8a: {  	s10 =	simm.s32 $0x5980  }
0x8b: {  	[tilespmem:s10], [sflag:$0x1] =	stream.indirect_vreg.gather [hbm4b:s6+s3], $0x80, v3, vm0, $0xb8;
	[tilespmem:$0xC180] =	vst v63  }
0x8c: {  	_ =	swait.ge [sflag:s23], $0x6000  }
0x8d: {  	[sflag:s23] =	ssyncset.done $0x0  }
0x8e: {  	s21 =	rddreg [dreg:$0x6];
	[sflag:s23] =	ssyncadd.s32 $0xFFFFA000  }
0x8f: {  	[hbm4b:s21+s3] =	stream.linear.scatter [tilespmem:s28], [sflag:$0x4], $0x6000, $0x38;
	[tilespmem:$0xC180] =	vst v63  }
0x90: {  	_ =	swait.ge [sflag:s24], $0x6000  }
0x91: {  	[sflag:s24] =	ssyncset.done $0x0  }
0x92: {  	[sflag:s24] =	ssyncadd.s32 $0xFFFFA000  }
0x93: {  	v3 =	vld [tilespmem:$0x48];
	_ =	sdelay $0x4  }
0x94: {  	v44 =	vshll.u32 v3, $0x3  }
0x95: {  	v3 =	vand.u32 $0x7, v3;
	v4 =	vand.u32 $0xFFFFFFC0, v44  }
0x96: {  	v3 =	vor.u32 v3, v4  }
0x97: {  	v4 =	vperm.xlane v3, v0;
	_ =	sdelay $0x1  }
0x98: {  	v4 =	vadd.s32 v1, v4;
	_ =	sdelay $0x4  }
0x99: {  	[tilespmem:s28], [sflag:$0x2] =	stream.indirect_vreg.gather [hbm4b:s1+s3], $0x80, v4, vm0, $0xb8;
	[tilespmem:$0xC180] =	vst v63  }
0x9a: {  	s20 =	simm.s32 $0x6980;
	v3 =	vperm.xlane v3, v2  }
0x9b: {  	[tilespmem:s20], [sflag:$0x2] =	stream.indirect_vreg.gather [hbm4b:s4+s3], $0x80, v4, vm0, $0xb8;
	[tilespmem:$0xC180] =	vst v63  }
0x9c: {  	s21 =	simm.s32 $0x7180;
	v3 =	vadd.s32 v1, v3  }
0x9d: {  	[tilespmem:s21], [sflag:$0x2] =	stream.indirect_vreg.gather [hbm4b:s5+s3], $0x80, v4, vm0, $0xb8;
	[tilespmem:$0xC180] =	vst v63  }
0x9e: {  	s29 =	simm.s32 $0x7980  }
0x9f: {  	[tilespmem:s29], [sflag:$0x2] =	stream.indirect_vreg.gather [hbm4b:s6+s3], $0x80, v4, vm0, $0xb8;
	[tilespmem:$0xC180] =	vst v63  }
0xa0: {  	s30 =	simm.s32 $0x8180  }
0xa1: {  	[tilespmem:s30], [sflag:$0x2] =	stream.indirect_vreg.gather [hbm4b:s1+s3], $0x80, v3, vm0, $0xb8;
	[tilespmem:$0xC180] =	vst v63  }
0xa2: {  	s31 =	simm.s32 $0x8980  }
0xa3: {  	[tilespmem:s31], [sflag:$0x2] =	stream.indirect_vreg.gather [hbm4b:s4+s3], $0x80, v3, vm0, $0xb8;
	[tilespmem:$0xC180] =	vst v63  }
0xa4: {  	s10 =	simm.s32 $0x9180  }
0xa5: {  	[tilespmem:s10], [sflag:$0x2] =	stream.indirect_vreg.gather [hbm4b:s5+s3], $0x80, v3, vm0, $0xb8;
	[tilespmem:$0xC180] =	vst v63  }
0xa6: {  	s20 =	simm.s32 $0x9980  }
0xa7: {  	[tilespmem:s20], [sflag:$0x2] =	stream.indirect_vreg.gather [hbm4b:s6+s3], $0x80, v3, vm0, $0xb8;
	[tilespmem:$0xC180] =	vst v63  }
0xa8: {  	v3 =	vld.msk [tilespmem:$0x58], $0xff;
	_ =	sdelay $0x4  }
0xa9: {  	v45 =	vshll.u32 v3, $0x3  }
0xaa: {  	v3 =	vand.u32 $0x7, v3;
	v4 =	vand.u32 $0xFFFFFFC0, v45  }
0xab: {  	v3 =	vor.u32 v3, v4  }
0xac: {  	v3 =	vperm.xlane v3, v0;
	_ =	sdelay $0x1  }
0xad: {  	v3 =	vadd.s32 v1, v3;
	_ =	sdelay $0x3  }
0xae: {  	s25 =	simm.s32 $0xA180  }
0xaf: {  	[tilespmem:s25], [sflag:$0x2] =	stream.indirect_vreg.gather [hbm4b:s1+s3], $0x80, v3, vm0, $0xb8;
	[tilespmem:$0xC180] =	vst v63  }
0xb0: {  	s25 =	simm.s32 $0xA980  }
0xb1: {  	[tilespmem:s25], [sflag:$0x2] =	stream.indirect_vreg.gather [hbm4b:s4+s3], $0x80, v3, vm0, $0xb8;
	[tilespmem:$0xC180] =	vst v63  }
0xb2: {  	s25 =	simm.s32 $0xB180  }
0xb3: {  	[tilespmem:s25], [sflag:$0x2] =	stream.indirect_vreg.gather [hbm4b:s5+s3], $0x80, v3, vm0, $0xb8;
	[tilespmem:$0xC180] =	vst v63  }
0xb4: {  	s26 =	simm.s32 $0xB980  }
0xb5: {  	[tilespmem:s26], [sflag:$0x2] =	stream.indirect_vreg.gather [hbm4b:s6+s3], $0x80, v3, vm0, $0xb8;
	[tilespmem:$0xC180] =	vst v63  }
0xb6: {  	_ =	swait.ge [sflag:s8], $0x6000  }
0xb7: {  	[sflag:s8] =	ssyncset.done $0x0  }
0xb8: {  	s26 =	rddreg [dreg:$0x7];
	[sflag:s8] =	ssyncadd.s32 $0xFFFFA000  }
0xb9: {  	[hbm4b:s26+s3] =	stream.linear.scatter [tilespmem:s9], [sflag:$0x3], $0x6000, $0x38;
	[tilespmem:$0xC180] =	vst v63  }
0xba: {  	_ =	swait.ge [sflag:s22], $0x6000  }
0xbb: {  	[sflag:s22] =	ssyncset.done $0x0  }
0xbc: {  	[sflag:s22] =	ssyncadd.s32 $0xFFFFA000  }
0xbd: {  	v3 =	vld [tilespmem:$0x60];
	_ =	sdelay $0x4  }
0xbe: {  	v46 =	vshll.u32 v3, $0x3  }
0xbf: {  	v3 =	vand.u32 $0x7, v3;
	v4 =	vand.u32 $0xFFFFFFC0, v46  }
0xc0: {  	v3 =	vor.u32 v3, v4  }
0xc1: {  	v4 =	vperm.xlane v3, v0;
	_ =	sdelay $0x1  }
0xc2: {  	v4 =	vadd.s32 v1, v4;
	_ =	sdelay $0x4  }
0xc3: {  	[tilespmem:s9], [sflag:$0x1] =	stream.indirect_vreg.gather [hbm4b:s1+s3], $0x80, v4, vm0, $0xb8;
	[tilespmem:$0xC180] =	vst v63  }
0xc4: {  	v3 =	vperm.xlane v3, v2  }
0xc5: {  	[tilespmem:s2], [sflag:$0x1] =	stream.indirect_vreg.gather [hbm4b:s4+s3], $0x80, v4, vm0, $0xb8;
	[tilespmem:$0xC180] =	vst v63  }
0xc6: {  	v3 =	vadd.s32 v1, v3  }
0xc7: {  	[tilespmem:s0], [sflag:$0x1] =	stream.indirect_vreg.gather [hbm4b:s5+s3], $0x80, v4, vm0, $0xb8;
	[tilespmem:$0xC180] =	vst v63  }
0xc8: {  	s15 =	simm.s32 $0x1980  }
0xc9: {  	[tilespmem:s15], [sflag:$0x1] =	stream.indirect_vreg.gather [hbm4b:s6+s3], $0x80, v4, vm0, $0xb8;
	[tilespmem:$0xC180] =	vst v63  }
0xca: {  	s17 =	simm.s32 $0x2180  }
0xcb: {  	[tilespmem:s17], [sflag:$0x1] =	stream.indirect_vreg.gather [hbm4b:s1+s3], $0x80, v3, vm0, $0xb8;
	[tilespmem:$0xC180] =	vst v63  }
0xcc: {  	s11 =	simm.s32 $0x2980  }
0xcd: {  	[tilespmem:s11], [sflag:$0x1] =	stream.indirect_vreg.gather [hbm4b:s4+s3], $0x80, v3, vm0, $0xb8;
	[tilespmem:$0xC180] =	vst v63  }
0xce: {  	s12 =	simm.s32 $0x3180  }
0xcf: {  	[tilespmem:s12], [sflag:$0x1] =	stream.indirect_vreg.gather [hbm4b:s5+s3], $0x80, v3, vm0, $0xb8;
	[tilespmem:$0xC180] =	vst v63  }
0xd0: {  	_ = 	snop  }
0xd1: {  	[tilespmem:s16], [sflag:$0x1] =	stream.indirect_vreg.gather [hbm4b:s6+s3], $0x80, v3, vm0, $0xb8;
	[tilespmem:$0xC180] =	vst v63  }
0xd2: {  	v3 =	vld.msk [tilespmem:$0x70], $0xff;
	_ =	sdelay $0x4  }
0xd3: {  	v47 =	vshll.u32 v3, $0x3  }
0xd4: {  	v3 =	vand.u32 $0x7, v3;
	v4 =	vand.u32 $0xFFFFFFC0, v47  }
0xd5: {  	v3 =	vor.u32 v3, v4  }
0xd6: {  	v3 =	vperm.xlane v3, v0;
	_ =	sdelay $0x1  }
0xd7: {  	v3 =	vadd.s32 v1, v3;
	_ =	sdelay $0x3  }
0xd8: {  	s13 =	simm.s32 $0x4180  }
0xd9: {  	[tilespmem:s13], [sflag:$0x1] =	stream.indirect_vreg.gather [hbm4b:s1+s3], $0x80, v3, vm0, $0xb8;
	[tilespmem:$0xC180] =	vst v63  }
0xda: {  	s18 =	simm.s32 $0x4980  }
0xdb: {  	[tilespmem:s18], [sflag:$0x1] =	stream.indirect_vreg.gather [hbm4b:s4+s3], $0x80, v3, vm0, $0xb8;
	[tilespmem:$0xC180] =	vst v63  }
0xdc: {  	_ = 	snop  }
0xdd: {  	[tilespmem:s14], [sflag:$0x1] =	stream.indirect_vreg.gather [hbm4b:s5+s3], $0x80, v3, vm0, $0xb8;
	[tilespmem:$0xC180] =	vst v63  }
0xde: {  	s19 =	simm.s32 $0x5980  }
0xdf: {  	[tilespmem:s19], [sflag:$0x1] =	stream.indirect_vreg.gather [hbm4b:s6+s3], $0x80, v3, vm0, $0xb8;
	[tilespmem:$0xC180] =	vst v63  }
0xe0: {  	_ =	swait.ge [sflag:s23], $0x6000  }
0xe1: {  	[sflag:s23] =	ssyncset.done $0x0  }
0xe2: {  	s18 =	rddreg [dreg:$0x8];
	[sflag:s23] =	ssyncadd.s32 $0xFFFFA000  }
0xe3: {  	[hbm4b:s18+s3] =	stream.linear.scatter [tilespmem:s28], [sflag:$0x4], $0x6000, $0x38;
	[tilespmem:$0xC180] =	vst v63  }
0xe4: {  	_ =	swait.ge [sflag:s24], $0x6000  }
0xe5: {  	[sflag:s24] =	ssyncset.done $0x0  }
0xe6: {  	[sflag:s24] =	ssyncadd.s32 $0xFFFFA000  }
0xe7: {  	v3 =	vld [tilespmem:$0x78];
	_ =	sdelay $0x4  }
0xe8: {  	v48 =	vshll.u32 v3, $0x3  }
0xe9: {  	v3 =	vand.u32 $0x7, v3;
	v4 =	vand.u32 $0xFFFFFFC0, v48  }
0xea: {  	v3 =	vor.u32 v3, v4  }
0xeb: {  	v4 =	vperm.xlane v3, v0;
	_ =	sdelay $0x1  }
0xec: {  	v4 =	vadd.s32 v1, v4;
	_ =	sdelay $0x4  }
0xed: {  	[tilespmem:s28], [sflag:$0x2] =	stream.indirect_vreg.gather [hbm4b:s1+s3], $0x80, v4, vm0, $0xb8;
	[tilespmem:$0xC180] =	vst v63  }
0xee: {  	s19 =	simm.s32 $0x6980;
	v3 =	vperm.xlane v3, v2  }
0xef: {  	[tilespmem:s19], [sflag:$0x2] =	stream.indirect_vreg.gather [hbm4b:s4+s3], $0x80, v4, vm0, $0xb8;
	[tilespmem:$0xC180] =	vst v63  }
0xf0: {  	v3 =	vadd.s32 v1, v3  }
0xf1: {  	[tilespmem:s21], [sflag:$0x2] =	stream.indirect_vreg.gather [hbm4b:s5+s3], $0x80, v4, vm0, $0xb8;
	[tilespmem:$0xC180] =	vst v63  }
0xf2: {  	_ = 	snop  }
0xf3: {  	[tilespmem:s29], [sflag:$0x2] =	stream.indirect_vreg.gather [hbm4b:s6+s3], $0x80, v4, vm0, $0xb8;
	[tilespmem:$0xC180] =	vst v63  }
0xf4: {  	_ = 	snop  }
0xf5: {  	[tilespmem:s30], [sflag:$0x2] =	stream.indirect_vreg.gather [hbm4b:s1+s3], $0x80, v3, vm0, $0xb8;
	[tilespmem:$0xC180] =	vst v63  }
0xf6: {  	_ = 	snop  }
0xf7: {  	[tilespmem:s31], [sflag:$0x2] =	stream.indirect_vreg.gather [hbm4b:s4+s3], $0x80, v3, vm0, $0xb8;
	[tilespmem:$0xC180] =	vst v63  }
0xf8: {  	_ = 	snop  }
0xf9: {  	[tilespmem:s10], [sflag:$0x2] =	stream.indirect_vreg.gather [hbm4b:s5+s3], $0x80, v3, vm0, $0xb8;
	[tilespmem:$0xC180] =	vst v63  }
0xfa: {  	_ = 	snop  }
0xfb: {  	[tilespmem:s20], [sflag:$0x2] =	stream.indirect_vreg.gather [hbm4b:s6+s3], $0x80, v3, vm0, $0xb8;
	[tilespmem:$0xC180] =	vst v63  }
0xfc: {  	v3 =	vld.msk [tilespmem:$0x88], $0xff;
	_ =	sdelay $0x4  }
0xfd: {  	v49 =	vshll.u32 v3, $0x3  }
0xfe: {  	v3 =	vand.u32 $0x7, v3;
	v4 =	vand.u32 $0xFFFFFFC0, v49  }
0xff: {  	v3 =	vor.u32 v3, v4  }
0x100: {  	v3 =	vperm.xlane v3, v0;
	_ =	sdelay $0x1  }
0x101: {  	v3 =	vadd.s32 v1, v3;
	_ =	sdelay $0x3  }
0x102: {  	s20 =	simm.s32 $0xA180  }
0x103: {  	[tilespmem:s20], [sflag:$0x2] =	stream.indirect_vreg.gather [hbm4b:s1+s3], $0x80, v3, vm0, $0xb8;
	[tilespmem:$0xC180] =	vst v63  }
0x104: {  	s25 =	simm.s32 $0xA980  }
0x105: {  	[tilespmem:s25], [sflag:$0x2] =	stream.indirect_vreg.gather [hbm4b:s4+s3], $0x80, v3, vm0, $0xb8;
	[tilespmem:$0xC180] =	vst v63  }
0x106: {  	s31 =	simm.s32 $0xB180  }
0x107: {  	[tilespmem:s31], [sflag:$0x2] =	stream.indirect_vreg.gather [hbm4b:s5+s3], $0x80, v3, vm0, $0xb8;
	[tilespmem:$0xC180] =	vst v63  }
0x108: {  	s25 =	simm.s32 $0xB980  }
0x109: {  	[tilespmem:s25], [sflag:$0x2] =	stream.indirect_vreg.gather [hbm4b:s6+s3], $0x80, v3, vm0, $0xb8;
	[tilespmem:$0xC180] =	vst v63  }
0x10a: {  	_ =	swait.ge [sflag:s8], $0x6000  }
0x10b: {  	[sflag:s8] =	ssyncset.done $0x0  }
0x10c: {  	s25 =	rddreg [dreg:$0x9];
	[sflag:s8] =	ssyncadd.s32 $0xFFFFA000  }
0x10d: {  	[hbm4b:s25+s3] =	stream.linear.scatter [tilespmem:s9], [sflag:$0x3], $0x6000, $0x38;
	[tilespmem:$0xC180] =	vst v63  }
0x10e: {  	_ =	swait.ge [sflag:s22], $0x6000  }
0x10f: {  	[sflag:s22] =	ssyncset.done $0x0  }
0x110: {  	[sflag:s22] =	ssyncadd.s32 $0xFFFFA000  }
0x111: {  	v3 =	vld [tilespmem:$0x90];
	_ =	sdelay $0x4  }
0x112: {  	v50 =	vshll.u32 v3, $0x3  }
0x113: {  	v3 =	vand.u32 $0x7, v3;
	v4 =	vand.u32 $0xFFFFFFC0, v50  }
0x114: {  	v3 =	vor.u32 v3, v4  }
0x115: {  	v4 =	vperm.xlane v3, v0;
	_ =	sdelay $0x1  }
0x116: {  	v4 =	vadd.s32 v1, v4;
	_ =	sdelay $0x4  }
0x117: {  	[tilespmem:s9], [sflag:$0x1] =	stream.indirect_vreg.gather [hbm4b:s1+s3], $0x80, v4, vm0, $0xb8;
	[tilespmem:$0xC180] =	vst v63  }
0x118: {  	s26 =	simm.s32 $0x980;
	v3 =	vperm.xlane v3, v2  }
0x119: {  	[tilespmem:s26], [sflag:$0x1] =	stream.indirect_vreg.gather [hbm4b:s4+s3], $0x80, v4, vm0, $0xb8;
	[tilespmem:$0xC180] =	vst v63  }
0x11a: {  	s0 =	simm.s32 $0x1180;
	v3 =	vadd.s32 v1, v3  }
0x11b: {  	[tilespmem:s0], [sflag:$0x1] =	stream.indirect_vreg.gather [hbm4b:s5+s3], $0x80, v4, vm0, $0xb8;
	[tilespmem:$0xC180] =	vst v63  }
0x11c: {  	s15 =	simm.s32 $0x1980  }
0x11d: {  	[tilespmem:s15], [sflag:$0x1] =	stream.indirect_vreg.gather [hbm4b:s6+s3], $0x80, v4, vm0, $0xb8;
	[tilespmem:$0xC180] =	vst v63  }
0x11e: {  	s17 =	simm.s32 $0x2180  }
0x11f: {  	[tilespmem:s17], [sflag:$0x1] =	stream.indirect_vreg.gather [hbm4b:s1+s3], $0x80, v3, vm0, $0xb8;
	[tilespmem:$0xC180] =	vst v63  }
0x120: {  	s11 =	simm.s32 $0x2980  }
0x121: {  	[tilespmem:s11], [sflag:$0x1] =	stream.indirect_vreg.gather [hbm4b:s4+s3], $0x80, v3, vm0, $0xb8;
	[tilespmem:$0xC180] =	vst v63  }
0x122: {  	s25 =	simm.s32 $0x3180  }
0x123: {  	[tilespmem:s25], [sflag:$0x1] =	stream.indirect_vreg.gather [hbm4b:s5+s3], $0x80, v3, vm0, $0xb8;
	[tilespmem:$0xC180] =	vst v63  }
0x124: {  	s12 =	simm.s32 $0x3980  }
0x125: {  	[tilespmem:s12], [sflag:$0x1] =	stream.indirect_vreg.gather [hbm4b:s6+s3], $0x80, v3, vm0, $0xb8;
	[tilespmem:$0xC180] =	vst v63  }
0x126: {  	v3 =	vld.msk [tilespmem:$0xA0], $0xff;
	_ =	sdelay $0x4  }
0x127: {  	v51 =	vshll.u32 v3, $0x3  }
0x128: {  	v3 =	vand.u32 $0x7, v3;
	v4 =	vand.u32 $0xFFFFFFC0, v51  }
0x129: {  	v3 =	vor.u32 v3, v4  }
0x12a: {  	v3 =	vperm.xlane v3, v0;
	_ =	sdelay $0x1  }
0x12b: {  	v3 =	vadd.s32 v1, v3;
	_ =	sdelay $0x3  }
0x12c: {  	s13 =	simm.s32 $0x4180  }
0x12d: {  	[tilespmem:s13], [sflag:$0x1] =	stream.indirect_vreg.gather [hbm4b:s1+s3], $0x80, v3, vm0, $0xb8;
	[tilespmem:$0xC180] =	vst v63  }
0x12e: {  	s16 =	simm.s32 $0x4980  }
0x12f: {  	[tilespmem:s16], [sflag:$0x1] =	stream.indirect_vreg.gather [hbm4b:s4+s3], $0x80, v3, vm0, $0xb8;
	[tilespmem:$0xC180] =	vst v63  }
0x130: {  	s2 =	simm.s32 $0x5180  }
0x131: {  	[tilespmem:s2], [sflag:$0x1] =	stream.indirect_vreg.gather [hbm4b:s5+s3], $0x80, v3, vm0, $0xb8;
	[tilespmem:$0xC180] =	vst v63  }
0x132: {  	s14 =	simm.s32 $0x5980  }
0x133: {  	[tilespmem:s14], [sflag:$0x1] =	stream.indirect_vreg.gather [hbm4b:s6+s3], $0x80, v3, vm0, $0xb8;
	[tilespmem:$0xC180] =	vst v63  }
0x134: {  	_ =	swait.ge [sflag:s23], $0x6000  }
0x135: {  	[sflag:s23] =	ssyncset.done $0x0  }
0x136: {  	s14 =	rddreg [dreg:$0xa];
	[sflag:s23] =	ssyncadd.s32 $0xFFFFA000  }
0x137: {  	[hbm4b:s14+s3] =	stream.linear.scatter [tilespmem:s28], [sflag:$0x4], $0x6000, $0x38;
	[tilespmem:$0xC180] =	vst v63  }
0x138: {  	_ =	swait.ge [sflag:s24], $0x6000  }
0x139: {  	[sflag:s24] =	ssyncset.done $0x0  }
0x13a: {  	[sflag:s24] =	ssyncadd.s32 $0xFFFFA000  }
0x13b: {  	v3 =	vld [tilespmem:$0xA8];
	_ =	sdelay $0x4  }
0x13c: {  	v52 =	vshll.u32 v3, $0x3  }
0x13d: {  	v3 =	vand.u32 $0x7, v3;
	v4 =	vand.u32 $0xFFFFFFC0, v52  }
0x13e: {  	v3 =	vor.u32 v3, v4  }
0x13f: {  	v4 =	vperm.xlane v3, v0;
	_ =	sdelay $0x1  }
0x140: {  	v4 =	vadd.s32 v1, v4;
	_ =	sdelay $0x4  }
0x141: {  	[tilespmem:s28], [sflag:$0x2] =	stream.indirect_vreg.gather [hbm4b:s1+s3], $0x80, v4, vm0, $0xb8;
	[tilespmem:$0xC180] =	vst v63  }
0x142: {  	s25 =	simm.s32 $0x6980;
	v3 =	vperm.xlane v3, v2  }
0x143: {  	[tilespmem:s25], [sflag:$0x2] =	stream.indirect_vreg.gather [hbm4b:s4+s3], $0x80, v4, vm0, $0xb8;
	[tilespmem:$0xC180] =	vst v63  }
0x144: {  	s21 =	simm.s32 $0x7180;
	v3 =	vadd.s32 v1, v3  }
0x145: {  	[tilespmem:s21], [sflag:$0x2] =	stream.indirect_vreg.gather [hbm4b:s5+s3], $0x80, v4, vm0, $0xb8;
	[tilespmem:$0xC180] =	vst v63  }
0x146: {  	s29 =	simm.s32 $0x7980  }
0x147: {  	[tilespmem:s29], [sflag:$0x2] =	stream.indirect_vreg.gather [hbm4b:s6+s3], $0x80, v4, vm0, $0xb8;
	[tilespmem:$0xC180] =	vst v63  }
0x148: {  	s25 =	simm.s32 $0x8180  }
0x149: {  	[tilespmem:s25], [sflag:$0x2] =	stream.indirect_vreg.gather [hbm4b:s1+s3], $0x80, v3, vm0, $0xb8;
	[tilespmem:$0xC180] =	vst v63  }
0x14a: {  	s30 =	simm.s32 $0x8980  }
0x14b: {  	[tilespmem:s30], [sflag:$0x2] =	stream.indirect_vreg.gather [hbm4b:s4+s3], $0x80, v3, vm0, $0xb8;
	[tilespmem:$0xC180] =	vst v63  }
0x14c: {  	s10 =	simm.s32 $0x9180  }
0x14d: {  	[tilespmem:s10], [sflag:$0x2] =	stream.indirect_vreg.gather [hbm4b:s5+s3], $0x80, v3, vm0, $0xb8;
	[tilespmem:$0xC180] =	vst v63  }
0x14e: {  	s18 =	simm.s32 $0x9980  }
0x14f: {  	[tilespmem:s18], [sflag:$0x2] =	stream.indirect_vreg.gather [hbm4b:s6+s3], $0x80, v3, vm0, $0xb8;
	[tilespmem:$0xC180] =	vst v63  }
0x150: {  	v3 =	vld.msk [tilespmem:$0xB8], $0xff;
	_ =	sdelay $0x4  }
0x151: {  	v53 =	vshll.u32 v3, $0x3  }
0x152: {  	v3 =	vand.u32 $0x7, v3;
	v4 =	vand.u32 $0xFFFFFFC0, v53  }
0x153: {  	v3 =	vor.u32 v3, v4  }
0x154: {  	v3 =	vperm.xlane v3, v0;
	_ =	sdelay $0x1  }
0x155: {  	v3 =	vadd.s32 v1, v3;
	_ =	sdelay $0x3  }
0x156: {  	s19 =	simm.s32 $0xA180  }
0x157: {  	[tilespmem:s19], [sflag:$0x2] =	stream.indirect_vreg.gather [hbm4b:s1+s3], $0x80, v3, vm0, $0xb8;
	[tilespmem:$0xC180] =	vst v63  }
0x158: {  	s20 =	simm.s32 $0xA980  }
0x159: {  	[tilespmem:s20], [sflag:$0x2] =	stream.indirect_vreg.gather [hbm4b:s4+s3], $0x80, v3, vm0, $0xb8;
	[tilespmem:$0xC180] =	vst v63  }
0x15a: {  	s31 =	simm.s32 $0xB180  }
0x15b: {  	[tilespmem:s31], [sflag:$0x2] =	stream.indirect_vreg.gather [hbm4b:s5+s3], $0x80, v3, vm0, $0xb8;
	[tilespmem:$0xC180] =	vst v63  }
0x15c: {  	s31 =	simm.s32 $0xB980  }
0x15d: {  	[tilespmem:s31], [sflag:$0x2] =	stream.indirect_vreg.gather [hbm4b:s6+s3], $0x80, v3, vm0, $0xb8;
	[tilespmem:$0xC180] =	vst v63  }
0x15e: {  	_ =	swait.ge [sflag:s8], $0x6000  }
0x15f: {  	[sflag:s8] =	ssyncset.done $0x0  }
0x160: {  	s19 =	rddreg [dreg:$0xb];
	[sflag:s8] =	ssyncadd.s32 $0xFFFFA000  }
0x161: {  	[hbm4b:s19+s3] =	stream.linear.scatter [tilespmem:s9], [sflag:$0x3], $0x6000, $0x38;
	[tilespmem:$0xC180] =	vst v63  }
0x162: {  	_ =	swait.ge [sflag:s22], $0x6000  }
0x163: {  	[sflag:s22] =	ssyncset.done $0x0  }
0x164: {  	[sflag:s22] =	ssyncadd.s32 $0xFFFFA000  }
0x165: {  	v3 =	vld [tilespmem:$0xC0];
	_ =	sdelay $0x4  }
0x166: {  	v54 =	vshll.u32 v3, $0x3  }
0x167: {  	v3 =	vand.u32 $0x7, v3;
	v4 =	vand.u32 $0xFFFFFFC0, v54  }
0x168: {  	v3 =	vor.u32 v3, v4  }
0x169: {  	v4 =	vperm.xlane v3, v0;
	_ =	sdelay $0x1  }
0x16a: {  	v4 =	vadd.s32 v1, v4;
	_ =	sdelay $0x4  }
0x16b: {  	[tilespmem:s9], [sflag:$0x1] =	stream.indirect_vreg.gather [hbm4b:s1+s3], $0x80, v4, vm0, $0xb8;
	[tilespmem:$0xC180] =	vst v63  }
0x16c: {  	s31 =	simm.s32 $0x980;
	v3 =	vperm.xlane v3, v2  }
0x16d: {  	[tilespmem:s31], [sflag:$0x1] =	stream.indirect_vreg.gather [hbm4b:s4+s3], $0x80, v4, vm0, $0xb8;
	[tilespmem:$0xC180] =	vst v63  }
0x16e: {  	s26 =	simm.s32 $0x1180;
	v3 =	vadd.s32 v1, v3  }
0x16f: {  	[tilespmem:s26], [sflag:$0x1] =	stream.indirect_vreg.gather [hbm4b:s5+s3], $0x80, v4, vm0, $0xb8;
	[tilespmem:$0xC180] =	vst v63  }
0x170: {  	s15 =	simm.s32 $0x1980  }
0x171: {  	[tilespmem:s15], [sflag:$0x1] =	stream.indirect_vreg.gather [hbm4b:s6+s3], $0x80, v4, vm0, $0xb8;
	[tilespmem:$0xC180] =	vst v63  }
0x172: {  	s17 =	simm.s32 $0x2180  }
0x173: {  	[tilespmem:s17], [sflag:$0x1] =	stream.indirect_vreg.gather [hbm4b:s1+s3], $0x80, v3, vm0, $0xb8;
	[tilespmem:$0xC180] =	vst v63  }
0x174: {  	s11 =	simm.s32 $0x2980  }
0x175: {  	[tilespmem:s11], [sflag:$0x1] =	stream.indirect_vreg.gather [hbm4b:s4+s3], $0x80, v3, vm0, $0xb8;
	[tilespmem:$0xC180] =	vst v63  }
0x176: {  	s25 =	simm.s32 $0x3180  }
0x177: {  	[tilespmem:s25], [sflag:$0x1] =	stream.indirect_vreg.gather [hbm4b:s5+s3], $0x80, v3, vm0, $0xb8;
	[tilespmem:$0xC180] =	vst v63  }
0x178: {  	s12 =	simm.s32 $0x3980  }
0x179: {  	[tilespmem:s12], [sflag:$0x1] =	stream.indirect_vreg.gather [hbm4b:s6+s3], $0x80, v3, vm0, $0xb8;
	[tilespmem:$0xC180] =	vst v63  }
0x17a: {  	v3 =	vld.msk [tilespmem:$0xD0], $0xff;
	_ =	sdelay $0x4  }
0x17b: {  	v55 =	vshll.u32 v3, $0x3  }
0x17c: {  	v3 =	vand.u32 $0x7, v3;
	v4 =	vand.u32 $0xFFFFFFC0, v55  }
0x17d: {  	v3 =	vor.u32 v3, v4  }
0x17e: {  	v3 =	vperm.xlane v3, v0;
	_ =	sdelay $0x1  }
0x17f: {  	v3 =	vadd.s32 v1, v3;
	_ =	sdelay $0x3  }
0x180: {  	s13 =	simm.s32 $0x4180  }
0x181: {  	[tilespmem:s13], [sflag:$0x1] =	stream.indirect_vreg.gather [hbm4b:s1+s3], $0x80, v3, vm0, $0xb8;
	[tilespmem:$0xC180] =	vst v63  }
0x182: {  	s16 =	simm.s32 $0x4980  }
0x183: {  	[tilespmem:s16], [sflag:$0x1] =	stream.indirect_vreg.gather [hbm4b:s4+s3], $0x80, v3, vm0, $0xb8;
	[tilespmem:$0xC180] =	vst v63  }
0x184: {  	s0 =	simm.s32 $0x5180  }
0x185: {  	[tilespmem:s0], [sflag:$0x1] =	stream.indirect_vreg.gather [hbm4b:s5+s3], $0x80, v3, vm0, $0xb8;
	[tilespmem:$0xC180] =	vst v63  }
0x186: {  	s2 =	simm.s32 $0x5980  }
0x187: {  	[tilespmem:s2], [sflag:$0x1] =	stream.indirect_vreg.gather [hbm4b:s6+s3], $0x80, v3, vm0, $0xb8;
	[tilespmem:$0xC180] =	vst v63  }
0x188: {  	_ =	swait.ge [sflag:s23], $0x6000  }
0x189: {  	[sflag:s23] =	ssyncset.done $0x0  }
0x18a: {  	s13 =	rddreg [dreg:$0xc];
	[sflag:s23] =	ssyncadd.s32 $0xFFFFA000  }
0x18b: {  	[hbm4b:s13+s3] =	stream.linear.scatter [tilespmem:s28], [sflag:$0x4], $0x6000, $0x38;
	[tilespmem:$0xC180] =	vst v63  }
0x18c: {  	_ =	swait.ge [sflag:s24], $0x6000  }
0x18d: {  	[sflag:s24] =	ssyncset.done $0x0  }
0x18e: {  	[sflag:s24] =	ssyncadd.s32 $0xFFFFA000  }
0x18f: {  	v3 =	vld [tilespmem:$0xD8];
	_ =	sdelay $0x4  }
0x190: {  	v56 =	vshll.u32 v3, $0x3  }
0x191: {  	v3 =	vand.u32 $0x7, v3;
	v4 =	vand.u32 $0xFFFFFFC0, v56  }
0x192: {  	v3 =	vor.u32 v3, v4  }
0x193: {  	v4 =	vperm.xlane v3, v0;
	_ =	sdelay $0x1  }
0x194: {  	v4 =	vadd.s32 v1, v4;
	_ =	sdelay $0x4  }
0x195: {  	[tilespmem:s28], [sflag:$0x2] =	stream.indirect_vreg.gather [hbm4b:s1+s3], $0x80, v4, vm0, $0xb8;
	[tilespmem:$0xC180] =	vst v63  }
0x196: {  	s16 =	simm.s32 $0x6980;
	v3 =	vperm.xlane v3, v2  }
0x197: {  	[tilespmem:s16], [sflag:$0x2] =	stream.indirect_vreg.gather [hbm4b:s4+s3], $0x80, v4, vm0, $0xb8;
	[tilespmem:$0xC180] =	vst v63  }
0x198: {  	s25 =	simm.s32 $0x7180;
	v3 =	vadd.s32 v1, v3  }
0x199: {  	[tilespmem:s25], [sflag:$0x2] =	stream.indirect_vreg.gather [hbm4b:s5+s3], $0x80, v4, vm0, $0xb8;
	[tilespmem:$0xC180] =	vst v63  }
0x19a: {  	s29 =	simm.s32 $0x7980  }
0x19b: {  	[tilespmem:s29], [sflag:$0x2] =	stream.indirect_vreg.gather [hbm4b:s6+s3], $0x80, v4, vm0, $0xb8;
	[tilespmem:$0xC180] =	vst v63  }
0x19c: {  	s29 =	simm.s32 $0x8180  }
0x19d: {  	[tilespmem:s29], [sflag:$0x2] =	stream.indirect_vreg.gather [hbm4b:s1+s3], $0x80, v3, vm0, $0xb8;
	[tilespmem:$0xC180] =	vst v63  }
0x19e: {  	s30 =	simm.s32 $0x8980  }
0x19f: {  	[tilespmem:s30], [sflag:$0x2] =	stream.indirect_vreg.gather [hbm4b:s4+s3], $0x80, v3, vm0, $0xb8;
	[tilespmem:$0xC180] =	vst v63  }
0x1a0: {  	s21 =	simm.s32 $0x9180  }
0x1a1: {  	[tilespmem:s21], [sflag:$0x2] =	stream.indirect_vreg.gather [hbm4b:s5+s3], $0x80, v3, vm0, $0xb8;
	[tilespmem:$0xC180] =	vst v63  }
0x1a2: {  	s14 =	simm.s32 $0x9980  }
0x1a3: {  	[tilespmem:s14], [sflag:$0x2] =	stream.indirect_vreg.gather [hbm4b:s6+s3], $0x80, v3, vm0, $0xb8;
	[tilespmem:$0xC180] =	vst v63  }
0x1a4: {  	v3 =	vld.msk [tilespmem:$0xE8], $0xff;
	_ =	sdelay $0x4  }
0x1a5: {  	v57 =	vshll.u32 v3, $0x3  }
0x1a6: {  	v3 =	vand.u32 $0x7, v3;
	v4 =	vand.u32 $0xFFFFFFC0, v57  }
0x1a7: {  	v3 =	vor.u32 v3, v4  }
0x1a8: {  	v3 =	vperm.xlane v3, v0;
	_ =	sdelay $0x1  }
0x1a9: {  	v3 =	vadd.s32 v1, v3;
	_ =	sdelay $0x3  }
0x1aa: {  	s10 =	simm.s32 $0xA180  }
0x1ab: {  	[tilespmem:s10], [sflag:$0x2] =	stream.indirect_vreg.gather [hbm4b:s1+s3], $0x80, v3, vm0, $0xb8;
	[tilespmem:$0xC180] =	vst v63  }
0x1ac: {  	s20 =	simm.s32 $0xA980  }
0x1ad: {  	[tilespmem:s20], [sflag:$0x2] =	stream.indirect_vreg.gather [hbm4b:s4+s3], $0x80, v3, vm0, $0xb8;
	[tilespmem:$0xC180] =	vst v63  }
0x1ae: {  	s18 =	simm.s32 $0xB180  }
0x1af: {  	[tilespmem:s18], [sflag:$0x2] =	stream.indirect_vreg.gather [hbm4b:s5+s3], $0x80, v3, vm0, $0xb8;
	[tilespmem:$0xC180] =	vst v63  }
0x1b0: {  	s30 =	simm.s32 $0xB980  }
0x1b1: {  	[tilespmem:s30], [sflag:$0x2] =	stream.indirect_vreg.gather [hbm4b:s6+s3], $0x80, v3, vm0, $0xb8;
	[tilespmem:$0xC180] =	vst v63  }
0x1b2: {  	_ =	swait.ge [sflag:s8], $0x6000  }
0x1b3: {  	[sflag:s8] =	ssyncset.done $0x0  }
0x1b4: {  	s14 =	rddreg [dreg:$0xd];
	[sflag:s8] =	ssyncadd.s32 $0xFFFFA000  }
0x1b5: {  	[hbm4b:s14+s3] =	stream.linear.scatter [tilespmem:s9], [sflag:$0x3], $0x6000, $0x38;
	[tilespmem:$0xC180] =	vst v63  }
0x1b6: {  	_ =	swait.ge [sflag:s22], $0x6000  }
0x1b7: {  	[sflag:s22] =	ssyncset.done $0x0  }
0x1b8: {  	[sflag:s22] =	ssyncadd.s32 $0xFFFFA000  }
0x1b9: {  	v3 =	vld [tilespmem:$0xF0];
	_ =	sdelay $0x4  }
0x1ba: {  	v58 =	vshll.u32 v3, $0x3  }
0x1bb: {  	v3 =	vand.u32 $0x7, v3;
	v4 =	vand.u32 $0xFFFFFFC0, v58  }
0x1bc: {  	v3 =	vor.u32 v3, v4  }
0x1bd: {  	v4 =	vperm.xlane v3, v0;
	_ =	sdelay $0x1  }
0x1be: {  	v4 =	vadd.s32 v1, v4;
	_ =	sdelay $0x4  }
0x1bf: {  	[tilespmem:s9], [sflag:$0x1] =	stream.indirect_vreg.gather [hbm4b:s1+s3], $0x80, v4, vm0, $0xb8;
	[tilespmem:$0xC180] =	vst v63  }
0x1c0: {  	s18 =	simm.s32 $0x980;
	v3 =	vperm.xlane v3, v2  }
0x1c1: {  	[tilespmem:s18], [sflag:$0x1] =	stream.indirect_vreg.gather [hbm4b:s4+s3], $0x80, v4, vm0, $0xb8;
	[tilespmem:$0xC180] =	vst v63  }
0x1c2: {  	s26 =	simm.s32 $0x1180;
	v3 =	vadd.s32 v1, v3  }
0x1c3: {  	[tilespmem:s26], [sflag:$0x1] =	stream.indirect_vreg.gather [hbm4b:s5+s3], $0x80, v4, vm0, $0xb8;
	[tilespmem:$0xC180] =	vst v63  }
0x1c4: {  	s31 =	simm.s32 $0x1980  }
0x1c5: {  	[tilespmem:s31], [sflag:$0x1] =	stream.indirect_vreg.gather [hbm4b:s6+s3], $0x80, v4, vm0, $0xb8;
	[tilespmem:$0xC180] =	vst v63  }
0x1c6: {  	s17 =	simm.s32 $0x2180  }
0x1c7: {  	[tilespmem:s17], [sflag:$0x1] =	stream.indirect_vreg.gather [hbm4b:s1+s3], $0x80, v3, vm0, $0xb8;
	[tilespmem:$0xC180] =	vst v63  }
0x1c8: {  	s19 =	simm.s32 $0x2980  }
0x1c9: {  	[tilespmem:s19], [sflag:$0x1] =	stream.indirect_vreg.gather [hbm4b:s4+s3], $0x80, v3, vm0, $0xb8;
	[tilespmem:$0xC180] =	vst v63  }
0x1ca: {  	s19 =	simm.s32 $0x3180  }
0x1cb: {  	[tilespmem:s19], [sflag:$0x1] =	stream.indirect_vreg.gather [hbm4b:s5+s3], $0x80, v3, vm0, $0xb8;
	[tilespmem:$0xC180] =	vst v63  }
0x1cc: {  	s25 =	simm.s32 $0x3980  }
0x1cd: {  	[tilespmem:s25], [sflag:$0x1] =	stream.indirect_vreg.gather [hbm4b:s6+s3], $0x80, v3, vm0, $0xb8;
	[tilespmem:$0xC180] =	vst v63  }
0x1ce: {  	v3 =	vld.msk [tilespmem:$0x100], $0xff;
	_ =	sdelay $0x4  }
0x1cf: {  	v59 =	vshll.u32 v3, $0x3  }
0x1d0: {  	v3 =	vand.u32 $0x7, v3;
	v4 =	vand.u32 $0xFFFFFFC0, v59  }
0x1d1: {  	v3 =	vor.u32 v3, v4  }
0x1d2: {  	v3 =	vperm.xlane v3, v0;
	_ =	sdelay $0x1  }
0x1d3: {  	v3 =	vadd.s32 v1, v3;
	_ =	sdelay $0x3  }
0x1d4: {  	s31 =	simm.s32 $0x4180  }
0x1d5: {  	[tilespmem:s31], [sflag:$0x1] =	stream.indirect_vreg.gather [hbm4b:s1+s3], $0x80, v3, vm0, $0xb8;
	[tilespmem:$0xC180] =	vst v63  }
0x1d6: {  	s25 =	simm.s32 $0x4980  }
0x1d7: {  	[tilespmem:s25], [sflag:$0x1] =	stream.indirect_vreg.gather [hbm4b:s4+s3], $0x80, v3, vm0, $0xb8;
	[tilespmem:$0xC180] =	vst v63  }
0x1d8: {  	s15 =	simm.s32 $0x5180  }
0x1d9: {  	[tilespmem:s15], [sflag:$0x1] =	stream.indirect_vreg.gather [hbm4b:s5+s3], $0x80, v3, vm0, $0xb8;
	[tilespmem:$0xC180] =	vst v63  }
0x1da: {  	s25 =	simm.s32 $0x5980  }
0x1db: {  	[tilespmem:s25], [sflag:$0x1] =	stream.indirect_vreg.gather [hbm4b:s6+s3], $0x80, v3, vm0, $0xb8;
	[tilespmem:$0xC180] =	vst v63  }
0x1dc: {  	_ =	swait.ge [sflag:s23], $0x6000  }
0x1dd: {  	[sflag:s23] =	ssyncset.done $0x0  }
0x1de: {  	s25 =	rddreg [dreg:$0xe];
	[sflag:s23] =	ssyncadd.s32 $0xFFFFA000  }
0x1df: {  	[hbm4b:s25+s3] =	stream.linear.scatter [tilespmem:s28], [sflag:$0x4], $0x6000, $0x38;
	[tilespmem:$0xC180] =	vst v63  }
0x1e0: {  	_ =	swait.ge [sflag:s24], $0x6000  }
0x1e1: {  	[sflag:s24] =	ssyncset.done $0x0  }
0x1e2: {  	[sflag:s24] =	ssyncadd.s32 $0xFFFFA000  }
0x1e3: {  	v3 =	vld [tilespmem:$0x108];
	_ =	sdelay $0x4  }
0x1e4: {  	v60 =	vshll.u32 v3, $0x3  }
0x1e5: {  	v3 =	vand.u32 $0x7, v3;
	v4 =	vand.u32 $0xFFFFFFC0, v60  }
0x1e6: {  	v3 =	vor.u32 v3, v4  }
0x1e7: {  	v4 =	vperm.xlane v3, v0;
	_ =	sdelay $0x1  }
0x1e8: {  	v4 =	vadd.s32 v1, v4;
	_ =	sdelay $0x4  }
0x1e9: {  	[tilespmem:s28], [sflag:$0x2] =	stream.indirect_vreg.gather [hbm4b:s1+s3], $0x80, v4, vm0, $0xb8;
	[tilespmem:$0xC180] =	vst v63  }
0x1ea: {  	s25 =	simm.s32 $0x6980;
	v3 =	vperm.xlane v3, v2  }
0x1eb: {  	[tilespmem:s25], [sflag:$0x2] =	stream.indirect_vreg.gather [hbm4b:s4+s3], $0x80, v4, vm0, $0xb8;
	[tilespmem:$0xC180] =	vst v63  }
0x1ec: {  	s11 =	simm.s32 $0x7180;
	v3 =	vadd.s32 v1, v3  }
0x1ed: {  	[tilespmem:s11], [sflag:$0x2] =	stream.indirect_vreg.gather [hbm4b:s5+s3], $0x80, v4, vm0, $0xb8;
	[tilespmem:$0xC180] =	vst v63  }
0x1ee: {  	s12 =	simm.s32 $0x7980  }
0x1ef: {  	[tilespmem:s12], [sflag:$0x2] =	stream.indirect_vreg.gather [hbm4b:s6+s3], $0x80, v4, vm0, $0xb8;
	[tilespmem:$0xC180] =	vst v63  }
0x1f0: {  	s13 =	simm.s32 $0x8180  }
0x1f1: {  	[tilespmem:s13], [sflag:$0x2] =	stream.indirect_vreg.gather [hbm4b:s1+s3], $0x80, v3, vm0, $0xb8;
	[tilespmem:$0xC180] =	vst v63  }
0x1f2: {  	s29 =	simm.s32 $0x8980  }
0x1f3: {  	[tilespmem:s29], [sflag:$0x2] =	stream.indirect_vreg.gather [hbm4b:s4+s3], $0x80, v3, vm0, $0xb8;
	[tilespmem:$0xC180] =	vst v63  }
0x1f4: {  	s0 =	simm.s32 $0x9180  }
0x1f5: {  	[tilespmem:s0], [sflag:$0x2] =	stream.indirect_vreg.gather [hbm4b:s5+s3], $0x80, v3, vm0, $0xb8;
	[tilespmem:$0xC180] =	vst v63  }
0x1f6: {  	s16 =	simm.s32 $0x9980  }
0x1f7: {  	[tilespmem:s16], [sflag:$0x2] =	stream.indirect_vreg.gather [hbm4b:s6+s3], $0x80, v3, vm0, $0xb8;
	[tilespmem:$0xC180] =	vst v63  }
0x1f8: {  	v3 =	vld.msk [tilespmem:$0x118], $0xff;
	_ =	sdelay $0x4  }
0x1f9: {  	v61 =	vshll.u32 v3, $0x3  }
0x1fa: {  	v3 =	vand.u32 $0x7, v3;
	v4 =	vand.u32 $0xFFFFFFC0, v61  }
0x1fb: {  	v3 =	vor.u32 v3, v4  }
0x1fc: {  	v3 =	vperm.xlane v3, v0;
	_ =	sdelay $0x1  }
0x1fd: {  	v3 =	vadd.s32 v1, v3;
	_ =	sdelay $0x3  }
0x1fe: {  	s2 =	simm.s32 $0xA180  }
0x1ff: {  	[tilespmem:s2], [sflag:$0x2] =	stream.indirect_vreg.gather [hbm4b:s1+s3], $0x80, v3, vm0, $0xb8;
	[tilespmem:$0xC180] =	vst v63  }
0x200: {  	s21 =	simm.s32 $0xA980  }
0x201: {  	[tilespmem:s21], [sflag:$0x2] =	stream.indirect_vreg.gather [hbm4b:s4+s3], $0x80, v3, vm0, $0xb8;
	[tilespmem:$0xC180] =	vst v63  }
0x202: {  	s10 =	simm.s32 $0xB180  }
0x203: {  	[tilespmem:s10], [sflag:$0x2] =	stream.indirect_vreg.gather [hbm4b:s5+s3], $0x80, v3, vm0, $0xb8;
	[tilespmem:$0xC180] =	vst v63  }
0x204: {  	s16 =	simm.s32 $0xB980  }
0x205: {  	[tilespmem:s16], [sflag:$0x2] =	stream.indirect_vreg.gather [hbm4b:s6+s3], $0x80, v3, vm0, $0xb8;
	[tilespmem:$0xC180] =	vst v63  }
0x206: {  	_ =	swait.ge [sflag:s8], $0x6000  }
0x207: {  	[sflag:s8] =	ssyncset.done $0x0  }
0x208: {  	s21 =	rddreg [dreg:$0xf];
	[sflag:s8] =	ssyncadd.s32 $0xFFFFA000  }
0x209: {  	[hbm4b:s21+s3] =	stream.linear.scatter [tilespmem:s9], [sflag:$0x3], $0x6000, $0x38;
	[tilespmem:$0xC180] =	vst v63  }
0x20a: {  	_ =	swait.ge [sflag:s22], $0x6000  }
0x20b: {  	[sflag:s22] =	ssyncset.done $0x0  }
0x20c: {  	[sflag:s22] =	ssyncadd.s32 $0xFFFFA000  }
0x20d: {  	v3 =	vld [tilespmem:$0x120];
	_ =	sdelay $0x4  }
0x20e: {  	v62 =	vshll.u32 v3, $0x3  }
0x20f: {  	v3 =	vand.u32 $0x7, v3;
	v4 =	vand.u32 $0xFFFFFFC0, v62  }
0x210: {  	v3 =	vor.u32 v3, v4  }
0x211: {  	v4 =	vperm.xlane v3, v0;
	_ =	sdelay $0x1  }
0x212: {  	v4 =	vadd.s32 v1, v4;
	_ =	sdelay $0x4  }
0x213: {  	[tilespmem:s9], [sflag:$0x1] =	stream.indirect_vreg.gather [hbm4b:s1+s3], $0x80, v4, vm0, $0xb8;
	[tilespmem:$0xC180] =	vst v63  }
0x214: {  	s30 =	simm.s32 $0x980;
	v3 =	vperm.xlane v3, v2  }
0x215: {  	[tilespmem:s30], [sflag:$0x1] =	stream.indirect_vreg.gather [hbm4b:s4+s3], $0x80, v4, vm0, $0xb8;
	[tilespmem:$0xC180] =	vst v63  }
0x216: {  	s20 =	simm.s32 $0x1180;
	v3 =	vadd.s32 v1, v3  }
0x217: {  	[tilespmem:s20], [sflag:$0x1] =	stream.indirect_vreg.gather [hbm4b:s5+s3], $0x80, v4, vm0, $0xb8;
	[tilespmem:$0xC180] =	vst v63  }
0x218: {  	s26 =	simm.s32 $0x1980  }
0x219: {  	[tilespmem:s26], [sflag:$0x1] =	stream.indirect_vreg.gather [hbm4b:s6+s3], $0x80, v4, vm0, $0xb8;
	[tilespmem:$0xC180] =	vst v63  }
0x21a: {  	s18 =	simm.s32 $0x2180  }
0x21b: {  	[tilespmem:s18], [sflag:$0x1] =	stream.indirect_vreg.gather [hbm4b:s1+s3], $0x80, v3, vm0, $0xb8;
	[tilespmem:$0xC180] =	vst v63  }
0x21c: {  	s17 =	simm.s32 $0x2980  }
0x21d: {  	[tilespmem:s17], [sflag:$0x1] =	stream.indirect_vreg.gather [hbm4b:s4+s3], $0x80, v3, vm0, $0xb8;
	[tilespmem:$0xC180] =	vst v63  }
0x21e: {  	s26 =	simm.s32 $0x3180  }
0x21f: {  	[tilespmem:s26], [sflag:$0x1] =	stream.indirect_vreg.gather [hbm4b:s5+s3], $0x80, v3, vm0, $0xb8;
	[tilespmem:$0xC180] =	vst v63  }
0x220: {  	s19 =	simm.s32 $0x3980  }
0x221: {  	[tilespmem:s19], [sflag:$0x1] =	stream.indirect_vreg.gather [hbm4b:s6+s3], $0x80, v3, vm0, $0xb8;
	[tilespmem:$0xC180] =	vst v63  }
0x222: {  	v3 =	vld.msk [tilespmem:$0x130], $0xff;
	_ =	sdelay $0x4  }
0x223: {  	v63 =	vshll.u32 v3, $0x3  }
0x224: {  	v3 =	vand.u32 $0x7, v3;
	v4 =	vand.u32 $0xFFFFFFC0, v63  }
0x225: {  	v3 =	vor.u32 v3, v4  }
0x226: {  	v3 =	vperm.xlane v3, v0;
	_ =	sdelay $0x1  }
0x227: {  	v3 =	vadd.s32 v1, v3;
	_ =	sdelay $0x3  }
0x228: {  	s31 =	simm.s32 $0x4180  }
0x229: {  	[tilespmem:s31], [sflag:$0x1] =	stream.indirect_vreg.gather [hbm4b:s1+s3], $0x80, v3, vm0, $0xb8;
	[tilespmem:$0xC180] =	vst v63  }
0x22a: {  	s29 =	simm.s32 $0x4980  }
0x22b: {  	[tilespmem:s29], [sflag:$0x1] =	stream.indirect_vreg.gather [hbm4b:s4+s3], $0x80, v3, vm0, $0xb8;
	[tilespmem:$0xC180] =	vst v63  }
0x22c: {  	s14 =	simm.s32 $0x5180  }
0x22d: {  	[tilespmem:s14], [sflag:$0x1] =	stream.indirect_vreg.gather [hbm4b:s5+s3], $0x80, v3, vm0, $0xb8;
	[tilespmem:$0xC180] =	vst v63  }
0x22e: {  	s15 =	simm.s32 $0x5980  }
0x22f: {  	[tilespmem:s15], [sflag:$0x1] =	stream.indirect_vreg.gather [hbm4b:s6+s3], $0x80, v3, vm0, $0xb8;
	[tilespmem:$0xC180] =	vst v63  }
0x230: {  	_ =	swait.ge [sflag:s23], $0x6000  }
0x231: {  	[sflag:s23] =	ssyncset.done $0x0  }
0x232: {  	s30 =	rddreg [dreg:$0x10];
	[sflag:s23] =	ssyncadd.s32 $0xFFFFA000  }
0x233: {  	[hbm4b:s30+s3] =	stream.linear.scatter [tilespmem:s28], [sflag:$0x4], $0x6000, $0x38;
	[tilespmem:$0xC180] =	vst v63  }
0x234: {  	_ =	swait.ge [sflag:s8], $0x6000  }
0x235: {  	[sflag:s8] =	ssyncset.done $0x0  }
0x236: {  	s31 =	rddreg [dreg:$0x11];
	[sflag:s8] =	ssyncadd.s32 $0xFFFFA000  }
0x237: {  	[hbm4b:s31+s3] =	stream.linear.scatter [tilespmem:s9], [sflag:$0x3], $0x6000, $0x38;
	[tilespmem:$0xC180] =	vst v63  }
0x238: {  	p0 =	sne.s32 s7, $0x1;
	_ =	swait.ge [sflag:s24], $0x6000  }
.Ltmp0:
0x239: {  	[sflag:s24] =	ssyncset.done $0x0;
	(pc) =	sbr.rel @p0 .LBB2_1-.Ltmp0, $4  }
0x23a: {  	[sflag:s24] =	ssyncadd.s32 $0xFFFFA000  }
0x23b: {  	_ =	swait.ge [sflag:s22], $0x6000  }
0x23c: {  	[sflag:s22] =	ssyncset.done $0x0  }
0x23d: {  	s7 =	sadd.s32 $0xFFFFFFFF, s7;
	[sflag:s22] =	ssyncadd.s32 $0xFFFFA000  }
0x23e: {  	_ =	sfence.sel $0x180000  }
0x23f: {  	[bflag:$0x0] =	sbarrier.arrive $0xFFFF  }
0x240: {  	_ =	strace $0x90000047  }
0x241: {  	s0 =	stileid.u32;
	[bflag:$0x2] =	sbarrier.arrive $0xFFFF  }
0x242: {  	p0 =	sne.s32 s0, $0x0;
	s0 =	rddreg [dreg:$0x3]  }
0x243: {  	s0 =	sadd.s32 @!p0 $0x100000, s0  }
0x244: {  	[sflag:s0] =	ssyncadd.tile.s32 @!p0 $0x1;
	_ =	shalt  }
.Lfunc_end2:
_tile_overlayer_lowered:
.L_overlay_start_2:
0x245: {  	(tag) =	ssettag $0x2  }
0x246: {  	s0 =	rddreg [dreg:$0x0];
	s2 =	stileid.u32  }
0x247: {  	s1 =	rddreg [dreg:$0x1];
	p0 =	sne.s32 s2, $0x0  }
0x248: {  	s3 =	rddreg [dreg:$0x2];
	[bflag:$0x3] =	sbarrier.arrive $0xFFFF;
	s2 =	simm.s32 @!p0 $0x1C05  }
0x249: {  	[timem:s3], [sflag:s2] =	dma.local @!p0 [hbm:s0], s1  }
0x24a: {  	s0 =	simm.s32 @!p0 $0x5  }
0x24b: {  	_ =	swait.ge @!p0 [sflag:s0], s1  }
0x24c: {  	s1 =	ssub.s32 @!p0 $0x0, s1;
	[sflag:s0] =	ssyncset.done @!p0 $0x0  }
0x24d: {  	[sflag:s0] =	ssyncadd.s32 @!p0 s1  }
0x24e: {  	[bflag:$0x3] =	sbarrier.arrive $0xFFFF  }
0x24f: {  	_ =	shalt  }

</sc_bundles>
